<compile_context>
chip_gen: v7x
topology: tpu7x:2x2x1
jax: 0.10.2.dev20260603
libtpu: 0.0.44.dev20260713+nightly
codegen_flags: <defaults>
</compile_context>

<pallas_src>
import functools

import jax
import jax.numpy as jnp
from jax import lax
from jax.experimental import pallas as pl
from jax.experimental.pallas import tpu as pltpu
from jax.experimental.pallas import tpu_sc as plsc

_LANES = 16
_NC = 2
_NS = 16
_NW = _NC * _NS
_CHUNK = 8
_TILE = 128


def _make_center_loss(batch, feat):
    b_per_w = batch // _NW
    n_pairs = b_per_w // (2 * _CHUNK)
    jbs = feat // 8
    mesh = plsc.VectorSubcoreMesh(core_axis_name="c", subcore_axis_name="s")

    @functools.partial(
        pl.kernel,
        mesh=mesh,
        out_type=jax.ShapeDtypeStruct((_NW * _LANES // _TILE, _TILE),
                                      jnp.float32),
        scratch_types=[
            pltpu.VMEM((b_per_w * _LANES,), jnp.int32),
            pltpu.VMEM((b_per_w * feat,), jnp.float32),
            pltpu.VMEM((2, _CHUNK, jbs, 8, _TILE), jnp.float32),
            pltpu.VMEM((_LANES,), jnp.float32),
            pltpu.SemaphoreType.DMA,
            pltpu.SemaphoreType.DMA,
            pltpu.SemaphoreType.DMA,
        ],
    )
    def center_loss(lab_hbm, feat_f_hbm, cent_hbm, out_hbm,
                    lab_v, ff_v, ring_v, acc_v, gsem0, gsem1, fsem):
        wid = lax.axis_index("s") * _NC + lax.axis_index("c")
        base = wid * b_per_w

        pltpu.sync_copy(
            lab_hbm.at[pl.ds(base * _LANES, b_per_w * _LANES)], lab_v)
        fcp = pltpu.async_copy(
            feat_f_hbm.at[pl.ds(base * feat, b_per_w * feat)], ff_v, fsem)
        gsems = (gsem0, gsem1)
        iot = lax.iota(jnp.int32, _LANES)
        iotf = iot.astype(jnp.float32)

        def lab_at(k):
            off = pl.multiple_of(k * _LANES, _LANES)
            return lab_v[pl.ds(off, _LANES)][0]

        def col128(k):
            return pl.multiple_of((lab_at(k) >> 7) * _TILE, _TILE)

        def fire(c, slot):
            def fi(i, carry):
                pltpu.async_copy(
                    cent_hbm.at[:, :, pl.ds(col128(c * _CHUNK + i), _TILE)],
                    ring_v.at[slot, i], gsems[slot])
                return carry

            lax.fori_loop(0, _CHUNK, fi, 0)

        def drain(c, slot):
            def di(i, carry):
                pltpu.make_async_copy(
                    cent_hbm.at[:, :, pl.ds(col128(c * _CHUNK + i), _TILE)],
                    ring_v.at[slot, i], gsems[slot]).wait()
                return carry

            lax.fori_loop(0, _CHUNK, di, 0)

        def compute(c, slot, acc0, acc1):
            def li_body(i, accs):
                a0, a1 = accs
                k = c * _CHUNK + i
                li = lab_at(k) & (_TILE - 1)
                li16 = pl.multiple_of(li & -_LANES, _LANES)
                lif = jnp.full((_LANES,), li & (_LANES - 1),
                               jnp.int32).astype(jnp.float32)
                ohl = jnp.maximum(1.0 - jnp.abs(iotf - lif), 0.0)
                k32 = pl.multiple_of(k * feat, _LANES)
                flo = ff_v[pl.ds(k32, _LANES)]
                fhi = ff_v[pl.ds(k32 + _LANES, _LANES)]

                z = jnp.zeros((_LANES,), jnp.float32)
                sc2, w = z, z
                for jb in range(jbs):
                    vf = flo if jb < jbs // 2 else fhi
                    for jj in range(8):
                        vc = ring_v[slot, i, jb, jj, pl.ds(li16, _LANES)]
                        u = vc * ohl
                        sc2 = sc2 + u * u
                        w = w + vf[(jb % 2) * 8 + jj] * vc
                a0 = a0 + flo * flo + fhi * fhi + sc2
                a1 = a1 - 2.0 * (w * ohl)
                return a0, a1

            return lax.fori_loop(0, _CHUNK, li_body, (acc0, acc1))

        def body(p, accs):
            acc0, acc1 = accs
            c0 = p * 2
            drain(c0, 0)
            acc0, acc1 = compute(c0, 0, acc0, acc1)

            @pl.when(p + 1 < n_pairs)
            def _():
                fire(c0 + 2, 0)

            drain(c0 + 1, 1)
            acc0, acc1 = compute(c0 + 1, 1, acc0, acc1)

            @pl.when(p + 1 < n_pairs)
            def _():
                fire(c0 + 3, 1)

            return acc0, acc1

        fire(0, 0)
        fire(1, 1)
        fcp.wait()
        zero = jnp.zeros((_LANES,), jnp.float32)
        acc0, acc1 = lax.fori_loop(0, n_pairs, body, (zero, zero))
        acc_v[...] = acc0 + acc1
        pltpu.sync_copy(
            acc_v,
            out_hbm.at[wid // 8, pl.ds((wid % 8) * _LANES, _LANES)])

    return center_loss


@jax.jit
def kernel(features, labels, centers):
    batch, feat = features.shape
    cent3 = centers.T.reshape(feat // 8, 8, centers.shape[0])
    lab_rep = jnp.repeat(labels.astype(jnp.int32), _LANES)
    partials = _make_center_loss(batch, feat)(
        lab_rep, features.reshape(-1), cent3)
    return jnp.sum(partials) / batch

# --- scband reference (transcript-rebuilt; emitter-appended) ---
"""Pipeline reference for scband-center-loss-27023934227263 (READ-ONLY COPY).

The authoritative reference and input builder live on the scoring server;
editing this copy changes nothing except your own understanding.
"""

import jax, jax.numpy as jnp
import numpy as np

FEAT_DIM = 32
NUM_CLASSES = 1000000
BATCH = 16384

def setup_inputs(seed: int = 0) -> dict:
    key = jax.random.key(seed)
    k1, k2, k3 = jax.random.split(key, 3)
    features = jax.random.normal(k1, (BATCH, FEAT_DIM), dtype=jnp.float32)
    labels = jax.random.randint(k2, (BATCH,), 0, NUM_CLASSES, dtype=jnp.int64 if jax.config.jax_enable_x64 else jnp.int32)
    centers = jax.random.normal(k3, (NUM_CLASSES, FEAT_DIM), dtype=jnp.float32)
    return {"features": features, "labels": labels, "centers": centers}

def reference(features, labels, centers):
    centers_batch = jnp.take(centers, labels, axis=0)
    diff = features - centers_batch
    loss = jnp.mean(jnp.sum(diff * diff, axis=1))
    return loss

if __name__ == "__main__":
    import jax
    _d = setup_inputs()
    print(jax.jit(kernel)(*tuple(_d.values())))

</pallas_src>

<mosaic_0001>
#map = affine_map<(d0, d1) -> (0)>
#map1 = affine_map<(d0, d1) -> (0, 0, 0)>
#map2 = affine_map<(d0, d1) -> (0, 0)>
module attributes {stable_mosaic.version = 14 : i64} {
  func.func @center_loss(%arg0: i32, %arg1: i32, %arg2: memref<262144xi32, #tpu.memory_space<hbm>>, %arg3: memref<524288xf32, #tpu.memory_space<hbm>>, %arg4: memref<4x8x1000000xf32, #tpu.memory_space<hbm>>, %arg5: memref<4x128xf32, #tpu.memory_space<hbm>>, %arg6: memref<8192xi32, #tpu.memory_space<vmem>>, %arg7: memref<16384xf32, #tpu.memory_space<vmem>>, %arg8: memref<2x8x4x8x128xf32, #tpu.memory_space<vmem>>, %arg9: memref<16xf32, #tpu.memory_space<vmem>>, %arg10: memref<!tpu.dma_semaphore, #tpu.memory_space<semaphore_mem>>, %arg11: memref<!tpu.dma_semaphore, #tpu.memory_space<semaphore_mem>>, %arg12: memref<!tpu.dma_semaphore, #tpu.memory_space<semaphore_mem>>) attributes {dimension_semantics = [#tpu.dimension_semantics<core_parallel>, #tpu.dimension_semantics<subcore_parallel>], iteration_bounds = array<i64: 2, 16>, scalar_prefetch = 0 : i64, scratch_operands = 7 : i64, tpu.core_type = #tpu.core_type<sc_vector_subcore>, window_params = [{transform_indices = #map}, {transform_indices = #map}, {transform_indices = #map1}, {transform_indices = #map2}]} {
    %mul3A = arith.constant 2 : i32
    %mul3A_0 = arith.muli %arg1, %mul3A : i32
    %add3A = arith.addi %mul3A_0, %arg0 : i32
    %mul3A_1 = arith.constant 512 : i32
    %mul3A_2 = arith.muli %add3A, %mul3A_1 : i32
    %mul3A_3 = arith.constant 16 : i32
    %mul3A_4 = arith.muli %mul3A_2, %mul3A_3 : i32
    "tpu.region"() ({
      %run_scoped3A = tpu.sem_alloc : memref<!tpu.dma_semaphore, #tpu.memory_space<semaphore_mem>>
      %dma_start3A_63 = tpu.memref_slice %arg2[%mul3A_4] : memref<262144xi32, #tpu.memory_space<hbm>> -> memref<8192xi32, #tpu.memory_space<hbm>>
      %dma_start3A_64 = tpu.memref_slice %arg2[%mul3A_4] : memref<262144xi32, #tpu.memory_space<hbm>> -> memref<8192xi32, #tpu.memory_space<hbm>>
      tpu.enqueue_dma source(%dma_start3A_64 : memref<8192xi32, #tpu.memory_space<hbm>>) target(%arg6 : memref<8192xi32, #tpu.memory_space<vmem>>) target_semaphore(%run_scoped3A : memref<!tpu.dma_semaphore, #tpu.memory_space<semaphore_mem>>)
      %dma_wait3A_65 = tpu.memref_slice %arg2[%mul3A_4] : memref<262144xi32, #tpu.memory_space<hbm>> -> memref<8192xi32, #tpu.memory_space<hbm>>
      %dma_wait3A_66 = tpu.memref_slice %arg2[%mul3A_4] : memref<262144xi32, #tpu.memory_space<hbm>> -> memref<8192xi32, #tpu.memory_space<hbm>>
      tpu.wait_dma2 semaphore(%run_scoped3A : memref<!tpu.dma_semaphore, #tpu.memory_space<semaphore_mem>>) src(%dma_wait3A_66 : memref<8192xi32, #tpu.memory_space<hbm>>) dst(%arg6 : memref<8192xi32, #tpu.memory_space<vmem>>)
      tpu.yield
    }) : () -> ()
    %mul3A_5 = arith.constant 32 : i32
    %mul3A_6 = arith.muli %mul3A_2, %mul3A_5 : i32
    %dma_start3A = tpu.memref_slice %arg3[%mul3A_6] : memref<524288xf32, #tpu.memory_space<hbm>> -> memref<16384xf32, #tpu.memory_space<hbm>>
    %dma_start3A_7 = tpu.memref_slice %arg3[%mul3A_6] : memref<524288xf32, #tpu.memory_space<hbm>> -> memref<16384xf32, #tpu.memory_space<hbm>>
    tpu.enqueue_dma source(%dma_start3A_7 : memref<16384xf32, #tpu.memory_space<hbm>>) target(%arg7 : memref<16384xf32, #tpu.memory_space<vmem>>) target_semaphore(%arg12 : memref<!tpu.dma_semaphore, #tpu.memory_space<semaphore_mem>>)
    %iota3A = tpu.iota {dimensions = array<i32: 0>} : vector<16xi32>
    %convert_element_type3A = arith.sitofp %iota3A : vector<16xi32> to vector<16xf32>
    %scan3A = arith.constant 0 : i32
    %scan3A_8 = arith.constant 0 : i32
    %scan3A_9 = arith.constant 8 : i32
    %scan3A_10 = arith.addi %scan3A_8, %scan3A_9 : i32
    %scan3A_11 = arith.constant 1 : i32
    scf.for %scan3A_63 = %scan3A_8 to %scan3A_10 step %scan3A_11  : i32 {
      %add3A_64 = arith.constant 0 : i32
      %add3A_65 = arith.addi %add3A_64, %scan3A_63 : i32
      %mul3A_66 = arith.constant 16 : i32
      %mul3A_67 = arith.muli %add3A_65, %mul3A_66 : i32
      %multiple_of3A = tpu.assume_multiple %mul3A_67, 16 : i32
      %get3A = arith.index_cast %multiple_of3A : i32 to index
      %get3A_68 = tpu.vector_load %arg6[%get3A] {strides = array<i32>} : memref<8192xi32, #tpu.memory_space<vmem>>, vector<16xi32>,
      %get3A_69 = vector.shape_cast %get3A_68 : vector<16xi32> to vector<16xi32>
      %slice3A = vector.extract_strided_slice %get3A_69 {offsets = [0], sizes = [1], strides = [1]} : vector<16xi32> to vector<1xi32>
      %squeeze3A = vector.extract %slice3A[0] : i32 from vector<1xi32>
      %shift_right_arithmetic3A = arith.constant 7 : i32
      %shift_right_arithmetic3A_70 = arith.shrsi %squeeze3A, %shift_right_arithmetic3A : i32
      %mul3A_71 = arith.constant 128 : i32
      %mul3A_72 = arith.muli %shift_right_arithmetic3A_70, %mul3A_71 : i32
      %multiple_of3A_73 = tpu.assume_multiple %mul3A_72, 128 : i32
      %dma_start3A_74 = arith.constant 0 : i32
      %dma_start3A_75 = arith.constant 0 : i32
      %dma_start3A_76 = arith.constant 0 : i32
      %dma_start3A_77 = arith.constant 0 : i32
      %dma_start3A_78 = tpu.memref_slice %arg8[%dma_start3A_74, %scan3A_63, %dma_start3A_75, %dma_start3A_76, %dma_start3A_77] : memref<2x8x4x8x128xf32, #tpu.memory_space<vmem>> -> memref<1x1x4x8x128xf32, #tpu.memory_space<vmem>>
      %dma_start3A_79 = tpu.memref_squeeze %dma_start3A_78 : memref<1x1x4x8x128xf32, #tpu.memory_space<vmem>> -> memref<4x8x128xf32, #tpu.memory_space<vmem>>
      %dma_start3A_80 = arith.constant 0 : i32
      %dma_start3A_81 = arith.constant 0 : i32
      %dma_start3A_82 = tpu.memref_slice %arg4[%dma_start3A_80, %dma_start3A_81, %multiple_of3A_73] : memref<4x8x1000000xf32, #tpu.memory_space<hbm>> -> memref<4x8x128xf32, #tpu.memory_space<hbm>>
      %dma_start3A_83 = arith.constant 0 : i32
      %dma_start3A_84 = arith.constant 0 : i32
      %dma_start3A_85 = arith.constant 0 : i32
      %dma_start3A_86 = tpu.memref_slice %arg8[%dma_start3A_74, %scan3A_63, %dma_start3A_83, %dma_start3A_84, %dma_start3A_85] : memref<2x8x4x8x128xf32, #tpu.memory_space<vmem>> -> memref<1x1x4x8x128xf32, #tpu.memory_space<vmem>>
      %dma_start3A_87 = tpu.memref_squeeze %dma_start3A_86 : memref<1x1x4x8x128xf32, #tpu.memory_space<vmem>> -> memref<4x8x128xf32, #tpu.memory_space<vmem>>
      %dma_start3A_88 = arith.constant 0 : i32
      %dma_start3A_89 = arith.constant 0 : i32
      %dma_start3A_90 = tpu.memref_slice %arg4[%dma_start3A_88, %dma_start3A_89, %multiple_of3A_73] : memref<4x8x1000000xf32, #tpu.memory_space<hbm>> -> memref<4x8x128xf32, #tpu.memory_space<hbm>>
      tpu.enqueue_dma source(%dma_start3A_90 : memref<4x8x128xf32, #tpu.memory_space<hbm>>) target(%dma_start3A_87 : memref<4x8x128xf32, #tpu.memory_space<vmem>>) target_semaphore(%arg10 : memref<!tpu.dma_semaphore, #tpu.memory_space<semaphore_mem>>)
    }
    %scan3A_12 = arith.constant 8 : i32
    %scan3A_13 = arith.constant 0 : i32
    %scan3A_14 = arith.constant 0 : i32
    %scan3A_15 = arith.constant 8 : i32
    %scan3A_16 = arith.addi %scan3A_14, %scan3A_15 : i32
    %scan3A_17 = arith.constant 1 : i32
    scf.for %scan3A_63 = %scan3A_14 to %scan3A_16 step %scan3A_17  : i32 {
      %add3A_64 = arith.constant 8 : i32
      %add3A_65 = arith.addi %add3A_64, %scan3A_63 : i32
      %mul3A_66 = arith.constant 16 : i32
      %mul3A_67 = arith.muli %add3A_65, %mul3A_66 : i32
      %multiple_of3A = tpu.assume_multiple %mul3A_67, 16 : i32
      %get3A = arith.index_cast %multiple_of3A : i32 to index
      %get3A_68 = tpu.vector_load %arg6[%get3A] {strides = array<i32>} : memref<8192xi32, #tpu.memory_space<vmem>>, vector<16xi32>,
      %get3A_69 = vector.shape_cast %get3A_68 : vector<16xi32> to vector<16xi32>
      %slice3A = vector.extract_strided_slice %get3A_69 {offsets = [0], sizes = [1], strides = [1]} : vector<16xi32> to vector<1xi32>
      %squeeze3A = vector.extract %slice3A[0] : i32 from vector<1xi32>
      %shift_right_arithmetic3A = arith.constant 7 : i32
      %shift_right_arithmetic3A_70 = arith.shrsi %squeeze3A, %shift_right_arithmetic3A : i32
      %mul3A_71 = arith.constant 128 : i32
      %mul3A_72 = arith.muli %shift_right_arithmetic3A_70, %mul3A_71 : i32
      %multiple_of3A_73 = tpu.assume_multiple %mul3A_72, 128 : i32
      %dma_start3A_74 = arith.constant 1 : i32
      %dma_start3A_75 = arith.constant 0 : i32
      %dma_start3A_76 = arith.constant 0 : i32
      %dma_start3A_77 = arith.constant 0 : i32
      %dma_start3A_78 = tpu.memref_slice %arg8[%dma_start3A_74, %scan3A_63, %dma_start3A_75, %dma_start3A_76, %dma_start3A_77] : memref<2x8x4x8x128xf32, #tpu.memory_space<vmem>> -> memref<1x1x4x8x128xf32, #tpu.memory_space<vmem>>
      %dma_start3A_79 = tpu.memref_squeeze %dma_start3A_78 : memref<1x1x4x8x128xf32, #tpu.memory_space<vmem>> -> memref<4x8x128xf32, #tpu.memory_space<vmem>>
      %dma_start3A_80 = arith.constant 0 : i32
      %dma_start3A_81 = arith.constant 0 : i32
      %dma_start3A_82 = tpu.memref_slice %arg4[%dma_start3A_80, %dma_start3A_81, %multiple_of3A_73] : memref<4x8x1000000xf32, #tpu.memory_space<hbm>> -> memref<4x8x128xf32, #tpu.memory_space<hbm>>
      %dma_start3A_83 = arith.constant 0 : i32
      %dma_start3A_84 = arith.constant 0 : i32
      %dma_start3A_85 = arith.constant 0 : i32
      %dma_start3A_86 = tpu.memref_slice %arg8[%dma_start3A_74, %scan3A_63, %dma_start3A_83, %dma_start3A_84, %dma_start3A_85] : memref<2x8x4x8x128xf32, #tpu.memory_space<vmem>> -> memref<1x1x4x8x128xf32, #tpu.memory_space<vmem>>
      %dma_start3A_87 = tpu.memref_squeeze %dma_start3A_86 : memref<1x1x4x8x128xf32, #tpu.memory_space<vmem>> -> memref<4x8x128xf32, #tpu.memory_space<vmem>>
      %dma_start3A_88 = arith.constant 0 : i32
      %dma_start3A_89 = arith.constant 0 : i32
      %dma_start3A_90 = tpu.memref_slice %arg4[%dma_start3A_88, %dma_start3A_89, %multiple_of3A_73] : memref<4x8x1000000xf32, #tpu.memory_space<hbm>> -> memref<4x8x128xf32, #tpu.memory_space<hbm>>
      tpu.enqueue_dma source(%dma_start3A_90 : memref<4x8x128xf32, #tpu.memory_space<hbm>>) target(%dma_start3A_87 : memref<4x8x128xf32, #tpu.memory_space<vmem>>) target_semaphore(%arg11 : memref<!tpu.dma_semaphore, #tpu.memory_space<semaphore_mem>>)
    }
    %scan3A_18 = arith.constant 8 : i32
    %dma_wait3A = tpu.memref_slice %arg3[%mul3A_6] : memref<524288xf32, #tpu.memory_space<hbm>> -> memref<16384xf32, #tpu.memory_space<hbm>>
    %dma_wait3A_19 = tpu.memref_slice %arg3[%mul3A_6] : memref<524288xf32, #tpu.memory_space<hbm>> -> memref<16384xf32, #tpu.memory_space<hbm>>
    tpu.wait_dma2 semaphore(%arg12 : memref<!tpu.dma_semaphore, #tpu.memory_space<semaphore_mem>>) src(%dma_wait3A_19 : memref<16384xf32, #tpu.memory_space<hbm>>) dst(%arg7 : memref<16384xf32, #tpu.memory_space<vmem>>)
    %broadcast_in_dim3A = arith.constant 0.000000e+00 : f32
    %broadcast_in_dim3A_20 = vector.broadcast %broadcast_in_dim3A : f32 to vector<16xf32>
    %scan3A_21 = arith.constant 0 : i32
    %scan3A_22 = arith.constant 32 : i32
    %scan3A_23 = arith.addi %scan3A_21, %scan3A_22 : i32
    %scan3A_24 = arith.constant 1 : i32
    %scan3A_25:2 = scf.for %scan3A_63 = %scan3A_21 to %scan3A_23 step %scan3A_24 iter_args(%scan3A_64 = %broadcast_in_dim3A_20, %scan3A_65 = %broadcast_in_dim3A_20) -> (vector<16xf32>, vector<16xf32>)  : i32 {
      %mul3A_66 = arith.constant 2 : i32
      %mul3A_67 = arith.muli %scan3A_63, %mul3A_66 : i32
      %scan3A_68 = arith.constant 0 : i32
      %scan3A_69 = arith.constant 0 : i32
      %scan3A_70 = arith.constant 8 : i32
      %scan3A_71 = arith.addi %scan3A_69, %scan3A_70 : i32
      %scan3A_72 = arith.constant 1 : i32
      scf.for %scan3A_109 = %scan3A_69 to %scan3A_71 step %scan3A_72  : i32 {
        %mul3A_110 = arith.constant 8 : i32
        %mul3A_111 = arith.muli %mul3A_67, %mul3A_110 : i32
        %add3A_112 = arith.addi %mul3A_111, %scan3A_109 : i32
        %mul3A_113 = arith.constant 16 : i32
        %mul3A_114 = arith.muli %add3A_112, %mul3A_113 : i32
        %multiple_of3A = tpu.assume_multiple %mul3A_114, 16 : i32
        %get3A = arith.index_cast %multiple_of3A : i32 to index
        %get3A_115 = tpu.vector_load %arg6[%get3A] {strides = array<i32>} : memref<8192xi32, #tpu.memory_space<vmem>>, vector<16xi32>,
        %get3A_116 = vector.shape_cast %get3A_115 : vector<16xi32> to vector<16xi32>
        %slice3A = vector.extract_strided_slice %get3A_116 {offsets = [0], sizes = [1], strides = [1]} : vector<16xi32> to vector<1xi32>
        %squeeze3A = vector.extract %slice3A[0] : i32 from vector<1xi32>
        %shift_right_arithmetic3A = arith.constant 7 : i32
        %shift_right_arithmetic3A_117 = arith.shrsi %squeeze3A, %shift_right_arithmetic3A : i32
        %mul3A_118 = arith.constant 128 : i32
        %mul3A_119 = arith.muli %shift_right_arithmetic3A_117, %mul3A_118 : i32
        %multiple_of3A_120 = tpu.assume_multiple %mul3A_119, 128 : i32
        %dma_wait3A_121 = arith.constant 0 : i32
        %dma_wait3A_122 = arith.constant 0 : i32
        %dma_wait3A_123 = arith.constant 0 : i32
        %dma_wait3A_124 = arith.constant 0 : i32
        %dma_wait3A_125 = tpu.memref_slice %arg8[%dma_wait3A_121, %scan3A_109, %dma_wait3A_122, %dma_wait3A_123, %dma_wait3A_124] : memref<2x8x4x8x128xf32, #tpu.memory_space<vmem>> -> memref<1x1x4x8x128xf32, #tpu.memory_space<vmem>>
        %dma_wait3A_126 = tpu.memref_squeeze %dma_wait3A_125 : memref<1x1x4x8x128xf32, #tpu.memory_space<vmem>> -> memref<4x8x128xf32, #tpu.memory_space<vmem>>
        %dma_wait3A_127 = arith.constant 0 : i32
        %dma_wait3A_128 = arith.constant 0 : i32
        %dma_wait3A_129 = tpu.memref_slice %arg4[%dma_wait3A_127, %dma_wait3A_128, %multiple_of3A_120] : memref<4x8x1000000xf32, #tpu.memory_space<hbm>> -> memref<4x8x128xf32, #tpu.memory_space<hbm>>
        %dma_wait3A_130 = arith.constant 0 : i32
        %dma_wait3A_131 = arith.constant 0 : i32
        %dma_wait3A_132 = arith.constant 0 : i32
        %dma_wait3A_133 = tpu.memref_slice %arg8[%dma_wait3A_121, %scan3A_109, %dma_wait3A_130, %dma_wait3A_131, %dma_wait3A_132] : memref<2x8x4x8x128xf32, #tpu.memory_space<vmem>> -> memref<1x1x4x8x128xf32, #tpu.memory_space<vmem>>
        %dma_wait3A_134 = tpu.memref_squeeze %dma_wait3A_133 : memref<1x1x4x8x128xf32, #tpu.memory_space<vmem>> -> memref<4x8x128xf32, #tpu.memory_space<vmem>>
        %dma_wait3A_135 = arith.constant 0 : i32
        %dma_wait3A_136 = arith.constant 0 : i32
        %dma_wait3A_137 = tpu.memref_slice %arg4[%dma_wait3A_135, %dma_wait3A_136, %multiple_of3A_120] : memref<4x8x1000000xf32, #tpu.memory_space<hbm>> -> memref<4x8x128xf32, #tpu.memory_space<hbm>>
        tpu.wait_dma2 semaphore(%arg10 : memref<!tpu.dma_semaphore, #tpu.memory_space<semaphore_mem>>) src(%dma_wait3A_137 : memref<4x8x128xf32, #tpu.memory_space<hbm>>) dst(%dma_wait3A_134 : memref<4x8x128xf32, #tpu.memory_space<vmem>>)
      }
      %scan3A_73 = arith.constant 8 : i32
      %scan3A_74 = arith.constant 0 : i32
      %scan3A_75 = arith.constant 8 : i32
      %scan3A_76 = arith.addi %scan3A_74, %scan3A_75 : i32
      %scan3A_77 = arith.constant 1 : i32
      %scan3A_78:2 = scf.for %scan3A_109 = %scan3A_74 to %scan3A_76 step %scan3A_77 iter_args(%scan3A_110 = %scan3A_64, %scan3A_111 = %scan3A_65) -> (vector<16xf32>, vector<16xf32>)  : i32 {
        %mul3A_112 = arith.constant 8 : i32
        %mul3A_113 = arith.muli %mul3A_67, %mul3A_112 : i32
        %add3A_114 = arith.addi %mul3A_113, %scan3A_109 : i32
        %mul3A_115 = arith.constant 16 : i32
        %mul3A_116 = arith.muli %add3A_114, %mul3A_115 : i32
        %multiple_of3A = tpu.assume_multiple %mul3A_116, 16 : i32
        %get3A = arith.index_cast %multiple_of3A : i32 to index
        %get3A_117 = tpu.vector_load %arg6[%get3A] {strides = array<i32>} : memref<8192xi32, #tpu.memory_space<vmem>>, vector<16xi32>,
        %get3A_118 = vector.shape_cast %get3A_117 : vector<16xi32> to vector<16xi32>
        %slice3A = vector.extract_strided_slice %get3A_118 {offsets = [0], sizes = [1], strides = [1]} : vector<16xi32> to vector<1xi32>
        %squeeze3A = vector.extract %slice3A[0] : i32 from vector<1xi32>
        %and3A_119 = arith.constant 127 : i32
        %and3A_120 = arith.andi %squeeze3A, %and3A_119 : i32
        %and3A_121 = arith.constant -16 : i32
        %and3A_122 = arith.andi %and3A_120, %and3A_121 : i32
        %multiple_of3A_123 = tpu.assume_multiple %and3A_122, 16 : i32
        %and3A_124 = arith.constant 15 : i32
        %and3A_125 = arith.andi %and3A_120, %and3A_124 : i32
        %broadcast_in_dim3A_126 = vector.broadcast %and3A_125 : i32 to vector<16xi32>
        %convert_element_type3A_127 = arith.sitofp %broadcast_in_dim3A_126 : vector<16xi32> to vector<16xf32>
        %sub3A_128 = arith.subf %convert_element_type3A, %convert_element_type3A_127 : vector<16xf32>
        %abs3A = math.absf %sub3A_128 : vector<16xf32>
        %sub3A_129 = arith.constant 1.000000e+00 : f32
        %sub3A_130 = vector.broadcast %sub3A_129 : f32 to vector<16xf32>
        %sub3A_131 = arith.subf %sub3A_130, %abs3A : vector<16xf32>
        %max3A = arith.constant 0.000000e+00 : f32
        %max3A_132 = vector.broadcast %max3A : f32 to vector<16xf32>
        %max3A_133 = arith.maximumf %sub3A_131, %max3A_132 : vector<16xf32>
        %mul3A_134 = arith.constant 32 : i32
        %mul3A_135 = arith.muli %add3A_114, %mul3A_134 : i32
        %multiple_of3A_136 = tpu.assume_multiple %mul3A_135, 16 : i32
        %get3A_137 = arith.index_cast %multiple_of3A_136 : i32 to index
        %get3A_138 = tpu.vector_load %arg7[%get3A_137] {strides = array<i32>} : memref<16384xf32, #tpu.memory_space<vmem>>, vector<16xf32>,
        %get3A_139 = vector.shape_cast %get3A_138 : vector<16xf32> to vector<16xf32>
        %add3A_140 = arith.constant 16 : i32
        %add3A_141 = arith.addi %multiple_of3A_136, %add3A_140 : i32
        %get3A_142 = arith.index_cast %add3A_141 : i32 to index
        %get3A_143 = tpu.vector_load %arg7[%get3A_142] {strides = array<i32>} : memref<16384xf32, #tpu.memory_space<vmem>>, vector<16xf32>,
        %get3A_144 = vector.shape_cast %get3A_143 : vector<16xf32> to vector<16xf32>
        %broadcast_in_dim3A_145 = arith.constant 0.000000e+00 : f32
        %broadcast_in_dim3A_146 = vector.broadcast %broadcast_in_dim3A_145 : f32 to vector<16xf32>
        %get3A_147 = arith.constant 0 : i32
        %get3A_148 = arith.constant 0 : i32
        %get3A_149 = arith.constant 0 : i32
        %get3A_150 = arith.index_cast %get3A_147 : i32 to index
        %get3A_151 = arith.index_cast %scan3A_109 : i32 to index
        %get3A_152 = arith.index_cast %get3A_148 : i32 to index
        %get3A_153 = arith.index_cast %get3A_149 : i32 to index
        %get3A_154 = arith.index_cast %multiple_of3A_123 : i32 to index
        %get3A_155 = tpu.vector_load %arg8[%get3A_150, %get3A_151, %get3A_152, %get3A_153, %get3A_154] {strides = array<i32>} : memref<2x8x4x8x128xf32, #tpu.memory_space<vmem>>, vector<1x1x1x1x16xf32>,
        %get3A_156 = vector.shape_cast %get3A_155 : vector<1x1x1x1x16xf32> to vector<16xf32>
        %mul3A_157 = arith.mulf %get3A_156, %max3A_133 : vector<16xf32>
        %mul3A_158 = arith.mulf %mul3A_157, %mul3A_157 : vector<16xf32>
        %add3A_159 = arith.addf %broadcast_in_dim3A_146, %mul3A_158 : vector<16xf32>
        %slice3A_160 = vector.extract_strided_slice %get3A_139 {offsets = [0], sizes = [1], strides = [1]} : vector<16xf32> to vector<1xf32>
        %squeeze3A_161 = vector.extract %slice3A_160[0] : f32 from vector<1xf32>
        %mul3A_162 = vector.broadcast %squeeze3A_161 : f32 to vector<16xf32>
        %mul3A_163 = arith.mulf %mul3A_162, %get3A_156 : vector<16xf32>
        %add3A_164 = arith.addf %broadcast_in_dim3A_146, %mul3A_163 : vector<16xf32>
        %get3A_165 = arith.constant 0 : i32
        %get3A_166 = arith.constant 0 : i32
        %get3A_167 = arith.constant 1 : i32
        %get3A_168 = arith.index_cast %get3A_165 : i32 to index
        %get3A_169 = arith.index_cast %scan3A_109 : i32 to index
        %get3A_170 = arith.index_cast %get3A_166 : i32 to index
        %get3A_171 = arith.index_cast %get3A_167 : i32 to index
        %get3A_172 = arith.index_cast %multiple_of3A_123 : i32 to index
        %get3A_173 = tpu.vector_load %arg8[%get3A_168, %get3A_169, %get3A_170, %get3A_171, %get3A_172] {strides = array<i32>} : memref<2x8x4x8x128xf32, #tpu.memory_space<vmem>>, vector<1x1x1x1x16xf32>,
        %get3A_174 = vector.shape_cast %get3A_173 : vector<1x1x1x1x16xf32> to vector<16xf32>
        %mul3A_175 = arith.mulf %get3A_174, %max3A_133 : vector<16xf32>
        %mul3A_176 = arith.mulf %mul3A_175, %mul3A_175 : vector<16xf32>
        %add3A_177 = arith.addf %add3A_159, %mul3A_176 : vector<16xf32>
        %slice3A_178 = vector.extract_strided_slice %get3A_139 {offsets = [1], sizes = [1], strides = [1]} : vector<16xf32> to vector<1xf32>
        %squeeze3A_179 = vector.extract %slice3A_178[0] : f32 from vector<1xf32>
        %mul3A_180 = vector.broadcast %squeeze3A_179 : f32 to vector<16xf32>
        %mul3A_181 = arith.mulf %mul3A_180, %get3A_174 : vector<16xf32>
        %add3A_182 = arith.addf %add3A_164, %mul3A_181 : vector<16xf32>
        %get3A_183 = arith.constant 0 : i32
        %get3A_184 = arith.constant 0 : i32
        %get3A_185 = arith.constant 2 : i32
        %get3A_186 = arith.index_cast %get3A_183 : i32 to index
        %get3A_187 = arith.index_cast %scan3A_109 : i32 to index
        %get3A_188 = arith.index_cast %get3A_184 : i32 to index
        %get3A_189 = arith.index_cast %get3A_185 : i32 to index
        %get3A_190 = arith.index_cast %multiple_of3A_123 : i32 to index
        %get3A_191 = tpu.vector_load %arg8[%get3A_186, %get3A_187, %get3A_188, %get3A_189, %get3A_190] {strides = array<i32>} : memref<2x8x4x8x128xf32, #tpu.memory_space<vmem>>, vector<1x1x1x1x16xf32>,
        %get3A_192 = vector.shape_cast %get3A_191 : vector<1x1x1x1x16xf32> to vector<16xf32>
        %mul3A_193 = arith.mulf %get3A_192, %max3A_133 : vector<16xf32>
        %mul3A_194 = arith.mulf %mul3A_193, %mul3A_193 : vector<16xf32>
        %add3A_195 = arith.addf %add3A_177, %mul3A_194 : vector<16xf32>
        %slice3A_196 = vector.extract_strided_slice %get3A_139 {offsets = [2], sizes = [1], strides = [1]} : vector<16xf32> to vector<1xf32>
        %squeeze3A_197 = vector.extract %slice3A_196[0] : f32 from vector<1xf32>
        %mul3A_198 = vector.broadcast %squeeze3A_197 : f32 to vector<16xf32>
        %mul3A_199 = arith.mulf %mul3A_198, %get3A_192 : vector<16xf32>
        %add3A_200 = arith.addf %add3A_182, %mul3A_199 : vector<16xf32>
        %get3A_201 = arith.constant 0 : i32
        %get3A_202 = arith.constant 0 : i32
        %get3A_203 = arith.constant 3 : i32
        %get3A_204 = arith.index_cast %get3A_201 : i32 to index
        %get3A_205 = arith.index_cast %scan3A_109 : i32 to index
        %get3A_206 = arith.index_cast %get3A_202 : i32 to index
        %get3A_207 = arith.index_cast %get3A_203 : i32 to index
        %get3A_208 = arith.index_cast %multiple_of3A_123 : i32 to index
        %get3A_209 = tpu.vector_load %arg8[%get3A_204, %get3A_205, %get3A_206, %get3A_207, %get3A_208] {strides = array<i32>} : memref<2x8x4x8x128xf32, #tpu.memory_space<vmem>>, vector<1x1x1x1x16xf32>,
        %get3A_210 = vector.shape_cast %get3A_209 : vector<1x1x1x1x16xf32> to vector<16xf32>
        %mul3A_211 = arith.mulf %get3A_210, %max3A_133 : vector<16xf32>
        %mul3A_212 = arith.mulf %mul3A_211, %mul3A_211 : vector<16xf32>
        %add3A_213 = arith.addf %add3A_195, %mul3A_212 : vector<16xf32>
        %slice3A_214 = vector.extract_strided_slice %get3A_139 {offsets = [3], sizes = [1], strides = [1]} : vector<16xf32> to vector<1xf32>
        %squeeze3A_215 = vector.extract %slice3A_214[0] : f32 from vector<1xf32>
        %mul3A_216 = vector.broadcast %squeeze3A_215 : f32 to vector<16xf32>
        %mul3A_217 = arith.mulf %mul3A_216, %get3A_210 : vector<16xf32>
        %add3A_218 = arith.addf %add3A_200, %mul3A_217 : vector<16xf32>
        %get3A_219 = arith.constant 0 : i32
        %get3A_220 = arith.constant 0 : i32
        %get3A_221 = arith.constant 4 : i32
        %get3A_222 = arith.index_cast %get3A_219 : i32 to index
        %get3A_223 = arith.index_cast %scan3A_109 : i32 to index
        %get3A_224 = arith.index_cast %get3A_220 : i32 to index
        %get3A_225 = arith.index_cast %get3A_221 : i32 to index
        %get3A_226 = arith.index_cast %multiple_of3A_123 : i32 to index
        %get3A_227 = tpu.vector_load %arg8[%get3A_222, %get3A_223, %get3A_224, %get3A_225, %get3A_226] {strides = array<i32>} : memref<2x8x4x8x128xf32, #tpu.memory_space<vmem>>, vector<1x1x1x1x16xf32>,
        %get3A_228 = vector.shape_cast %get3A_227 : vector<1x1x1x1x16xf32> to vector<16xf32>
        %mul3A_229 = arith.mulf %get3A_228, %max3A_133 : vector<16xf32>
        %mul3A_230 = arith.mulf %mul3A_229, %mul3A_229 : vector<16xf32>
        %add3A_231 = arith.addf %add3A_213, %mul3A_230 : vector<16xf32>
        %slice3A_232 = vector.extract_strided_slice %get3A_139 {offsets = [4], sizes = [1], strides = [1]} : vector<16xf32> to vector<1xf32>
        %squeeze3A_233 = vector.extract %slice3A_232[0] : f32 from vector<1xf32>
        %mul3A_234 = vector.broadcast %squeeze3A_233 : f32 to vector<16xf32>
        %mul3A_235 = arith.mulf %mul3A_234, %get3A_228 : vector<16xf32>
        %add3A_236 = arith.addf %add3A_218, %mul3A_235 : vector<16xf32>
        %get3A_237 = arith.constant 0 : i32
        %get3A_238 = arith.constant 0 : i32
        %get3A_239 = arith.constant 5 : i32
        %get3A_240 = arith.index_cast %get3A_237 : i32 to index
        %get3A_241 = arith.index_cast %scan3A_109 : i32 to index
        %get3A_242 = arith.index_cast %get3A_238 : i32 to index
        %get3A_243 = arith.index_cast %get3A_239 : i32 to index
        %get3A_244 = arith.index_cast %multiple_of3A_123 : i32 to index
        %get3A_245 = tpu.vector_load %arg8[%get3A_240, %get3A_241, %get3A_242, %get3A_243, %get3A_244] {strides = array<i32>} : memref<2x8x4x8x128xf32, #tpu.memory_space<vmem>>, vector<1x1x1x1x16xf32>,
        %get3A_246 = vector.shape_cast %get3A_245 : vector<1x1x1x1x16xf32> to vector<16xf32>
        %mul3A_247 = arith.mulf %get3A_246, %max3A_133 : vector<16xf32>
        %mul3A_248 = arith.mulf %mul3A_247, %mul3A_247 : vector<16xf32>
        %add3A_249 = arith.addf %add3A_231, %mul3A_248 : vector<16xf32>
        %slice3A_250 = vector.extract_strided_slice %get3A_139 {offsets = [5], sizes = [1], strides = [1]} : vector<16xf32> to vector<1xf32>
        %squeeze3A_251 = vector.extract %slice3A_250[0] : f32 from vector<1xf32>
        %mul3A_252 = vector.broadcast %squeeze3A_251 : f32 to vector<16xf32>
        %mul3A_253 = arith.mulf %mul3A_252, %get3A_246 : vector<16xf32>
        %add3A_254 = arith.addf %add3A_236, %mul3A_253 : vector<16xf32>
        %get3A_255 = arith.constant 0 : i32
        %get3A_256 = arith.constant 0 : i32
        %get3A_257 = arith.constant 6 : i32
        %get3A_258 = arith.index_cast %get3A_255 : i32 to index
        %get3A_259 = arith.index_cast %scan3A_109 : i32 to index
        %get3A_260 = arith.index_cast %get3A_256 : i32 to index
        %get3A_261 = arith.index_cast %get3A_257 : i32 to index
        %get3A_262 = arith.index_cast %multiple_of3A_123 : i32 to index
        %get3A_263 = tpu.vector_load %arg8[%get3A_258, %get3A_259, %get3A_260, %get3A_261, %get3A_262] {strides = array<i32>} : memref<2x8x4x8x128xf32, #tpu.memory_space<vmem>>, vector<1x1x1x1x16xf32>,
        %get3A_264 = vector.shape_cast %get3A_263 : vector<1x1x1x1x16xf32> to vector<16xf32>
        %mul3A_265 = arith.mulf %get3A_264, %max3A_133 : vector<16xf32>
        %mul3A_266 = arith.mulf %mul3A_265, %mul3A_265 : vector<16xf32>
        %add3A_267 = arith.addf %add3A_249, %mul3A_266 : vector<16xf32>
        %slice3A_268 = vector.extract_strided_slice %get3A_139 {offsets = [6], sizes = [1], strides = [1]} : vector<16xf32> to vector<1xf32>
        %squeeze3A_269 = vector.extract %slice3A_268[0] : f32 from vector<1xf32>
        %mul3A_270 = vector.broadcast %squeeze3A_269 : f32 to vector<16xf32>
        %mul3A_271 = arith.mulf %mul3A_270, %get3A_264 : vector<16xf32>
        %add3A_272 = arith.addf %add3A_254, %mul3A_271 : vector<16xf32>
        %get3A_273 = arith.constant 0 : i32
        %get3A_274 = arith.constant 0 : i32
        %get3A_275 = arith.constant 7 : i32
        %get3A_276 = arith.index_cast %get3A_273 : i32 to index
        %get3A_277 = arith.index_cast %scan3A_109 : i32 to index
        %get3A_278 = arith.index_cast %get3A_274 : i32 to index
        %get3A_279 = arith.index_cast %get3A_275 : i32 to index
        %get3A_280 = arith.index_cast %multiple_of3A_123 : i32 to index
        %get3A_281 = tpu.vector_load %arg8[%get3A_276, %get3A_277, %get3A_278, %get3A_279, %get3A_280] {strides = array<i32>} : memref<2x8x4x8x128xf32, #tpu.memory_space<vmem>>, vector<1x1x1x1x16xf32>,
        %get3A_282 = vector.shape_cast %get3A_281 : vector<1x1x1x1x16xf32> to vector<16xf32>
        %mul3A_283 = arith.mulf %get3A_282, %max3A_133 : vector<16xf32>
        %mul3A_284 = arith.mulf %mul3A_283, %mul3A_283 : vector<16xf32>
        %add3A_285 = arith.addf %add3A_267, %mul3A_284 : vector<16xf32>
        %slice3A_286 = vector.extract_strided_slice %get3A_139 {offsets = [7], sizes = [1], strides = [1]} : vector<16xf32> to vector<1xf32>
        %squeeze3A_287 = vector.extract %slice3A_286[0] : f32 from vector<1xf32>
        %mul3A_288 = vector.broadcast %squeeze3A_287 : f32 to vector<16xf32>
        %mul3A_289 = arith.mulf %mul3A_288, %get3A_282 : vector<16xf32>
        %add3A_290 = arith.addf %add3A_272, %mul3A_289 : vector<16xf32>
        %get3A_291 = arith.constant 0 : i32
        %get3A_292 = arith.constant 1 : i32
        %get3A_293 = arith.constant 0 : i32
        %get3A_294 = arith.index_cast %get3A_291 : i32 to index
        %get3A_295 = arith.index_cast %scan3A_109 : i32 to index
        %get3A_296 = arith.index_cast %get3A_292 : i32 to index
        %get3A_297 = arith.index_cast %get3A_293 : i32 to index
        %get3A_298 = arith.index_cast %multiple_of3A_123 : i32 to index
        %get3A_299 = tpu.vector_load %arg8[%get3A_294, %get3A_295, %get3A_296, %get3A_297, %get3A_298] {strides = array<i32>} : memref<2x8x4x8x128xf32, #tpu.memory_space<vmem>>, vector<1x1x1x1x16xf32>,
        %get3A_300 = vector.shape_cast %get3A_299 : vector<1x1x1x1x16xf32> to vector<16xf32>
        %mul3A_301 = arith.mulf %get3A_300, %max3A_133 : vector<16xf32>
        %mul3A_302 = arith.mulf %mul3A_301, %mul3A_301 : vector<16xf32>
        %add3A_303 = arith.addf %add3A_285, %mul3A_302 : vector<16xf32>
        %slice3A_304 = vector.extract_strided_slice %get3A_139 {offsets = [8], sizes = [1], strides = [1]} : vector<16xf32> to vector<1xf32>
        %squeeze3A_305 = vector.extract %slice3A_304[0] : f32 from vector<1xf32>
        %mul3A_306 = vector.broadcast %squeeze3A_305 : f32 to vector<16xf32>
        %mul3A_307 = arith.mulf %mul3A_306, %get3A_300 : vector<16xf32>
        %add3A_308 = arith.addf %add3A_290, %mul3A_307 : vector<16xf32>
        %get3A_309 = arith.constant 0 : i32
        %get3A_310 = arith.constant 1 : i32
        %get3A_311 = arith.constant 1 : i32
        %get3A_312 = arith.index_cast %get3A_309 : i32 to index
        %get3A_313 = arith.index_cast %scan3A_109 : i32 to index
        %get3A_314 = arith.index_cast %get3A_310 : i32 to index
        %get3A_315 = arith.index_cast %get3A_311 : i32 to index
        %get3A_316 = arith.index_cast %multiple_of3A_123 : i32 to index
        %get3A_317 = tpu.vector_load %arg8[%get3A_312, %get3A_313, %get3A_314, %get3A_315, %get3A_316] {strides = array<i32>} : memref<2x8x4x8x128xf32, #tpu.memory_space<vmem>>, vector<1x1x1x1x16xf32>,
        %get3A_318 = vector.shape_cast %get3A_317 : vector<1x1x1x1x16xf32> to vector<16xf32>
        %mul3A_319 = arith.mulf %get3A_318, %max3A_133 : vector<16xf32>
        %mul3A_320 = arith.mulf %mul3A_319, %mul3A_319 : vector<16xf32>
        %add3A_321 = arith.addf %add3A_303, %mul3A_320 : vector<16xf32>
        %slice3A_322 = vector.extract_strided_slice %get3A_139 {offsets = [9], sizes = [1], strides = [1]} : vector<16xf32> to vector<1xf32>
        %squeeze3A_323 = vector.extract %slice3A_322[0] : f32 from vector<1xf32>
        %mul3A_324 = vector.broadcast %squeeze3A_323 : f32 to vector<16xf32>
        %mul3A_325 = arith.mulf %mul3A_324, %get3A_318 : vector<16xf32>
        %add3A_326 = arith.addf %add3A_308, %mul3A_325 : vector<16xf32>
        %get3A_327 = arith.constant 0 : i32
        %get3A_328 = arith.constant 1 : i32
        %get3A_329 = arith.constant 2 : i32
        %get3A_330 = arith.index_cast %get3A_327 : i32 to index
        %get3A_331 = arith.index_cast %scan3A_109 : i32 to index
        %get3A_332 = arith.index_cast %get3A_328 : i32 to index
        %get3A_333 = arith.index_cast %get3A_329 : i32 to index
        %get3A_334 = arith.index_cast %multiple_of3A_123 : i32 to index
        %get3A_335 = tpu.vector_load %arg8[%get3A_330, %get3A_331, %get3A_332, %get3A_333, %get3A_334] {strides = array<i32>} : memref<2x8x4x8x128xf32, #tpu.memory_space<vmem>>, vector<1x1x1x1x16xf32>,
        %get3A_336 = vector.shape_cast %get3A_335 : vector<1x1x1x1x16xf32> to vector<16xf32>
        %mul3A_337 = arith.mulf %get3A_336, %max3A_133 : vector<16xf32>
        %mul3A_338 = arith.mulf %mul3A_337, %mul3A_337 : vector<16xf32>
        %add3A_339 = arith.addf %add3A_321, %mul3A_338 : vector<16xf32>
        %slice3A_340 = vector.extract_strided_slice %get3A_139 {offsets = [10], sizes = [1], strides = [1]} : vector<16xf32> to vector<1xf32>
        %squeeze3A_341 = vector.extract %slice3A_340[0] : f32 from vector<1xf32>
        %mul3A_342 = vector.broadcast %squeeze3A_341 : f32 to vector<16xf32>
        %mul3A_343 = arith.mulf %mul3A_342, %get3A_336 : vector<16xf32>
        %add3A_344 = arith.addf %add3A_326, %mul3A_343 : vector<16xf32>
        %get3A_345 = arith.constant 0 : i32
        %get3A_346 = arith.constant 1 : i32
        %get3A_347 = arith.constant 3 : i32
        %get3A_348 = arith.index_cast %get3A_345 : i32 to index
        %get3A_349 = arith.index_cast %scan3A_109 : i32 to index
        %get3A_350 = arith.index_cast %get3A_346 : i32 to index
        %get3A_351 = arith.index_cast %get3A_347 : i32 to index
        %get3A_352 = arith.index_cast %multiple_of3A_123 : i32 to index
        %get3A_353 = tpu.vector_load %arg8[%get3A_348, %get3A_349, %get3A_350, %get3A_351, %get3A_352] {strides = array<i32>} : memref<2x8x4x8x128xf32, #tpu.memory_space<vmem>>, vector<1x1x1x1x16xf32>,
        %get3A_354 = vector.shape_cast %get3A_353 : vector<1x1x1x1x16xf32> to vector<16xf32>
        %mul3A_355 = arith.mulf %get3A_354, %max3A_133 : vector<16xf32>
        %mul3A_356 = arith.mulf %mul3A_355, %mul3A_355 : vector<16xf32>
        %add3A_357 = arith.addf %add3A_339, %mul3A_356 : vector<16xf32>
        %slice3A_358 = vector.extract_strided_slice %get3A_139 {offsets = [11], sizes = [1], strides = [1]} : vector<16xf32> to vector<1xf32>
        %squeeze3A_359 = vector.extract %slice3A_358[0] : f32 from vector<1xf32>
        %mul3A_360 = vector.broadcast %squeeze3A_359 : f32 to vector<16xf32>
        %mul3A_361 = arith.mulf %mul3A_360, %get3A_354 : vector<16xf32>
        %add3A_362 = arith.addf %add3A_344, %mul3A_361 : vector<16xf32>
        %get3A_363 = arith.constant 0 : i32
        %get3A_364 = arith.constant 1 : i32
        %get3A_365 = arith.constant 4 : i32
        %get3A_366 = arith.index_cast %get3A_363 : i32 to index
        %get3A_367 = arith.index_cast %scan3A_109 : i32 to index
        %get3A_368 = arith.index_cast %get3A_364 : i32 to index
        %get3A_369 = arith.index_cast %get3A_365 : i32 to index
        %get3A_370 = arith.index_cast %multiple_of3A_123 : i32 to index
        %get3A_371 = tpu.vector_load %arg8[%get3A_366, %get3A_367, %get3A_368, %get3A_369, %get3A_370] {strides = array<i32>} : memref<2x8x4x8x128xf32, #tpu.memory_space<vmem>>, vector<1x1x1x1x16xf32>,
        %get3A_372 = vector.shape_cast %get3A_371 : vector<1x1x1x1x16xf32> to vector<16xf32>
        %mul3A_373 = arith.mulf %get3A_372, %max3A_133 : vector<16xf32>
        %mul3A_374 = arith.mulf %mul3A_373, %mul3A_373 : vector<16xf32>
        %add3A_375 = arith.addf %add3A_357, %mul3A_374 : vector<16xf32>
        %slice3A_376 = vector.extract_strided_slice %get3A_139 {offsets = [12], sizes = [1], strides = [1]} : vector<16xf32> to vector<1xf32>
        %squeeze3A_377 = vector.extract %slice3A_376[0] : f32 from vector<1xf32>
        %mul3A_378 = vector.broadcast %squeeze3A_377 : f32 to vector<16xf32>
        %mul3A_379 = arith.mulf %mul3A_378, %get3A_372 : vector<16xf32>
        %add3A_380 = arith.addf %add3A_362, %mul3A_379 : vector<16xf32>
        %get3A_381 = arith.constant 0 : i32
        %get3A_382 = arith.constant 1 : i32
        %get3A_383 = arith.constant 5 : i32
        %get3A_384 = arith.index_cast %get3A_381 : i32 to index
        %get3A_385 = arith.index_cast %scan3A_109 : i32 to index
        %get3A_386 = arith.index_cast %get3A_382 : i32 to index
        %get3A_387 = arith.index_cast %get3A_383 : i32 to index
        %get3A_388 = arith.index_cast %multiple_of3A_123 : i32 to index
        %get3A_389 = tpu.vector_load %arg8[%get3A_384, %get3A_385, %get3A_386, %get3A_387, %get3A_388] {strides = array<i32>} : memref<2x8x4x8x128xf32, #tpu.memory_space<vmem>>, vector<1x1x1x1x16xf32>,
        %get3A_390 = vector.shape_cast %get3A_389 : vector<1x1x1x1x16xf32> to vector<16xf32>
        %mul3A_391 = arith.mulf %get3A_390, %max3A_133 : vector<16xf32>
        %mul3A_392 = arith.mulf %mul3A_391, %mul3A_391 : vector<16xf32>
        %add3A_393 = arith.addf %add3A_375, %mul3A_392 : vector<16xf32>
        %slice3A_394 = vector.extract_strided_slice %get3A_139 {offsets = [13], sizes = [1], strides = [1]} : vector<16xf32> to vector<1xf32>
        %squeeze3A_395 = vector.extract %slice3A_394[0] : f32 from vector<1xf32>
        %mul3A_396 = vector.broadcast %squeeze3A_395 : f32 to vector<16xf32>
        %mul3A_397 = arith.mulf %mul3A_396, %get3A_390 : vector<16xf32>
        %add3A_398 = arith.addf %add3A_380, %mul3A_397 : vector<16xf32>
        %get3A_399 = arith.constant 0 : i32
        %get3A_400 = arith.constant 1 : i32
        %get3A_401 = arith.constant 6 : i32
        %get3A_402 = arith.index_cast %get3A_399 : i32 to index
        %get3A_403 = arith.index_cast %scan3A_109 : i32 to index
        %get3A_404 = arith.index_cast %get3A_400 : i32 to index
        %get3A_405 = arith.index_cast %get3A_401 : i32 to index
        %get3A_406 = arith.index_cast %multiple_of3A_123 : i32 to index
        %get3A_407 = tpu.vector_load %arg8[%get3A_402, %get3A_403, %get3A_404, %get3A_405, %get3A_406] {strides = array<i32>} : memref<2x8x4x8x128xf32, #tpu.memory_space<vmem>>, vector<1x1x1x1x16xf32>,
        %get3A_408 = vector.shape_cast %get3A_407 : vector<1x1x1x1x16xf32> to vector<16xf32>
        %mul3A_409 = arith.mulf %get3A_408, %max3A_133 : vector<16xf32>
        %mul3A_410 = arith.mulf %mul3A_409, %mul3A_409 : vector<16xf32>
        %add3A_411 = arith.addf %add3A_393, %mul3A_410 : vector<16xf32>
        %slice3A_412 = vector.extract_strided_slice %get3A_139 {offsets = [14], sizes = [1], strides = [1]} : vector<16xf32> to vector<1xf32>
        %squeeze3A_413 = vector.extract %slice3A_412[0] : f32 from vector<1xf32>
        %mul3A_414 = vector.broadcast %squeeze3A_413 : f32 to vector<16xf32>
        %mul3A_415 = arith.mulf %mul3A_414, %get3A_408 : vector<16xf32>
        %add3A_416 = arith.addf %add3A_398, %mul3A_415 : vector<16xf32>
        %get3A_417 = arith.constant 0 : i32
        %get3A_418 = arith.constant 1 : i32
        %get3A_419 = arith.constant 7 : i32
        %get3A_420 = arith.index_cast %get3A_417 : i32 to index
        %get3A_421 = arith.index_cast %scan3A_109 : i32 to index
        %get3A_422 = arith.index_cast %get3A_418 : i32 to index
        %get3A_423 = arith.index_cast %get3A_419 : i32 to index
        %get3A_424 = arith.index_cast %multiple_of3A_123 : i32 to index
        %get3A_425 = tpu.vector_load %arg8[%get3A_420, %get3A_421, %get3A_422, %get3A_423, %get3A_424] {strides = array<i32>} : memref<2x8x4x8x128xf32, #tpu.memory_space<vmem>>, vector<1x1x1x1x16xf32>,
        %get3A_426 = vector.shape_cast %get3A_425 : vector<1x1x1x1x16xf32> to vector<16xf32>
        %mul3A_427 = arith.mulf %get3A_426, %max3A_133 : vector<16xf32>
        %mul3A_428 = arith.mulf %mul3A_427, %mul3A_427 : vector<16xf32>
        %add3A_429 = arith.addf %add3A_411, %mul3A_428 : vector<16xf32>
        %slice3A_430 = vector.extract_strided_slice %get3A_139 {offsets = [15], sizes = [1], strides = [1]} : vector<16xf32> to vector<1xf32>
        %squeeze3A_431 = vector.extract %slice3A_430[0] : f32 from vector<1xf32>
        %mul3A_432 = vector.broadcast %squeeze3A_431 : f32 to vector<16xf32>
        %mul3A_433 = arith.mulf %mul3A_432, %get3A_426 : vector<16xf32>
        %add3A_434 = arith.addf %add3A_416, %mul3A_433 : vector<16xf32>
        %get3A_435 = arith.constant 0 : i32
        %get3A_436 = arith.constant 2 : i32
        %get3A_437 = arith.constant 0 : i32
        %get3A_438 = arith.index_cast %get3A_435 : i32 to index
        %get3A_439 = arith.index_cast %scan3A_109 : i32 to index
        %get3A_440 = arith.index_cast %get3A_436 : i32 to index
        %get3A_441 = arith.index_cast %get3A_437 : i32 to index
        %get3A_442 = arith.index_cast %multiple_of3A_123 : i32 to index
        %get3A_443 = tpu.vector_load %arg8[%get3A_438, %get3A_439, %get3A_440, %get3A_441, %get3A_442] {strides = array<i32>} : memref<2x8x4x8x128xf32, #tpu.memory_space<vmem>>, vector<1x1x1x1x16xf32>,
        %get3A_444 = vector.shape_cast %get3A_443 : vector<1x1x1x1x16xf32> to vector<16xf32>
        %mul3A_445 = arith.mulf %get3A_444, %max3A_133 : vector<16xf32>
        %mul3A_446 = arith.mulf %mul3A_445, %mul3A_445 : vector<16xf32>
        %add3A_447 = arith.addf %add3A_429, %mul3A_446 : vector<16xf32>
        %slice3A_448 = vector.extract_strided_slice %get3A_144 {offsets = [0], sizes = [1], strides = [1]} : vector<16xf32> to vector<1xf32>
        %squeeze3A_449 = vector.extract %slice3A_448[0] : f32 from vector<1xf32>
        %mul3A_450 = vector.broadcast %squeeze3A_449 : f32 to vector<16xf32>
        %mul3A_451 = arith.mulf %mul3A_450, %get3A_444 : vector<16xf32>
        %add3A_452 = arith.addf %add3A_434, %mul3A_451 : vector<16xf32>
        %get3A_453 = arith.constant 0 : i32
        %get3A_454 = arith.constant 2 : i32
        %get3A_455 = arith.constant 1 : i32
        %get3A_456 = arith.index_cast %get3A_453 : i32 to index
        %get3A_457 = arith.index_cast %scan3A_109 : i32 to index
        %get3A_458 = arith.index_cast %get3A_454 : i32 to index
        %get3A_459 = arith.index_cast %get3A_455 : i32 to index
        %get3A_460 = arith.index_cast %multiple_of3A_123 : i32 to index
        %get3A_461 = tpu.vector_load %arg8[%get3A_456, %get3A_457, %get3A_458, %get3A_459, %get3A_460] {strides = array<i32>} : memref<2x8x4x8x128xf32, #tpu.memory_space<vmem>>, vector<1x1x1x1x16xf32>,
        %get3A_462 = vector.shape_cast %get3A_461 : vector<1x1x1x1x16xf32> to vector<16xf32>
        %mul3A_463 = arith.mulf %get3A_462, %max3A_133 : vector<16xf32>
        %mul3A_464 = arith.mulf %mul3A_463, %mul3A_463 : vector<16xf32>
        %add3A_465 = arith.addf %add3A_447, %mul3A_464 : vector<16xf32>
        %slice3A_466 = vector.extract_strided_slice %get3A_144 {offsets = [1], sizes = [1], strides = [1]} : vector<16xf32> to vector<1xf32>
        %squeeze3A_467 = vector.extract %slice3A_466[0] : f32 from vector<1xf32>
        %mul3A_468 = vector.broadcast %squeeze3A_467 : f32 to vector<16xf32>
        %mul3A_469 = arith.mulf %mul3A_468, %get3A_462 : vector<16xf32>
        %add3A_470 = arith.addf %add3A_452, %mul3A_469 : vector<16xf32>
        %get3A_471 = arith.constant 0 : i32
        %get3A_472 = arith.constant 2 : i32
        %get3A_473 = arith.constant 2 : i32
        %get3A_474 = arith.index_cast %get3A_471 : i32 to index
        %get3A_475 = arith.index_cast %scan3A_109 : i32 to index
        %get3A_476 = arith.index_cast %get3A_472 : i32 to index
        %get3A_477 = arith.index_cast %get3A_473 : i32 to index
        %get3A_478 = arith.index_cast %multiple_of3A_123 : i32 to index
        %get3A_479 = tpu.vector_load %arg8[%get3A_474, %get3A_475, %get3A_476, %get3A_477, %get3A_478] {strides = array<i32>} : memref<2x8x4x8x128xf32, #tpu.memory_space<vmem>>, vector<1x1x1x1x16xf32>,
        %get3A_480 = vector.shape_cast %get3A_479 : vector<1x1x1x1x16xf32> to vector<16xf32>
        %mul3A_481 = arith.mulf %get3A_480, %max3A_133 : vector<16xf32>
        %mul3A_482 = arith.mulf %mul3A_481, %mul3A_481 : vector<16xf32>
        %add3A_483 = arith.addf %add3A_465, %mul3A_482 : vector<16xf32>
        %slice3A_484 = vector.extract_strided_slice %get3A_144 {offsets = [2], sizes = [1], strides = [1]} : vector<16xf32> to vector<1xf32>
        %squeeze3A_485 = vector.extract %slice3A_484[0] : f32 from vector<1xf32>
        %mul3A_486 = vector.broadcast %squeeze3A_485 : f32 to vector<16xf32>
        %mul3A_487 = arith.mulf %mul3A_486, %get3A_480 : vector<16xf32>
        %add3A_488 = arith.addf %add3A_470, %mul3A_487 : vector<16xf32>
        %get3A_489 = arith.constant 0 : i32
        %get3A_490 = arith.constant 2 : i32
        %get3A_491 = arith.constant 3 : i32
        %get3A_492 = arith.index_cast %get3A_489 : i32 to index
        %get3A_493 = arith.index_cast %scan3A_109 : i32 to index
        %get3A_494 = arith.index_cast %get3A_490 : i32 to index
        %get3A_495 = arith.index_cast %get3A_491 : i32 to index
        %get3A_496 = arith.index_cast %multiple_of3A_123 : i32 to index
        %get3A_497 = tpu.vector_load %arg8[%get3A_492, %get3A_493, %get3A_494, %get3A_495, %get3A_496] {strides = array<i32>} : memref<2x8x4x8x128xf32, #tpu.memory_space<vmem>>, vector<1x1x1x1x16xf32>,
        %get3A_498 = vector.shape_cast %get3A_497 : vector<1x1x1x1x16xf32> to vector<16xf32>
        %mul3A_499 = arith.mulf %get3A_498, %max3A_133 : vector<16xf32>
        %mul3A_500 = arith.mulf %mul3A_499, %mul3A_499 : vector<16xf32>
        %add3A_501 = arith.addf %add3A_483, %mul3A_500 : vector<16xf32>
        %slice3A_502 = vector.extract_strided_slice %get3A_144 {offsets = [3], sizes = [1], strides = [1]} : vector<16xf32> to vector<1xf32>
        %squeeze3A_503 = vector.extract %slice3A_502[0] : f32 from vector<1xf32>
        %mul3A_504 = vector.broadcast %squeeze3A_503 : f32 to vector<16xf32>
        %mul3A_505 = arith.mulf %mul3A_504, %get3A_498 : vector<16xf32>
        %add3A_506 = arith.addf %add3A_488, %mul3A_505 : vector<16xf32>
        %get3A_507 = arith.constant 0 : i32
        %get3A_508 = arith.constant 2 : i32
        %get3A_509 = arith.constant 4 : i32
        %get3A_510 = arith.index_cast %get3A_507 : i32 to index
        %get3A_511 = arith.index_cast %scan3A_109 : i32 to index
        %get3A_512 = arith.index_cast %get3A_508 : i32 to index
        %get3A_513 = arith.index_cast %get3A_509 : i32 to index
        %get3A_514 = arith.index_cast %multiple_of3A_123 : i32 to index
        %get3A_515 = tpu.vector_load %arg8[%get3A_510, %get3A_511, %get3A_512, %get3A_513, %get3A_514] {strides = array<i32>} : memref<2x8x4x8x128xf32, #tpu.memory_space<vmem>>, vector<1x1x1x1x16xf32>,
        %get3A_516 = vector.shape_cast %get3A_515 : vector<1x1x1x1x16xf32> to vector<16xf32>
        %mul3A_517 = arith.mulf %get3A_516, %max3A_133 : vector<16xf32>
        %mul3A_518 = arith.mulf %mul3A_517, %mul3A_517 : vector<16xf32>
        %add3A_519 = arith.addf %add3A_501, %mul3A_518 : vector<16xf32>
        %slice3A_520 = vector.extract_strided_slice %get3A_144 {offsets = [4], sizes = [1], strides = [1]} : vector<16xf32> to vector<1xf32>
        %squeeze3A_521 = vector.extract %slice3A_520[0] : f32 from vector<1xf32>
        %mul3A_522 = vector.broadcast %squeeze3A_521 : f32 to vector<16xf32>
        %mul3A_523 = arith.mulf %mul3A_522, %get3A_516 : vector<16xf32>
        %add3A_524 = arith.addf %add3A_506, %mul3A_523 : vector<16xf32>
        %get3A_525 = arith.constant 0 : i32
        %get3A_526 = arith.constant 2 : i32
        %get3A_527 = arith.constant 5 : i32
        %get3A_528 = arith.index_cast %get3A_525 : i32 to index
        %get3A_529 = arith.index_cast %scan3A_109 : i32 to index
        %get3A_530 = arith.index_cast %get3A_526 : i32 to index
        %get3A_531 = arith.index_cast %get3A_527 : i32 to index
        %get3A_532 = arith.index_cast %multiple_of3A_123 : i32 to index
        %get3A_533 = tpu.vector_load %arg8[%get3A_528, %get3A_529, %get3A_530, %get3A_531, %get3A_532] {strides = array<i32>} : memref<2x8x4x8x128xf32, #tpu.memory_space<vmem>>, vector<1x1x1x1x16xf32>,
        %get3A_534 = vector.shape_cast %get3A_533 : vector<1x1x1x1x16xf32> to vector<16xf32>
        %mul3A_535 = arith.mulf %get3A_534, %max3A_133 : vector<16xf32>
        %mul3A_536 = arith.mulf %mul3A_535, %mul3A_535 : vector<16xf32>
        %add3A_537 = arith.addf %add3A_519, %mul3A_536 : vector<16xf32>
        %slice3A_538 = vector.extract_strided_slice %get3A_144 {offsets = [5], sizes = [1], strides = [1]} : vector<16xf32> to vector<1xf32>
        %squeeze3A_539 = vector.extract %slice3A_538[0] : f32 from vector<1xf32>
        %mul3A_540 = vector.broadcast %squeeze3A_539 : f32 to vector<16xf32>
        %mul3A_541 = arith.mulf %mul3A_540, %get3A_534 : vector<16xf32>
        %add3A_542 = arith.addf %add3A_524, %mul3A_541 : vector<16xf32>
        %get3A_543 = arith.constant 0 : i32
        %get3A_544 = arith.constant 2 : i32
        %get3A_545 = arith.constant 6 : i32
        %get3A_546 = arith.index_cast %get3A_543 : i32 to index
        %get3A_547 = arith.index_cast %scan3A_109 : i32 to index
        %get3A_548 = arith.index_cast %get3A_544 : i32 to index
        %get3A_549 = arith.index_cast %get3A_545 : i32 to index
        %get3A_550 = arith.index_cast %multiple_of3A_123 : i32 to index
        %get3A_551 = tpu.vector_load %arg8[%get3A_546, %get3A_547, %get3A_548, %get3A_549, %get3A_550] {strides = array<i32>} : memref<2x8x4x8x128xf32, #tpu.memory_space<vmem>>, vector<1x1x1x1x16xf32>,
        %get3A_552 = vector.shape_cast %get3A_551 : vector<1x1x1x1x16xf32> to vector<16xf32>
        %mul3A_553 = arith.mulf %get3A_552, %max3A_133 : vector<16xf32>
        %mul3A_554 = arith.mulf %mul3A_553, %mul3A_553 : vector<16xf32>
        %add3A_555 = arith.addf %add3A_537, %mul3A_554 : vector<16xf32>
        %slice3A_556 = vector.extract_strided_slice %get3A_144 {offsets = [6], sizes = [1], strides = [1]} : vector<16xf32> to vector<1xf32>
        %squeeze3A_557 = vector.extract %slice3A_556[0] : f32 from vector<1xf32>
        %mul3A_558 = vector.broadcast %squeeze3A_557 : f32 to vector<16xf32>
        %mul3A_559 = arith.mulf %mul3A_558, %get3A_552 : vector<16xf32>
        %add3A_560 = arith.addf %add3A_542, %mul3A_559 : vector<16xf32>
        %get3A_561 = arith.constant 0 : i32
        %get3A_562 = arith.constant 2 : i32
        %get3A_563 = arith.constant 7 : i32
        %get3A_564 = arith.index_cast %get3A_561 : i32 to index
        %get3A_565 = arith.index_cast %scan3A_109 : i32 to index
        %get3A_566 = arith.index_cast %get3A_562 : i32 to index
        %get3A_567 = arith.index_cast %get3A_563 : i32 to index
        %get3A_568 = arith.index_cast %multiple_of3A_123 : i32 to index
        %get3A_569 = tpu.vector_load %arg8[%get3A_564, %get3A_565, %get3A_566, %get3A_567, %get3A_568] {strides = array<i32>} : memref<2x8x4x8x128xf32, #tpu.memory_space<vmem>>, vector<1x1x1x1x16xf32>,
        %get3A_570 = vector.shape_cast %get3A_569 : vector<1x1x1x1x16xf32> to vector<16xf32>
        %mul3A_571 = arith.mulf %get3A_570, %max3A_133 : vector<16xf32>
        %mul3A_572 = arith.mulf %mul3A_571, %mul3A_571 : vector<16xf32>
        %add3A_573 = arith.addf %add3A_555, %mul3A_572 : vector<16xf32>
        %slice3A_574 = vector.extract_strided_slice %get3A_144 {offsets = [7], sizes = [1], strides = [1]} : vector<16xf32> to vector<1xf32>
        %squeeze3A_575 = vector.extract %slice3A_574[0] : f32 from vector<1xf32>
        %mul3A_576 = vector.broadcast %squeeze3A_575 : f32 to vector<16xf32>
        %mul3A_577 = arith.mulf %mul3A_576, %get3A_570 : vector<16xf32>
        %add3A_578 = arith.addf %add3A_560, %mul3A_577 : vector<16xf32>
        %get3A_579 = arith.constant 0 : i32
        %get3A_580 = arith.constant 3 : i32
        %get3A_581 = arith.constant 0 : i32
        %get3A_582 = arith.index_cast %get3A_579 : i32 to index
        %get3A_583 = arith.index_cast %scan3A_109 : i32 to index
        %get3A_584 = arith.index_cast %get3A_580 : i32 to index
        %get3A_585 = arith.index_cast %get3A_581 : i32 to index
        %get3A_586 = arith.index_cast %multiple_of3A_123 : i32 to index
        %get3A_587 = tpu.vector_load %arg8[%get3A_582, %get3A_583, %get3A_584, %get3A_585, %get3A_586] {strides = array<i32>} : memref<2x8x4x8x128xf32, #tpu.memory_space<vmem>>, vector<1x1x1x1x16xf32>,
        %get3A_588 = vector.shape_cast %get3A_587 : vector<1x1x1x1x16xf32> to vector<16xf32>
        %mul3A_589 = arith.mulf %get3A_588, %max3A_133 : vector<16xf32>
        %mul3A_590 = arith.mulf %mul3A_589, %mul3A_589 : vector<16xf32>
        %add3A_591 = arith.addf %add3A_573, %mul3A_590 : vector<16xf32>
        %slice3A_592 = vector.extract_strided_slice %get3A_144 {offsets = [8], sizes = [1], strides = [1]} : vector<16xf32> to vector<1xf32>
        %squeeze3A_593 = vector.extract %slice3A_592[0] : f32 from vector<1xf32>
        %mul3A_594 = vector.broadcast %squeeze3A_593 : f32 to vector<16xf32>
        %mul3A_595 = arith.mulf %mul3A_594, %get3A_588 : vector<16xf32>
        %add3A_596 = arith.addf %add3A_578, %mul3A_595 : vector<16xf32>
        %get3A_597 = arith.constant 0 : i32
        %get3A_598 = arith.constant 3 : i32
        %get3A_599 = arith.constant 1 : i32
        %get3A_600 = arith.index_cast %get3A_597 : i32 to index
        %get3A_601 = arith.index_cast %scan3A_109 : i32 to index
        %get3A_602 = arith.index_cast %get3A_598 : i32 to index
        %get3A_603 = arith.index_cast %get3A_599 : i32 to index
        %get3A_604 = arith.index_cast %multiple_of3A_123 : i32 to index
        %get3A_605 = tpu.vector_load %arg8[%get3A_600, %get3A_601, %get3A_602, %get3A_603, %get3A_604] {strides = array<i32>} : memref<2x8x4x8x128xf32, #tpu.memory_space<vmem>>, vector<1x1x1x1x16xf32>,
        %get3A_606 = vector.shape_cast %get3A_605 : vector<1x1x1x1x16xf32> to vector<16xf32>
        %mul3A_607 = arith.mulf %get3A_606, %max3A_133 : vector<16xf32>
        %mul3A_608 = arith.mulf %mul3A_607, %mul3A_607 : vector<16xf32>
        %add3A_609 = arith.addf %add3A_591, %mul3A_608 : vector<16xf32>
        %slice3A_610 = vector.extract_strided_slice %get3A_144 {offsets = [9], sizes = [1], strides = [1]} : vector<16xf32> to vector<1xf32>
        %squeeze3A_611 = vector.extract %slice3A_610[0] : f32 from vector<1xf32>
        %mul3A_612 = vector.broadcast %squeeze3A_611 : f32 to vector<16xf32>
        %mul3A_613 = arith.mulf %mul3A_612, %get3A_606 : vector<16xf32>
        %add3A_614 = arith.addf %add3A_596, %mul3A_613 : vector<16xf32>
        %get3A_615 = arith.constant 0 : i32
        %get3A_616 = arith.constant 3 : i32
        %get3A_617 = arith.constant 2 : i32
        %get3A_618 = arith.index_cast %get3A_615 : i32 to index
        %get3A_619 = arith.index_cast %scan3A_109 : i32 to index
        %get3A_620 = arith.index_cast %get3A_616 : i32 to index
        %get3A_621 = arith.index_cast %get3A_617 : i32 to index
        %get3A_622 = arith.index_cast %multiple_of3A_123 : i32 to index
        %get3A_623 = tpu.vector_load %arg8[%get3A_618, %get3A_619, %get3A_620, %get3A_621, %get3A_622] {strides = array<i32>} : memref<2x8x4x8x128xf32, #tpu.memory_space<vmem>>, vector<1x1x1x1x16xf32>,
        %get3A_624 = vector.shape_cast %get3A_623 : vector<1x1x1x1x16xf32> to vector<16xf32>
        %mul3A_625 = arith.mulf %get3A_624, %max3A_133 : vector<16xf32>
        %mul3A_626 = arith.mulf %mul3A_625, %mul3A_625 : vector<16xf32>
        %add3A_627 = arith.addf %add3A_609, %mul3A_626 : vector<16xf32>
        %slice3A_628 = vector.extract_strided_slice %get3A_144 {offsets = [10], sizes = [1], strides = [1]} : vector<16xf32> to vector<1xf32>
        %squeeze3A_629 = vector.extract %slice3A_628[0] : f32 from vector<1xf32>
        %mul3A_630 = vector.broadcast %squeeze3A_629 : f32 to vector<16xf32>
        %mul3A_631 = arith.mulf %mul3A_630, %get3A_624 : vector<16xf32>
        %add3A_632 = arith.addf %add3A_614, %mul3A_631 : vector<16xf32>
        %get3A_633 = arith.constant 0 : i32
        %get3A_634 = arith.constant 3 : i32
        %get3A_635 = arith.constant 3 : i32
        %get3A_636 = arith.index_cast %get3A_633 : i32 to index
        %get3A_637 = arith.index_cast %scan3A_109 : i32 to index
        %get3A_638 = arith.index_cast %get3A_634 : i32 to index
        %get3A_639 = arith.index_cast %get3A_635 : i32 to index
        %get3A_640 = arith.index_cast %multiple_of3A_123 : i32 to index
        %get3A_641 = tpu.vector_load %arg8[%get3A_636, %get3A_637, %get3A_638, %get3A_639, %get3A_640] {strides = array<i32>} : memref<2x8x4x8x128xf32, #tpu.memory_space<vmem>>, vector<1x1x1x1x16xf32>,
        %get3A_642 = vector.shape_cast %get3A_641 : vector<1x1x1x1x16xf32> to vector<16xf32>
        %mul3A_643 = arith.mulf %get3A_642, %max3A_133 : vector<16xf32>
        %mul3A_644 = arith.mulf %mul3A_643, %mul3A_643 : vector<16xf32>
        %add3A_645 = arith.addf %add3A_627, %mul3A_644 : vector<16xf32>
        %slice3A_646 = vector.extract_strided_slice %get3A_144 {offsets = [11], sizes = [1], strides = [1]} : vector<16xf32> to vector<1xf32>
        %squeeze3A_647 = vector.extract %slice3A_646[0] : f32 from vector<1xf32>
        %mul3A_648 = vector.broadcast %squeeze3A_647 : f32 to vector<16xf32>
        %mul3A_649 = arith.mulf %mul3A_648, %get3A_642 : vector<16xf32>
        %add3A_650 = arith.addf %add3A_632, %mul3A_649 : vector<16xf32>
        %get3A_651 = arith.constant 0 : i32
        %get3A_652 = arith.constant 3 : i32
        %get3A_653 = arith.constant 4 : i32
        %get3A_654 = arith.index_cast %get3A_651 : i32 to index
        %get3A_655 = arith.index_cast %scan3A_109 : i32 to index
        %get3A_656 = arith.index_cast %get3A_652 : i32 to index
        %get3A_657 = arith.index_cast %get3A_653 : i32 to index
        %get3A_658 = arith.index_cast %multiple_of3A_123 : i32 to index
        %get3A_659 = tpu.vector_load %arg8[%get3A_654, %get3A_655, %get3A_656, %get3A_657, %get3A_658] {strides = array<i32>} : memref<2x8x4x8x128xf32, #tpu.memory_space<vmem>>, vector<1x1x1x1x16xf32>,
        %get3A_660 = vector.shape_cast %get3A_659 : vector<1x1x1x1x16xf32> to vector<16xf32>
        %mul3A_661 = arith.mulf %get3A_660, %max3A_133 : vector<16xf32>
        %mul3A_662 = arith.mulf %mul3A_661, %mul3A_661 : vector<16xf32>
        %add3A_663 = arith.addf %add3A_645, %mul3A_662 : vector<16xf32>
        %slice3A_664 = vector.extract_strided_slice %get3A_144 {offsets = [12], sizes = [1], strides = [1]} : vector<16xf32> to vector<1xf32>
        %squeeze3A_665 = vector.extract %slice3A_664[0] : f32 from vector<1xf32>
        %mul3A_666 = vector.broadcast %squeeze3A_665 : f32 to vector<16xf32>
        %mul3A_667 = arith.mulf %mul3A_666, %get3A_660 : vector<16xf32>
        %add3A_668 = arith.addf %add3A_650, %mul3A_667 : vector<16xf32>
        %get3A_669 = arith.constant 0 : i32
        %get3A_670 = arith.constant 3 : i32
        %get3A_671 = arith.constant 5 : i32
        %get3A_672 = arith.index_cast %get3A_669 : i32 to index
        %get3A_673 = arith.index_cast %scan3A_109 : i32 to index
        %get3A_674 = arith.index_cast %get3A_670 : i32 to index
        %get3A_675 = arith.index_cast %get3A_671 : i32 to index
        %get3A_676 = arith.index_cast %multiple_of3A_123 : i32 to index
        %get3A_677 = tpu.vector_load %arg8[%get3A_672, %get3A_673, %get3A_674, %get3A_675, %get3A_676] {strides = array<i32>} : memref<2x8x4x8x128xf32, #tpu.memory_space<vmem>>, vector<1x1x1x1x16xf32>,
        %get3A_678 = vector.shape_cast %get3A_677 : vector<1x1x1x1x16xf32> to vector<16xf32>
        %mul3A_679 = arith.mulf %get3A_678, %max3A_133 : vector<16xf32>
        %mul3A_680 = arith.mulf %mul3A_679, %mul3A_679 : vector<16xf32>
        %add3A_681 = arith.addf %add3A_663, %mul3A_680 : vector<16xf32>
        %slice3A_682 = vector.extract_strided_slice %get3A_144 {offsets = [13], sizes = [1], strides = [1]} : vector<16xf32> to vector<1xf32>
        %squeeze3A_683 = vector.extract %slice3A_682[0] : f32 from vector<1xf32>
        %mul3A_684 = vector.broadcast %squeeze3A_683 : f32 to vector<16xf32>
        %mul3A_685 = arith.mulf %mul3A_684, %get3A_678 : vector<16xf32>
        %add3A_686 = arith.addf %add3A_668, %mul3A_685 : vector<16xf32>
        %get3A_687 = arith.constant 0 : i32
        %get3A_688 = arith.constant 3 : i32
        %get3A_689 = arith.constant 6 : i32
        %get3A_690 = arith.index_cast %get3A_687 : i32 to index
        %get3A_691 = arith.index_cast %scan3A_109 : i32 to index
        %get3A_692 = arith.index_cast %get3A_688 : i32 to index
        %get3A_693 = arith.index_cast %get3A_689 : i32 to index
        %get3A_694 = arith.index_cast %multiple_of3A_123 : i32 to index
        %get3A_695 = tpu.vector_load %arg8[%get3A_690, %get3A_691, %get3A_692, %get3A_693, %get3A_694] {strides = array<i32>} : memref<2x8x4x8x128xf32, #tpu.memory_space<vmem>>, vector<1x1x1x1x16xf32>,
        %get3A_696 = vector.shape_cast %get3A_695 : vector<1x1x1x1x16xf32> to vector<16xf32>
        %mul3A_697 = arith.mulf %get3A_696, %max3A_133 : vector<16xf32>
        %mul3A_698 = arith.mulf %mul3A_697, %mul3A_697 : vector<16xf32>
        %add3A_699 = arith.addf %add3A_681, %mul3A_698 : vector<16xf32>
        %slice3A_700 = vector.extract_strided_slice %get3A_144 {offsets = [14], sizes = [1], strides = [1]} : vector<16xf32> to vector<1xf32>
        %squeeze3A_701 = vector.extract %slice3A_700[0] : f32 from vector<1xf32>
        %mul3A_702 = vector.broadcast %squeeze3A_701 : f32 to vector<16xf32>
        %mul3A_703 = arith.mulf %mul3A_702, %get3A_696 : vector<16xf32>
        %add3A_704 = arith.addf %add3A_686, %mul3A_703 : vector<16xf32>
        %get3A_705 = arith.constant 0 : i32
        %get3A_706 = arith.constant 3 : i32
        %get3A_707 = arith.constant 7 : i32
        %get3A_708 = arith.index_cast %get3A_705 : i32 to index
        %get3A_709 = arith.index_cast %scan3A_109 : i32 to index
        %get3A_710 = arith.index_cast %get3A_706 : i32 to index
        %get3A_711 = arith.index_cast %get3A_707 : i32 to index
        %get3A_712 = arith.index_cast %multiple_of3A_123 : i32 to index
        %get3A_713 = tpu.vector_load %arg8[%get3A_708, %get3A_709, %get3A_710, %get3A_711, %get3A_712] {strides = array<i32>} : memref<2x8x4x8x128xf32, #tpu.memory_space<vmem>>, vector<1x1x1x1x16xf32>,
        %get3A_714 = vector.shape_cast %get3A_713 : vector<1x1x1x1x16xf32> to vector<16xf32>
        %mul3A_715 = arith.mulf %get3A_714, %max3A_133 : vector<16xf32>
        %mul3A_716 = arith.mulf %mul3A_715, %mul3A_715 : vector<16xf32>
        %add3A_717 = arith.addf %add3A_699, %mul3A_716 : vector<16xf32>
        %slice3A_718 = vector.extract_strided_slice %get3A_144 {offsets = [15], sizes = [1], strides = [1]} : vector<16xf32> to vector<1xf32>
        %squeeze3A_719 = vector.extract %slice3A_718[0] : f32 from vector<1xf32>
        %mul3A_720 = vector.broadcast %squeeze3A_719 : f32 to vector<16xf32>
        %mul3A_721 = arith.mulf %mul3A_720, %get3A_714 : vector<16xf32>
        %add3A_722 = arith.addf %add3A_704, %mul3A_721 : vector<16xf32>
        %mul3A_723 = arith.mulf %get3A_139, %get3A_139 : vector<16xf32>
        %add3A_724 = arith.addf %scan3A_110, %mul3A_723 : vector<16xf32>
        %mul3A_725 = arith.mulf %get3A_144, %get3A_144 : vector<16xf32>
        %add3A_726 = arith.addf %add3A_724, %mul3A_725 : vector<16xf32>
        %add3A_727 = arith.addf %add3A_726, %add3A_717 : vector<16xf32>
        %mul3A_728 = arith.mulf %add3A_722, %max3A_133 : vector<16xf32>
        %mul3A_729 = arith.constant 2.000000e+00 : f32
        %mul3A_730 = vector.broadcast %mul3A_729 : f32 to vector<16xf32>
        %mul3A_731 = arith.mulf %mul3A_730, %mul3A_728 : vector<16xf32>
        %sub3A_732 = arith.subf %scan3A_111, %mul3A_731 : vector<16xf32>
        scf.yield %add3A_727, %sub3A_732 : vector<16xf32>, vector<16xf32>
      }
      %scan3A_79 = arith.constant 8 : i32
      %add3A_80 = arith.constant 1 : i32
      %add3A_81 = arith.addi %scan3A_63, %add3A_80 : i32
      %lt3A_82 = arith.constant 32 : i32
      %lt3A_83 = arith.cmpi slt, %add3A_81, %lt3A_82 : i32
      %convert_element_type3A_84 = arith.extui %lt3A_83 : i1 to i32
      %cond3A = arith.constant 0 : i32
      %cond3A_85 = arith.cmpi ne, %convert_element_type3A_84, %cond3A : i32
      scf.if %cond3A_85 {
        %add3A_109 = arith.constant 2 : i32
        %add3A_110 = arith.addi %mul3A_67, %add3A_109 : i32
        %scan3A_111 = arith.constant 0 : i32
        %scan3A_112 = arith.constant 0 : i32
        %scan3A_113 = arith.constant 8 : i32
        %scan3A_114 = arith.addi %scan3A_112, %scan3A_113 : i32
        %scan3A_115 = arith.constant 1 : i32
        scf.for %scan3A_117 = %scan3A_112 to %scan3A_114 step %scan3A_115  : i32 {
          %mul3A_118 = arith.constant 8 : i32
          %mul3A_119 = arith.muli %add3A_110, %mul3A_118 : i32
          %add3A_120 = arith.addi %mul3A_119, %scan3A_117 : i32
          %mul3A_121 = arith.constant 16 : i32
          %mul3A_122 = arith.muli %add3A_120, %mul3A_121 : i32
          %multiple_of3A = tpu.assume_multiple %mul3A_122, 16 : i32
          %get3A = arith.index_cast %multiple_of3A : i32 to index
          %get3A_123 = tpu.vector_load %arg6[%get3A] {strides = array<i32>} : memref<8192xi32, #tpu.memory_space<vmem>>, vector<16xi32>,
          %get3A_124 = vector.shape_cast %get3A_123 : vector<16xi32> to vector<16xi32>
          %slice3A = vector.extract_strided_slice %get3A_124 {offsets = [0], sizes = [1], strides = [1]} : vector<16xi32> to vector<1xi32>
          %squeeze3A = vector.extract %slice3A[0] : i32 from vector<1xi32>
          %shift_right_arithmetic3A = arith.constant 7 : i32
          %shift_right_arithmetic3A_125 = arith.shrsi %squeeze3A, %shift_right_arithmetic3A : i32
          %mul3A_126 = arith.constant 128 : i32
          %mul3A_127 = arith.muli %shift_right_arithmetic3A_125, %mul3A_126 : i32
          %multiple_of3A_128 = tpu.assume_multiple %mul3A_127, 128 : i32
          %dma_start3A_129 = arith.constant 0 : i32
          %dma_start3A_130 = arith.constant 0 : i32
          %dma_start3A_131 = arith.constant 0 : i32
          %dma_start3A_132 = arith.constant 0 : i32
          %dma_start3A_133 = tpu.memref_slice %arg8[%dma_start3A_129, %scan3A_117, %dma_start3A_130, %dma_start3A_131, %dma_start3A_132] : memref<2x8x4x8x128xf32, #tpu.memory_space<vmem>> -> memref<1x1x4x8x128xf32, #tpu.memory_space<vmem>>
          %dma_start3A_134 = tpu.memref_squeeze %dma_start3A_133 : memref<1x1x4x8x128xf32, #tpu.memory_space<vmem>> -> memref<4x8x128xf32, #tpu.memory_space<vmem>>
          %dma_start3A_135 = arith.constant 0 : i32
          %dma_start3A_136 = arith.constant 0 : i32
          %dma_start3A_137 = tpu.memref_slice %arg4[%dma_start3A_135, %dma_start3A_136, %multiple_of3A_128] : memref<4x8x1000000xf32, #tpu.memory_space<hbm>> -> memref<4x8x128xf32, #tpu.memory_space<hbm>>
          %dma_start3A_138 = arith.constant 0 : i32
          %dma_start3A_139 = arith.constant 0 : i32
          %dma_start3A_140 = arith.constant 0 : i32
          %dma_start3A_141 = tpu.memref_slice %arg8[%dma_start3A_129, %scan3A_117, %dma_start3A_138, %dma_start3A_139, %dma_start3A_140] : memref<2x8x4x8x128xf32, #tpu.memory_space<vmem>> -> memref<1x1x4x8x128xf32, #tpu.memory_space<vmem>>
          %dma_start3A_142 = tpu.memref_squeeze %dma_start3A_141 : memref<1x1x4x8x128xf32, #tpu.memory_space<vmem>> -> memref<4x8x128xf32, #tpu.memory_space<vmem>>
          %dma_start3A_143 = arith.constant 0 : i32
          %dma_start3A_144 = arith.constant 0 : i32
          %dma_start3A_145 = tpu.memref_slice %arg4[%dma_start3A_143, %dma_start3A_144, %multiple_of3A_128] : memref<4x8x1000000xf32, #tpu.memory_space<hbm>> -> memref<4x8x128xf32, #tpu.memory_space<hbm>>
          tpu.enqueue_dma source(%dma_start3A_145 : memref<4x8x128xf32, #tpu.memory_space<hbm>>) target(%dma_start3A_142 : memref<4x8x128xf32, #tpu.memory_space<vmem>>) target_semaphore(%arg10 : memref<!tpu.dma_semaphore, #tpu.memory_space<semaphore_mem>>)
        }
        %scan3A_116 = arith.constant 8 : i32
      } else {
      }
      %add3A_86 = arith.constant 1 : i32
      %add3A_87 = arith.addi %mul3A_67, %add3A_86 : i32
      %scan3A_88 = arith.constant 0 : i32
      %scan3A_89 = arith.constant 0 : i32
      %scan3A_90 = arith.constant 8 : i32
      %scan3A_91 = arith.addi %scan3A_89, %scan3A_90 : i32
      %scan3A_92 = arith.constant 1 : i32
      scf.for %scan3A_109 = %scan3A_89 to %scan3A_91 step %scan3A_92  : i32 {
        %mul3A_110 = arith.constant 8 : i32
        %mul3A_111 = arith.muli %add3A_87, %mul3A_110 : i32
        %add3A_112 = arith.addi %mul3A_111, %scan3A_109 : i32
        %mul3A_113 = arith.constant 16 : i32
        %mul3A_114 = arith.muli %add3A_112, %mul3A_113 : i32
        %multiple_of3A = tpu.assume_multiple %mul3A_114, 16 : i32
        %get3A = arith.index_cast %multiple_of3A : i32 to index
        %get3A_115 = tpu.vector_load %arg6[%get3A] {strides = array<i32>} : memref<8192xi32, #tpu.memory_space<vmem>>, vector<16xi32>,
        %get3A_116 = vector.shape_cast %get3A_115 : vector<16xi32> to vector<16xi32>
        %slice3A = vector.extract_strided_slice %get3A_116 {offsets = [0], sizes = [1], strides = [1]} : vector<16xi32> to vector<1xi32>
        %squeeze3A = vector.extract %slice3A[0] : i32 from vector<1xi32>
        %shift_right_arithmetic3A = arith.constant 7 : i32
        %shift_right_arithmetic3A_117 = arith.shrsi %squeeze3A, %shift_right_arithmetic3A : i32
        %mul3A_118 = arith.constant 128 : i32
        %mul3A_119 = arith.muli %shift_right_arithmetic3A_117, %mul3A_118 : i32
        %multiple_of3A_120 = tpu.assume_multiple %mul3A_119, 128 : i32
        %dma_wait3A_121 = arith.constant 1 : i32
        %dma_wait3A_122 = arith.constant 0 : i32
        %dma_wait3A_123 = arith.constant 0 : i32
        %dma_wait3A_124 = arith.constant 0 : i32
        %dma_wait3A_125 = tpu.memref_slice %arg8[%dma_wait3A_121, %scan3A_109, %dma_wait3A_122, %dma_wait3A_123, %dma_wait3A_124] : memref<2x8x4x8x128xf32, #tpu.memory_space<vmem>> -> memref<1x1x4x8x128xf32, #tpu.memory_space<vmem>>
        %dma_wait3A_126 = tpu.memref_squeeze %dma_wait3A_125 : memref<1x1x4x8x128xf32, #tpu.memory_space<vmem>> -> memref<4x8x128xf32, #tpu.memory_space<vmem>>
        %dma_wait3A_127 = arith.constant 0 : i32
        %dma_wait3A_128 = arith.constant 0 : i32
        %dma_wait3A_129 = tpu.memref_slice %arg4[%dma_wait3A_127, %dma_wait3A_128, %multiple_of3A_120] : memref<4x8x1000000xf32, #tpu.memory_space<hbm>> -> memref<4x8x128xf32, #tpu.memory_space<hbm>>
        %dma_wait3A_130 = arith.constant 0 : i32
        %dma_wait3A_131 = arith.constant 0 : i32
        %dma_wait3A_132 = arith.constant 0 : i32
        %dma_wait3A_133 = tpu.memref_slice %arg8[%dma_wait3A_121, %scan3A_109, %dma_wait3A_130, %dma_wait3A_131, %dma_wait3A_132] : memref<2x8x4x8x128xf32, #tpu.memory_space<vmem>> -> memref<1x1x4x8x128xf32, #tpu.memory_space<vmem>>
        %dma_wait3A_134 = tpu.memref_squeeze %dma_wait3A_133 : memref<1x1x4x8x128xf32, #tpu.memory_space<vmem>> -> memref<4x8x128xf32, #tpu.memory_space<vmem>>
        %dma_wait3A_135 = arith.constant 0 : i32
        %dma_wait3A_136 = arith.constant 0 : i32
        %dma_wait3A_137 = tpu.memref_slice %arg4[%dma_wait3A_135, %dma_wait3A_136, %multiple_of3A_120] : memref<4x8x1000000xf32, #tpu.memory_space<hbm>> -> memref<4x8x128xf32, #tpu.memory_space<hbm>>
        tpu.wait_dma2 semaphore(%arg11 : memref<!tpu.dma_semaphore, #tpu.memory_space<semaphore_mem>>) src(%dma_wait3A_137 : memref<4x8x128xf32, #tpu.memory_space<hbm>>) dst(%dma_wait3A_134 : memref<4x8x128xf32, #tpu.memory_space<vmem>>)
      }
      %scan3A_93 = arith.constant 8 : i32
      %add3A_94 = arith.constant 1 : i32
      %add3A_95 = arith.addi %mul3A_67, %add3A_94 : i32
      %scan3A_96 = arith.constant 0 : i32
      %scan3A_97 = arith.constant 8 : i32
      %scan3A_98 = arith.addi %scan3A_96, %scan3A_97 : i32
      %scan3A_99 = arith.constant 1 : i32
      %scan3A_100:2 = scf.for %scan3A_109 = %scan3A_96 to %scan3A_98 step %scan3A_99 iter_args(%scan3A_110 = %scan3A_78#0, %scan3A_111 = %scan3A_78#1) -> (vector<16xf32>, vector<16xf32>)  : i32 {
        %mul3A_112 = arith.constant 8 : i32
        %mul3A_113 = arith.muli %add3A_95, %mul3A_112 : i32
        %add3A_114 = arith.addi %mul3A_113, %scan3A_109 : i32
        %mul3A_115 = arith.constant 16 : i32
        %mul3A_116 = arith.muli %add3A_114, %mul3A_115 : i32
        %multiple_of3A = tpu.assume_multiple %mul3A_116, 16 : i32
        %get3A = arith.index_cast %multiple_of3A : i32 to index
        %get3A_117 = tpu.vector_load %arg6[%get3A] {strides = array<i32>} : memref<8192xi32, #tpu.memory_space<vmem>>, vector<16xi32>,
        %get3A_118 = vector.shape_cast %get3A_117 : vector<16xi32> to vector<16xi32>
        %slice3A = vector.extract_strided_slice %get3A_118 {offsets = [0], sizes = [1], strides = [1]} : vector<16xi32> to vector<1xi32>
        %squeeze3A = vector.extract %slice3A[0] : i32 from vector<1xi32>
        %and3A_119 = arith.constant 127 : i32
        %and3A_120 = arith.andi %squeeze3A, %and3A_119 : i32
        %and3A_121 = arith.constant -16 : i32
        %and3A_122 = arith.andi %and3A_120, %and3A_121 : i32
        %multiple_of3A_123 = tpu.assume_multiple %and3A_122, 16 : i32
        %and3A_124 = arith.constant 15 : i32
        %and3A_125 = arith.andi %and3A_120, %and3A_124 : i32
        %broadcast_in_dim3A_126 = vector.broadcast %and3A_125 : i32 to vector<16xi32>
        %convert_element_type3A_127 = arith.sitofp %broadcast_in_dim3A_126 : vector<16xi32> to vector<16xf32>
        %sub3A_128 = arith.subf %convert_element_type3A, %convert_element_type3A_127 : vector<16xf32>
        %abs3A = math.absf %sub3A_128 : vector<16xf32>
        %sub3A_129 = arith.constant 1.000000e+00 : f32
        %sub3A_130 = vector.broadcast %sub3A_129 : f32 to vector<16xf32>
        %sub3A_131 = arith.subf %sub3A_130, %abs3A : vector<16xf32>
        %max3A = arith.constant 0.000000e+00 : f32
        %max3A_132 = vector.broadcast %max3A : f32 to vector<16xf32>
        %max3A_133 = arith.maximumf %sub3A_131, %max3A_132 : vector<16xf32>
        %mul3A_134 = arith.constant 32 : i32
        %mul3A_135 = arith.muli %add3A_114, %mul3A_134 : i32
        %multiple_of3A_136 = tpu.assume_multiple %mul3A_135, 16 : i32
        %get3A_137 = arith.index_cast %multiple_of3A_136 : i32 to index
        %get3A_138 = tpu.vector_load %arg7[%get3A_137] {strides = array<i32>} : memref<16384xf32, #tpu.memory_space<vmem>>, vector<16xf32>,
        %get3A_139 = vector.shape_cast %get3A_138 : vector<16xf32> to vector<16xf32>
        %add3A_140 = arith.constant 16 : i32
        %add3A_141 = arith.addi %multiple_of3A_136, %add3A_140 : i32
        %get3A_142 = arith.index_cast %add3A_141 : i32 to index
        %get3A_143 = tpu.vector_load %arg7[%get3A_142] {strides = array<i32>} : memref<16384xf32, #tpu.memory_space<vmem>>, vector<16xf32>,
        %get3A_144 = vector.shape_cast %get3A_143 : vector<16xf32> to vector<16xf32>
        %broadcast_in_dim3A_145 = arith.constant 0.000000e+00 : f32
        %broadcast_in_dim3A_146 = vector.broadcast %broadcast_in_dim3A_145 : f32 to vector<16xf32>
        %get3A_147 = arith.constant 1 : i32
        %get3A_148 = arith.constant 0 : i32
        %get3A_149 = arith.constant 0 : i32
        %get3A_150 = arith.index_cast %get3A_147 : i32 to index
        %get3A_151 = arith.index_cast %scan3A_109 : i32 to index
        %get3A_152 = arith.index_cast %get3A_148 : i32 to index
        %get3A_153 = arith.index_cast %get3A_149 : i32 to index
        %get3A_154 = arith.index_cast %multiple_of3A_123 : i32 to index
        %get3A_155 = tpu.vector_load %arg8[%get3A_150, %get3A_151, %get3A_152, %get3A_153, %get3A_154] {strides = array<i32>} : memref<2x8x4x8x128xf32, #tpu.memory_space<vmem>>, vector<1x1x1x1x16xf32>,
        %get3A_156 = vector.shape_cast %get3A_155 : vector<1x1x1x1x16xf32> to vector<16xf32>
        %mul3A_157 = arith.mulf %get3A_156, %max3A_133 : vector<16xf32>
        %mul3A_158 = arith.mulf %mul3A_157, %mul3A_157 : vector<16xf32>
        %add3A_159 = arith.addf %broadcast_in_dim3A_146, %mul3A_158 : vector<16xf32>
        %slice3A_160 = vector.extract_strided_slice %get3A_139 {offsets = [0], sizes = [1], strides = [1]} : vector<16xf32> to vector<1xf32>
        %squeeze3A_161 = vector.extract %slice3A_160[0] : f32 from vector<1xf32>
        %mul3A_162 = vector.broadcast %squeeze3A_161 : f32 to vector<16xf32>
        %mul3A_163 = arith.mulf %mul3A_162, %get3A_156 : vector<16xf32>
        %add3A_164 = arith.addf %broadcast_in_dim3A_146, %mul3A_163 : vector<16xf32>
        %get3A_165 = arith.constant 1 : i32
        %get3A_166 = arith.constant 0 : i32
        %get3A_167 = arith.constant 1 : i32
        %get3A_168 = arith.index_cast %get3A_165 : i32 to index
        %get3A_169 = arith.index_cast %scan3A_109 : i32 to index
        %get3A_170 = arith.index_cast %get3A_166 : i32 to index
        %get3A_171 = arith.index_cast %get3A_167 : i32 to index
        %get3A_172 = arith.index_cast %multiple_of3A_123 : i32 to index
        %get3A_173 = tpu.vector_load %arg8[%get3A_168, %get3A_169, %get3A_170, %get3A_171, %get3A_172] {strides = array<i32>} : memref<2x8x4x8x128xf32, #tpu.memory_space<vmem>>, vector<1x1x1x1x16xf32>,
        %get3A_174 = vector.shape_cast %get3A_173 : vector<1x1x1x1x16xf32> to vector<16xf32>
        %mul3A_175 = arith.mulf %get3A_174, %max3A_133 : vector<16xf32>
        %mul3A_176 = arith.mulf %mul3A_175, %mul3A_175 : vector<16xf32>
        %add3A_177 = arith.addf %add3A_159, %mul3A_176 : vector<16xf32>
        %slice3A_178 = vector.extract_strided_slice %get3A_139 {offsets = [1], sizes = [1], strides = [1]} : vector<16xf32> to vector<1xf32>
        %squeeze3A_179 = vector.extract %slice3A_178[0] : f32 from vector<1xf32>
        %mul3A_180 = vector.broadcast %squeeze3A_179 : f32 to vector<16xf32>
        %mul3A_181 = arith.mulf %mul3A_180, %get3A_174 : vector<16xf32>
        %add3A_182 = arith.addf %add3A_164, %mul3A_181 : vector<16xf32>
        %get3A_183 = arith.constant 1 : i32
        %get3A_184 = arith.constant 0 : i32
        %get3A_185 = arith.constant 2 : i32
        %get3A_186 = arith.index_cast %get3A_183 : i32 to index
        %get3A_187 = arith.index_cast %scan3A_109 : i32 to index
        %get3A_188 = arith.index_cast %get3A_184 : i32 to index
        %get3A_189 = arith.index_cast %get3A_185 : i32 to index
        %get3A_190 = arith.index_cast %multiple_of3A_123 : i32 to index
        %get3A_191 = tpu.vector_load %arg8[%get3A_186, %get3A_187, %get3A_188, %get3A_189, %get3A_190] {strides = array<i32>} : memref<2x8x4x8x128xf32, #tpu.memory_space<vmem>>, vector<1x1x1x1x16xf32>,
        %get3A_192 = vector.shape_cast %get3A_191 : vector<1x1x1x1x16xf32> to vector<16xf32>
        %mul3A_193 = arith.mulf %get3A_192, %max3A_133 : vector<16xf32>
        %mul3A_194 = arith.mulf %mul3A_193, %mul3A_193 : vector<16xf32>
        %add3A_195 = arith.addf %add3A_177, %mul3A_194 : vector<16xf32>
        %slice3A_196 = vector.extract_strided_slice %get3A_139 {offsets = [2], sizes = [1], strides = [1]} : vector<16xf32> to vector<1xf32>
        %squeeze3A_197 = vector.extract %slice3A_196[0] : f32 from vector<1xf32>
        %mul3A_198 = vector.broadcast %squeeze3A_197 : f32 to vector<16xf32>
        %mul3A_199 = arith.mulf %mul3A_198, %get3A_192 : vector<16xf32>
        %add3A_200 = arith.addf %add3A_182, %mul3A_199 : vector<16xf32>
        %get3A_201 = arith.constant 1 : i32
        %get3A_202 = arith.constant 0 : i32
        %get3A_203 = arith.constant 3 : i32
        %get3A_204 = arith.index_cast %get3A_201 : i32 to index
        %get3A_205 = arith.index_cast %scan3A_109 : i32 to index
        %get3A_206 = arith.index_cast %get3A_202 : i32 to index
        %get3A_207 = arith.index_cast %get3A_203 : i32 to index
        %get3A_208 = arith.index_cast %multiple_of3A_123 : i32 to index
        %get3A_209 = tpu.vector_load %arg8[%get3A_204, %get3A_205, %get3A_206, %get3A_207, %get3A_208] {strides = array<i32>} : memref<2x8x4x8x128xf32, #tpu.memory_space<vmem>>, vector<1x1x1x1x16xf32>,
        %get3A_210 = vector.shape_cast %get3A_209 : vector<1x1x1x1x16xf32> to vector<16xf32>
        %mul3A_211 = arith.mulf %get3A_210, %max3A_133 : vector<16xf32>
        %mul3A_212 = arith.mulf %mul3A_211, %mul3A_211 : vector<16xf32>
        %add3A_213 = arith.addf %add3A_195, %mul3A_212 : vector<16xf32>
        %slice3A_214 = vector.extract_strided_slice %get3A_139 {offsets = [3], sizes = [1], strides = [1]} : vector<16xf32> to vector<1xf32>
        %squeeze3A_215 = vector.extract %slice3A_214[0] : f32 from vector<1xf32>
        %mul3A_216 = vector.broadcast %squeeze3A_215 : f32 to vector<16xf32>
        %mul3A_217 = arith.mulf %mul3A_216, %get3A_210 : vector<16xf32>
        %add3A_218 = arith.addf %add3A_200, %mul3A_217 : vector<16xf32>
        %get3A_219 = arith.constant 1 : i32
        %get3A_220 = arith.constant 0 : i32
        %get3A_221 = arith.constant 4 : i32
        %get3A_222 = arith.index_cast %get3A_219 : i32 to index
        %get3A_223 = arith.index_cast %scan3A_109 : i32 to index
        %get3A_224 = arith.index_cast %get3A_220 : i32 to index
        %get3A_225 = arith.index_cast %get3A_221 : i32 to index
        %get3A_226 = arith.index_cast %multiple_of3A_123 : i32 to index
        %get3A_227 = tpu.vector_load %arg8[%get3A_222, %get3A_223, %get3A_224, %get3A_225, %get3A_226] {strides = array<i32>} : memref<2x8x4x8x128xf32, #tpu.memory_space<vmem>>, vector<1x1x1x1x16xf32>,
        %get3A_228 = vector.shape_cast %get3A_227 : vector<1x1x1x1x16xf32> to vector<16xf32>
        %mul3A_229 = arith.mulf %get3A_228, %max3A_133 : vector<16xf32>
        %mul3A_230 = arith.mulf %mul3A_229, %mul3A_229 : vector<16xf32>
        %add3A_231 = arith.addf %add3A_213, %mul3A_230 : vector<16xf32>
        %slice3A_232 = vector.extract_strided_slice %get3A_139 {offsets = [4], sizes = [1], strides = [1]} : vector<16xf32> to vector<1xf32>
        %squeeze3A_233 = vector.extract %slice3A_232[0] : f32 from vector<1xf32>
        %mul3A_234 = vector.broadcast %squeeze3A_233 : f32 to vector<16xf32>
        %mul3A_235 = arith.mulf %mul3A_234, %get3A_228 : vector<16xf32>
        %add3A_236 = arith.addf %add3A_218, %mul3A_235 : vector<16xf32>
        %get3A_237 = arith.constant 1 : i32
        %get3A_238 = arith.constant 0 : i32
        %get3A_239 = arith.constant 5 : i32
        %get3A_240 = arith.index_cast %get3A_237 : i32 to index
        %get3A_241 = arith.index_cast %scan3A_109 : i32 to index
        %get3A_242 = arith.index_cast %get3A_238 : i32 to index
        %get3A_243 = arith.index_cast %get3A_239 : i32 to index
        %get3A_244 = arith.index_cast %multiple_of3A_123 : i32 to index
        %get3A_245 = tpu.vector_load %arg8[%get3A_240, %get3A_241, %get3A_242, %get3A_243, %get3A_244] {strides = array<i32>} : memref<2x8x4x8x128xf32, #tpu.memory_space<vmem>>, vector<1x1x1x1x16xf32>,
        %get3A_246 = vector.shape_cast %get3A_245 : vector<1x1x1x1x16xf32> to vector<16xf32>
        %mul3A_247 = arith.mulf %get3A_246, %max3A_133 : vector<16xf32>
        %mul3A_248 = arith.mulf %mul3A_247, %mul3A_247 : vector<16xf32>
        %add3A_249 = arith.addf %add3A_231, %mul3A_248 : vector<16xf32>
        %slice3A_250 = vector.extract_strided_slice %get3A_139 {offsets = [5], sizes = [1], strides = [1]} : vector<16xf32> to vector<1xf32>
        %squeeze3A_251 = vector.extract %slice3A_250[0] : f32 from vector<1xf32>
        %mul3A_252 = vector.broadcast %squeeze3A_251 : f32 to vector<16xf32>
        %mul3A_253 = arith.mulf %mul3A_252, %get3A_246 : vector<16xf32>
        %add3A_254 = arith.addf %add3A_236, %mul3A_253 : vector<16xf32>
        %get3A_255 = arith.constant 1 : i32
        %get3A_256 = arith.constant 0 : i32
        %get3A_257 = arith.constant 6 : i32
        %get3A_258 = arith.index_cast %get3A_255 : i32 to index
        %get3A_259 = arith.index_cast %scan3A_109 : i32 to index
        %get3A_260 = arith.index_cast %get3A_256 : i32 to index
        %get3A_261 = arith.index_cast %get3A_257 : i32 to index
        %get3A_262 = arith.index_cast %multiple_of3A_123 : i32 to index
        %get3A_263 = tpu.vector_load %arg8[%get3A_258, %get3A_259, %get3A_260, %get3A_261, %get3A_262] {strides = array<i32>} : memref<2x8x4x8x128xf32, #tpu.memory_space<vmem>>, vector<1x1x1x1x16xf32>,
        %get3A_264 = vector.shape_cast %get3A_263 : vector<1x1x1x1x16xf32> to vector<16xf32>
        %mul3A_265 = arith.mulf %get3A_264, %max3A_133 : vector<16xf32>
        %mul3A_266 = arith.mulf %mul3A_265, %mul3A_265 : vector<16xf32>
        %add3A_267 = arith.addf %add3A_249, %mul3A_266 : vector<16xf32>
        %slice3A_268 = vector.extract_strided_slice %get3A_139 {offsets = [6], sizes = [1], strides = [1]} : vector<16xf32> to vector<1xf32>
        %squeeze3A_269 = vector.extract %slice3A_268[0] : f32 from vector<1xf32>
        %mul3A_270 = vector.broadcast %squeeze3A_269 : f32 to vector<16xf32>
        %mul3A_271 = arith.mulf %mul3A_270, %get3A_264 : vector<16xf32>
        %add3A_272 = arith.addf %add3A_254, %mul3A_271 : vector<16xf32>
        %get3A_273 = arith.constant 1 : i32
        %get3A_274 = arith.constant 0 : i32
        %get3A_275 = arith.constant 7 : i32
        %get3A_276 = arith.index_cast %get3A_273 : i32 to index
        %get3A_277 = arith.index_cast %scan3A_109 : i32 to index
        %get3A_278 = arith.index_cast %get3A_274 : i32 to index
        %get3A_279 = arith.index_cast %get3A_275 : i32 to index
        %get3A_280 = arith.index_cast %multiple_of3A_123 : i32 to index
        %get3A_281 = tpu.vector_load %arg8[%get3A_276, %get3A_277, %get3A_278, %get3A_279, %get3A_280] {strides = array<i32>} : memref<2x8x4x8x128xf32, #tpu.memory_space<vmem>>, vector<1x1x1x1x16xf32>,
        %get3A_282 = vector.shape_cast %get3A_281 : vector<1x1x1x1x16xf32> to vector<16xf32>
        %mul3A_283 = arith.mulf %get3A_282, %max3A_133 : vector<16xf32>
        %mul3A_284 = arith.mulf %mul3A_283, %mul3A_283 : vector<16xf32>
        %add3A_285 = arith.addf %add3A_267, %mul3A_284 : vector<16xf32>
        %slice3A_286 = vector.extract_strided_slice %get3A_139 {offsets = [7], sizes = [1], strides = [1]} : vector<16xf32> to vector<1xf32>
        %squeeze3A_287 = vector.extract %slice3A_286[0] : f32 from vector<1xf32>
        %mul3A_288 = vector.broadcast %squeeze3A_287 : f32 to vector<16xf32>
        %mul3A_289 = arith.mulf %mul3A_288, %get3A_282 : vector<16xf32>
        %add3A_290 = arith.addf %add3A_272, %mul3A_289 : vector<16xf32>
        %get3A_291 = arith.constant 1 : i32
        %get3A_292 = arith.constant 1 : i32
        %get3A_293 = arith.constant 0 : i32
        %get3A_294 = arith.index_cast %get3A_291 : i32 to index
        %get3A_295 = arith.index_cast %scan3A_109 : i32 to index
        %get3A_296 = arith.index_cast %get3A_292 : i32 to index
        %get3A_297 = arith.index_cast %get3A_293 : i32 to index
        %get3A_298 = arith.index_cast %multiple_of3A_123 : i32 to index
        %get3A_299 = tpu.vector_load %arg8[%get3A_294, %get3A_295, %get3A_296, %get3A_297, %get3A_298] {strides = array<i32>} : memref<2x8x4x8x128xf32, #tpu.memory_space<vmem>>, vector<1x1x1x1x16xf32>,
        %get3A_300 = vector.shape_cast %get3A_299 : vector<1x1x1x1x16xf32> to vector<16xf32>
        %mul3A_301 = arith.mulf %get3A_300, %max3A_133 : vector<16xf32>
        %mul3A_302 = arith.mulf %mul3A_301, %mul3A_301 : vector<16xf32>
        %add3A_303 = arith.addf %add3A_285, %mul3A_302 : vector<16xf32>
        %slice3A_304 = vector.extract_strided_slice %get3A_139 {offsets = [8], sizes = [1], strides = [1]} : vector<16xf32> to vector<1xf32>
        %squeeze3A_305 = vector.extract %slice3A_304[0] : f32 from vector<1xf32>
        %mul3A_306 = vector.broadcast %squeeze3A_305 : f32 to vector<16xf32>
        %mul3A_307 = arith.mulf %mul3A_306, %get3A_300 : vector<16xf32>
        %add3A_308 = arith.addf %add3A_290, %mul3A_307 : vector<16xf32>
        %get3A_309 = arith.constant 1 : i32
        %get3A_310 = arith.constant 1 : i32
        %get3A_311 = arith.constant 1 : i32
        %get3A_312 = arith.index_cast %get3A_309 : i32 to index
        %get3A_313 = arith.index_cast %scan3A_109 : i32 to index
        %get3A_314 = arith.index_cast %get3A_310 : i32 to index
        %get3A_315 = arith.index_cast %get3A_311 : i32 to index
        %get3A_316 = arith.index_cast %multiple_of3A_123 : i32 to index
        %get3A_317 = tpu.vector_load %arg8[%get3A_312, %get3A_313, %get3A_314, %get3A_315, %get3A_316] {strides = array<i32>} : memref<2x8x4x8x128xf32, #tpu.memory_space<vmem>>, vector<1x1x1x1x16xf32>,
        %get3A_318 = vector.shape_cast %get3A_317 : vector<1x1x1x1x16xf32> to vector<16xf32>
        %mul3A_319 = arith.mulf %get3A_318, %max3A_133 : vector<16xf32>
        %mul3A_320 = arith.mulf %mul3A_319, %mul3A_319 : vector<16xf32>
        %add3A_321 = arith.addf %add3A_303, %mul3A_320 : vector<16xf32>
        %slice3A_322 = vector.extract_strided_slice %get3A_139 {offsets = [9], sizes = [1], strides = [1]} : vector<16xf32> to vector<1xf32>
        %squeeze3A_323 = vector.extract %slice3A_322[0] : f32 from vector<1xf32>
        %mul3A_324 = vector.broadcast %squeeze3A_323 : f32 to vector<16xf32>
        %mul3A_325 = arith.mulf %mul3A_324, %get3A_318 : vector<16xf32>
        %add3A_326 = arith.addf %add3A_308, %mul3A_325 : vector<16xf32>
        %get3A_327 = arith.constant 1 : i32
        %get3A_328 = arith.constant 1 : i32
        %get3A_329 = arith.constant 2 : i32
        %get3A_330 = arith.index_cast %get3A_327 : i32 to index
        %get3A_331 = arith.index_cast %scan3A_109 : i32 to index
        %get3A_332 = arith.index_cast %get3A_328 : i32 to index
        %get3A_333 = arith.index_cast %get3A_329 : i32 to index
        %get3A_334 = arith.index_cast %multiple_of3A_123 : i32 to index
        %get3A_335 = tpu.vector_load %arg8[%get3A_330, %get3A_331, %get3A_332, %get3A_333, %get3A_334] {strides = array<i32>} : memref<2x8x4x8x128xf32, #tpu.memory_space<vmem>>, vector<1x1x1x1x16xf32>,
        %get3A_336 = vector.shape_cast %get3A_335 : vector<1x1x1x1x16xf32> to vector<16xf32>
        %mul3A_337 = arith.mulf %get3A_336, %max3A_133 : vector<16xf32>
        %mul3A_338 = arith.mulf %mul3A_337, %mul3A_337 : vector<16xf32>
        %add3A_339 = arith.addf %add3A_321, %mul3A_338 : vector<16xf32>
        %slice3A_340 = vector.extract_strided_slice %get3A_139 {offsets = [10], sizes = [1], strides = [1]} : vector<16xf32> to vector<1xf32>
        %squeeze3A_341 = vector.extract %slice3A_340[0] : f32 from vector<1xf32>
        %mul3A_342 = vector.broadcast %squeeze3A_341 : f32 to vector<16xf32>
        %mul3A_343 = arith.mulf %mul3A_342, %get3A_336 : vector<16xf32>
        %add3A_344 = arith.addf %add3A_326, %mul3A_343 : vector<16xf32>
        %get3A_345 = arith.constant 1 : i32
        %get3A_346 = arith.constant 1 : i32
        %get3A_347 = arith.constant 3 : i32
        %get3A_348 = arith.index_cast %get3A_345 : i32 to index
        %get3A_349 = arith.index_cast %scan3A_109 : i32 to index
        %get3A_350 = arith.index_cast %get3A_346 : i32 to index
        %get3A_351 = arith.index_cast %get3A_347 : i32 to index
        %get3A_352 = arith.index_cast %multiple_of3A_123 : i32 to index
        %get3A_353 = tpu.vector_load %arg8[%get3A_348, %get3A_349, %get3A_350, %get3A_351, %get3A_352] {strides = array<i32>} : memref<2x8x4x8x128xf32, #tpu.memory_space<vmem>>, vector<1x1x1x1x16xf32>,
        %get3A_354 = vector.shape_cast %get3A_353 : vector<1x1x1x1x16xf32> to vector<16xf32>
        %mul3A_355 = arith.mulf %get3A_354, %max3A_133 : vector<16xf32>
        %mul3A_356 = arith.mulf %mul3A_355, %mul3A_355 : vector<16xf32>
        %add3A_357 = arith.addf %add3A_339, %mul3A_356 : vector<16xf32>
        %slice3A_358 = vector.extract_strided_slice %get3A_139 {offsets = [11], sizes = [1], strides = [1]} : vector<16xf32> to vector<1xf32>
        %squeeze3A_359 = vector.extract %slice3A_358[0] : f32 from vector<1xf32>
        %mul3A_360 = vector.broadcast %squeeze3A_359 : f32 to vector<16xf32>
        %mul3A_361 = arith.mulf %mul3A_360, %get3A_354 : vector<16xf32>
        %add3A_362 = arith.addf %add3A_344, %mul3A_361 : vector<16xf32>
        %get3A_363 = arith.constant 1 : i32
        %get3A_364 = arith.constant 1 : i32
        %get3A_365 = arith.constant 4 : i32
        %get3A_366 = arith.index_cast %get3A_363 : i32 to index
        %get3A_367 = arith.index_cast %scan3A_109 : i32 to index
        %get3A_368 = arith.index_cast %get3A_364 : i32 to index
        %get3A_369 = arith.index_cast %get3A_365 : i32 to index
        %get3A_370 = arith.index_cast %multiple_of3A_123 : i32 to index
        %get3A_371 = tpu.vector_load %arg8[%get3A_366, %get3A_367, %get3A_368, %get3A_369, %get3A_370] {strides = array<i32>} : memref<2x8x4x8x128xf32, #tpu.memory_space<vmem>>, vector<1x1x1x1x16xf32>,
        %get3A_372 = vector.shape_cast %get3A_371 : vector<1x1x1x1x16xf32> to vector<16xf32>
        %mul3A_373 = arith.mulf %get3A_372, %max3A_133 : vector<16xf32>
        %mul3A_374 = arith.mulf %mul3A_373, %mul3A_373 : vector<16xf32>
        %add3A_375 = arith.addf %add3A_357, %mul3A_374 : vector<16xf32>
        %slice3A_376 = vector.extract_strided_slice %get3A_139 {offsets = [12], sizes = [1], strides = [1]} : vector<16xf32> to vector<1xf32>
        %squeeze3A_377 = vector.extract %slice3A_376[0] : f32 from vector<1xf32>
        %mul3A_378 = vector.broadcast %squeeze3A_377 : f32 to vector<16xf32>
        %mul3A_379 = arith.mulf %mul3A_378, %get3A_372 : vector<16xf32>
        %add3A_380 = arith.addf %add3A_362, %mul3A_379 : vector<16xf32>
        %get3A_381 = arith.constant 1 : i32
        %get3A_382 = arith.constant 1 : i32
        %get3A_383 = arith.constant 5 : i32
        %get3A_384 = arith.index_cast %get3A_381 : i32 to index
        %get3A_385 = arith.index_cast %scan3A_109 : i32 to index
        %get3A_386 = arith.index_cast %get3A_382 : i32 to index
        %get3A_387 = arith.index_cast %get3A_383 : i32 to index
        %get3A_388 = arith.index_cast %multiple_of3A_123 : i32 to index
        %get3A_389 = tpu.vector_load %arg8[%get3A_384, %get3A_385, %get3A_386, %get3A_387, %get3A_388] {strides = array<i32>} : memref<2x8x4x8x128xf32, #tpu.memory_space<vmem>>, vector<1x1x1x1x16xf32>,
        %get3A_390 = vector.shape_cast %get3A_389 : vector<1x1x1x1x16xf32> to vector<16xf32>
        %mul3A_391 = arith.mulf %get3A_390, %max3A_133 : vector<16xf32>
        %mul3A_392 = arith.mulf %mul3A_391, %mul3A_391 : vector<16xf32>
        %add3A_393 = arith.addf %add3A_375, %mul3A_392 : vector<16xf32>
        %slice3A_394 = vector.extract_strided_slice %get3A_139 {offsets = [13], sizes = [1], strides = [1]} : vector<16xf32> to vector<1xf32>
        %squeeze3A_395 = vector.extract %slice3A_394[0] : f32 from vector<1xf32>
        %mul3A_396 = vector.broadcast %squeeze3A_395 : f32 to vector<16xf32>
        %mul3A_397 = arith.mulf %mul3A_396, %get3A_390 : vector<16xf32>
        %add3A_398 = arith.addf %add3A_380, %mul3A_397 : vector<16xf32>
        %get3A_399 = arith.constant 1 : i32
        %get3A_400 = arith.constant 1 : i32
        %get3A_401 = arith.constant 6 : i32
        %get3A_402 = arith.index_cast %get3A_399 : i32 to index
        %get3A_403 = arith.index_cast %scan3A_109 : i32 to index
        %get3A_404 = arith.index_cast %get3A_400 : i32 to index
        %get3A_405 = arith.index_cast %get3A_401 : i32 to index
        %get3A_406 = arith.index_cast %multiple_of3A_123 : i32 to index
        %get3A_407 = tpu.vector_load %arg8[%get3A_402, %get3A_403, %get3A_404, %get3A_405, %get3A_406] {strides = array<i32>} : memref<2x8x4x8x128xf32, #tpu.memory_space<vmem>>, vector<1x1x1x1x16xf32>,
        %get3A_408 = vector.shape_cast %get3A_407 : vector<1x1x1x1x16xf32> to vector<16xf32>
        %mul3A_409 = arith.mulf %get3A_408, %max3A_133 : vector<16xf32>
        %mul3A_410 = arith.mulf %mul3A_409, %mul3A_409 : vector<16xf32>
        %add3A_411 = arith.addf %add3A_393, %mul3A_410 : vector<16xf32>
        %slice3A_412 = vector.extract_strided_slice %get3A_139 {offsets = [14], sizes = [1], strides = [1]} : vector<16xf32> to vector<1xf32>
        %squeeze3A_413 = vector.extract %slice3A_412[0] : f32 from vector<1xf32>
        %mul3A_414 = vector.broadcast %squeeze3A_413 : f32 to vector<16xf32>
        %mul3A_415 = arith.mulf %mul3A_414, %get3A_408 : vector<16xf32>
        %add3A_416 = arith.addf %add3A_398, %mul3A_415 : vector<16xf32>
        %get3A_417 = arith.constant 1 : i32
        %get3A_418 = arith.constant 1 : i32
        %get3A_419 = arith.constant 7 : i32
        %get3A_420 = arith.index_cast %get3A_417 : i32 to index
        %get3A_421 = arith.index_cast %scan3A_109 : i32 to index
        %get3A_422 = arith.index_cast %get3A_418 : i32 to index
        %get3A_423 = arith.index_cast %get3A_419 : i32 to index
        %get3A_424 = arith.index_cast %multiple_of3A_123 : i32 to index
        %get3A_425 = tpu.vector_load %arg8[%get3A_420, %get3A_421, %get3A_422, %get3A_423, %get3A_424] {strides = array<i32>} : memref<2x8x4x8x128xf32, #tpu.memory_space<vmem>>, vector<1x1x1x1x16xf32>,
        %get3A_426 = vector.shape_cast %get3A_425 : vector<1x1x1x1x16xf32> to vector<16xf32>
        %mul3A_427 = arith.mulf %get3A_426, %max3A_133 : vector<16xf32>
        %mul3A_428 = arith.mulf %mul3A_427, %mul3A_427 : vector<16xf32>
        %add3A_429 = arith.addf %add3A_411, %mul3A_428 : vector<16xf32>
        %slice3A_430 = vector.extract_strided_slice %get3A_139 {offsets = [15], sizes = [1], strides = [1]} : vector<16xf32> to vector<1xf32>
        %squeeze3A_431 = vector.extract %slice3A_430[0] : f32 from vector<1xf32>
        %mul3A_432 = vector.broadcast %squeeze3A_431 : f32 to vector<16xf32>
        %mul3A_433 = arith.mulf %mul3A_432, %get3A_426 : vector<16xf32>
        %add3A_434 = arith.addf %add3A_416, %mul3A_433 : vector<16xf32>
        %get3A_435 = arith.constant 1 : i32
        %get3A_436 = arith.constant 2 : i32
        %get3A_437 = arith.constant 0 : i32
        %get3A_438 = arith.index_cast %get3A_435 : i32 to index
        %get3A_439 = arith.index_cast %scan3A_109 : i32 to index
        %get3A_440 = arith.index_cast %get3A_436 : i32 to index
        %get3A_441 = arith.index_cast %get3A_437 : i32 to index
        %get3A_442 = arith.index_cast %multiple_of3A_123 : i32 to index
        %get3A_443 = tpu.vector_load %arg8[%get3A_438, %get3A_439, %get3A_440, %get3A_441, %get3A_442] {strides = array<i32>} : memref<2x8x4x8x128xf32, #tpu.memory_space<vmem>>, vector<1x1x1x1x16xf32>,
        %get3A_444 = vector.shape_cast %get3A_443 : vector<1x1x1x1x16xf32> to vector<16xf32>
        %mul3A_445 = arith.mulf %get3A_444, %max3A_133 : vector<16xf32>
        %mul3A_446 = arith.mulf %mul3A_445, %mul3A_445 : vector<16xf32>
        %add3A_447 = arith.addf %add3A_429, %mul3A_446 : vector<16xf32>
        %slice3A_448 = vector.extract_strided_slice %get3A_144 {offsets = [0], sizes = [1], strides = [1]} : vector<16xf32> to vector<1xf32>
        %squeeze3A_449 = vector.extract %slice3A_448[0] : f32 from vector<1xf32>
        %mul3A_450 = vector.broadcast %squeeze3A_449 : f32 to vector<16xf32>
        %mul3A_451 = arith.mulf %mul3A_450, %get3A_444 : vector<16xf32>
        %add3A_452 = arith.addf %add3A_434, %mul3A_451 : vector<16xf32>
        %get3A_453 = arith.constant 1 : i32
        %get3A_454 = arith.constant 2 : i32
        %get3A_455 = arith.constant 1 : i32
        %get3A_456 = arith.index_cast %get3A_453 : i32 to index
        %get3A_457 = arith.index_cast %scan3A_109 : i32 to index
        %get3A_458 = arith.index_cast %get3A_454 : i32 to index
        %get3A_459 = arith.index_cast %get3A_455 : i32 to index
        %get3A_460 = arith.index_cast %multiple_of3A_123 : i32 to index
        %get3A_461 = tpu.vector_load %arg8[%get3A_456, %get3A_457, %get3A_458, %get3A_459, %get3A_460] {strides = array<i32>} : memref<2x8x4x8x128xf32, #tpu.memory_space<vmem>>, vector<1x1x1x1x16xf32>,
        %get3A_462 = vector.shape_cast %get3A_461 : vector<1x1x1x1x16xf32> to vector<16xf32>
        %mul3A_463 = arith.mulf %get3A_462, %max3A_133 : vector<16xf32>
        %mul3A_464 = arith.mulf %mul3A_463, %mul3A_463 : vector<16xf32>
        %add3A_465 = arith.addf %add3A_447, %mul3A_464 : vector<16xf32>
        %slice3A_466 = vector.extract_strided_slice %get3A_144 {offsets = [1], sizes = [1], strides = [1]} : vector<16xf32> to vector<1xf32>
        %squeeze3A_467 = vector.extract %slice3A_466[0] : f32 from vector<1xf32>
        %mul3A_468 = vector.broadcast %squeeze3A_467 : f32 to vector<16xf32>
        %mul3A_469 = arith.mulf %mul3A_468, %get3A_462 : vector<16xf32>
        %add3A_470 = arith.addf %add3A_452, %mul3A_469 : vector<16xf32>
        %get3A_471 = arith.constant 1 : i32
        %get3A_472 = arith.constant 2 : i32
        %get3A_473 = arith.constant 2 : i32
        %get3A_474 = arith.index_cast %get3A_471 : i32 to index
        %get3A_475 = arith.index_cast %scan3A_109 : i32 to index
        %get3A_476 = arith.index_cast %get3A_472 : i32 to index
        %get3A_477 = arith.index_cast %get3A_473 : i32 to index
        %get3A_478 = arith.index_cast %multiple_of3A_123 : i32 to index
        %get3A_479 = tpu.vector_load %arg8[%get3A_474, %get3A_475, %get3A_476, %get3A_477, %get3A_478] {strides = array<i32>} : memref<2x8x4x8x128xf32, #tpu.memory_space<vmem>>, vector<1x1x1x1x16xf32>,
        %get3A_480 = vector.shape_cast %get3A_479 : vector<1x1x1x1x16xf32> to vector<16xf32>
        %mul3A_481 = arith.mulf %get3A_480, %max3A_133 : vector<16xf32>
        %mul3A_482 = arith.mulf %mul3A_481, %mul3A_481 : vector<16xf32>
        %add3A_483 = arith.addf %add3A_465, %mul3A_482 : vector<16xf32>
        %slice3A_484 = vector.extract_strided_slice %get3A_144 {offsets = [2], sizes = [1], strides = [1]} : vector<16xf32> to vector<1xf32>
        %squeeze3A_485 = vector.extract %slice3A_484[0] : f32 from vector<1xf32>
        %mul3A_486 = vector.broadcast %squeeze3A_485 : f32 to vector<16xf32>
        %mul3A_487 = arith.mulf %mul3A_486, %get3A_480 : vector<16xf32>
        %add3A_488 = arith.addf %add3A_470, %mul3A_487 : vector<16xf32>
        %get3A_489 = arith.constant 1 : i32
        %get3A_490 = arith.constant 2 : i32
        %get3A_491 = arith.constant 3 : i32
        %get3A_492 = arith.index_cast %get3A_489 : i32 to index
        %get3A_493 = arith.index_cast %scan3A_109 : i32 to index
        %get3A_494 = arith.index_cast %get3A_490 : i32 to index
        %get3A_495 = arith.index_cast %get3A_491 : i32 to index
        %get3A_496 = arith.index_cast %multiple_of3A_123 : i32 to index
        %get3A_497 = tpu.vector_load %arg8[%get3A_492, %get3A_493, %get3A_494, %get3A_495, %get3A_496] {strides = array<i32>} : memref<2x8x4x8x128xf32, #tpu.memory_space<vmem>>, vector<1x1x1x1x16xf32>,
        %get3A_498 = vector.shape_cast %get3A_497 : vector<1x1x1x1x16xf32> to vector<16xf32>
        %mul3A_499 = arith.mulf %get3A_498, %max3A_133 : vector<16xf32>
        %mul3A_500 = arith.mulf %mul3A_499, %mul3A_499 : vector<16xf32>
        %add3A_501 = arith.addf %add3A_483, %mul3A_500 : vector<16xf32>
        %slice3A_502 = vector.extract_strided_slice %get3A_144 {offsets = [3], sizes = [1], strides = [1]} : vector<16xf32> to vector<1xf32>
        %squeeze3A_503 = vector.extract %slice3A_502[0] : f32 from vector<1xf32>
        %mul3A_504 = vector.broadcast %squeeze3A_503 : f32 to vector<16xf32>
        %mul3A_505 = arith.mulf %mul3A_504, %get3A_498 : vector<16xf32>
        %add3A_506 = arith.addf %add3A_488, %mul3A_505 : vector<16xf32>
        %get3A_507 = arith.constant 1 : i32
        %get3A_508 = arith.constant 2 : i32
        %get3A_509 = arith.constant 4 : i32
        %get3A_510 = arith.index_cast %get3A_507 : i32 to index
        %get3A_511 = arith.index_cast %scan3A_109 : i32 to index
        %get3A_512 = arith.index_cast %get3A_508 : i32 to index
        %get3A_513 = arith.index_cast %get3A_509 : i32 to index
        %get3A_514 = arith.index_cast %multiple_of3A_123 : i32 to index
        %get3A_515 = tpu.vector_load %arg8[%get3A_510, %get3A_511, %get3A_512, %get3A_513, %get3A_514] {strides = array<i32>} : memref<2x8x4x8x128xf32, #tpu.memory_space<vmem>>, vector<1x1x1x1x16xf32>,
        %get3A_516 = vector.shape_cast %get3A_515 : vector<1x1x1x1x16xf32> to vector<16xf32>
        %mul3A_517 = arith.mulf %get3A_516, %max3A_133 : vector<16xf32>
        %mul3A_518 = arith.mulf %mul3A_517, %mul3A_517 : vector<16xf32>
        %add3A_519 = arith.addf %add3A_501, %mul3A_518 : vector<16xf32>
        %slice3A_520 = vector.extract_strided_slice %get3A_144 {offsets = [4], sizes = [1], strides = [1]} : vector<16xf32> to vector<1xf32>
        %squeeze3A_521 = vector.extract %slice3A_520[0] : f32 from vector<1xf32>
        %mul3A_522 = vector.broadcast %squeeze3A_521 : f32 to vector<16xf32>
        %mul3A_523 = arith.mulf %mul3A_522, %get3A_516 : vector<16xf32>
        %add3A_524 = arith.addf %add3A_506, %mul3A_523 : vector<16xf32>
        %get3A_525 = arith.constant 1 : i32
        %get3A_526 = arith.constant 2 : i32
        %get3A_527 = arith.constant 5 : i32
        %get3A_528 = arith.index_cast %get3A_525 : i32 to index
        %get3A_529 = arith.index_cast %scan3A_109 : i32 to index
        %get3A_530 = arith.index_cast %get3A_526 : i32 to index
        %get3A_531 = arith.index_cast %get3A_527 : i32 to index
        %get3A_532 = arith.index_cast %multiple_of3A_123 : i32 to index
        %get3A_533 = tpu.vector_load %arg8[%get3A_528, %get3A_529, %get3A_530, %get3A_531, %get3A_532] {strides = array<i32>} : memref<2x8x4x8x128xf32, #tpu.memory_space<vmem>>, vector<1x1x1x1x16xf32>,
        %get3A_534 = vector.shape_cast %get3A_533 : vector<1x1x1x1x16xf32> to vector<16xf32>
        %mul3A_535 = arith.mulf %get3A_534, %max3A_133 : vector<16xf32>
        %mul3A_536 = arith.mulf %mul3A_535, %mul3A_535 : vector<16xf32>
        %add3A_537 = arith.addf %add3A_519, %mul3A_536 : vector<16xf32>
        %slice3A_538 = vector.extract_strided_slice %get3A_144 {offsets = [5], sizes = [1], strides = [1]} : vector<16xf32> to vector<1xf32>
        %squeeze3A_539 = vector.extract %slice3A_538[0] : f32 from vector<1xf32>
        %mul3A_540 = vector.broadcast %squeeze3A_539 : f32 to vector<16xf32>
        %mul3A_541 = arith.mulf %mul3A_540, %get3A_534 : vector<16xf32>
        %add3A_542 = arith.addf %add3A_524, %mul3A_541 : vector<16xf32>
        %get3A_543 = arith.constant 1 : i32
        %get3A_544 = arith.constant 2 : i32
        %get3A_545 = arith.constant 6 : i32
        %get3A_546 = arith.index_cast %get3A_543 : i32 to index
        %get3A_547 = arith.index_cast %scan3A_109 : i32 to index
        %get3A_548 = arith.index_cast %get3A_544 : i32 to index
        %get3A_549 = arith.index_cast %get3A_545 : i32 to index
        %get3A_550 = arith.index_cast %multiple_of3A_123 : i32 to index
        %get3A_551 = tpu.vector_load %arg8[%get3A_546, %get3A_547, %get3A_548, %get3A_549, %get3A_550] {strides = array<i32>} : memref<2x8x4x8x128xf32, #tpu.memory_space<vmem>>, vector<1x1x1x1x16xf32>,
        %get3A_552 = vector.shape_cast %get3A_551 : vector<1x1x1x1x16xf32> to vector<16xf32>
        %mul3A_553 = arith.mulf %get3A_552, %max3A_133 : vector<16xf32>
        %mul3A_554 = arith.mulf %mul3A_553, %mul3A_553 : vector<16xf32>
        %add3A_555 = arith.addf %add3A_537, %mul3A_554 : vector<16xf32>
        %slice3A_556 = vector.extract_strided_slice %get3A_144 {offsets = [6], sizes = [1], strides = [1]} : vector<16xf32> to vector<1xf32>
        %squeeze3A_557 = vector.extract %slice3A_556[0] : f32 from vector<1xf32>
        %mul3A_558 = vector.broadcast %squeeze3A_557 : f32 to vector<16xf32>
        %mul3A_559 = arith.mulf %mul3A_558, %get3A_552 : vector<16xf32>
        %add3A_560 = arith.addf %add3A_542, %mul3A_559 : vector<16xf32>
        %get3A_561 = arith.constant 1 : i32
        %get3A_562 = arith.constant 2 : i32
        %get3A_563 = arith.constant 7 : i32
        %get3A_564 = arith.index_cast %get3A_561 : i32 to index
        %get3A_565 = arith.index_cast %scan3A_109 : i32 to index
        %get3A_566 = arith.index_cast %get3A_562 : i32 to index
        %get3A_567 = arith.index_cast %get3A_563 : i32 to index
        %get3A_568 = arith.index_cast %multiple_of3A_123 : i32 to index
        %get3A_569 = tpu.vector_load %arg8[%get3A_564, %get3A_565, %get3A_566, %get3A_567, %get3A_568] {strides = array<i32>} : memref<2x8x4x8x128xf32, #tpu.memory_space<vmem>>, vector<1x1x1x1x16xf32>,
        %get3A_570 = vector.shape_cast %get3A_569 : vector<1x1x1x1x16xf32> to vector<16xf32>
        %mul3A_571 = arith.mulf %get3A_570, %max3A_133 : vector<16xf32>
        %mul3A_572 = arith.mulf %mul3A_571, %mul3A_571 : vector<16xf32>
        %add3A_573 = arith.addf %add3A_555, %mul3A_572 : vector<16xf32>
        %slice3A_574 = vector.extract_strided_slice %get3A_144 {offsets = [7], sizes = [1], strides = [1]} : vector<16xf32> to vector<1xf32>
        %squeeze3A_575 = vector.extract %slice3A_574[0] : f32 from vector<1xf32>
        %mul3A_576 = vector.broadcast %squeeze3A_575 : f32 to vector<16xf32>
        %mul3A_577 = arith.mulf %mul3A_576, %get3A_570 : vector<16xf32>
        %add3A_578 = arith.addf %add3A_560, %mul3A_577 : vector<16xf32>
        %get3A_579 = arith.constant 1 : i32
        %get3A_580 = arith.constant 3 : i32
        %get3A_581 = arith.constant 0 : i32
        %get3A_582 = arith.index_cast %get3A_579 : i32 to index
        %get3A_583 = arith.index_cast %scan3A_109 : i32 to index
        %get3A_584 = arith.index_cast %get3A_580 : i32 to index
        %get3A_585 = arith.index_cast %get3A_581 : i32 to index
        %get3A_586 = arith.index_cast %multiple_of3A_123 : i32 to index
        %get3A_587 = tpu.vector_load %arg8[%get3A_582, %get3A_583, %get3A_584, %get3A_585, %get3A_586] {strides = array<i32>} : memref<2x8x4x8x128xf32, #tpu.memory_space<vmem>>, vector<1x1x1x1x16xf32>,
        %get3A_588 = vector.shape_cast %get3A_587 : vector<1x1x1x1x16xf32> to vector<16xf32>
        %mul3A_589 = arith.mulf %get3A_588, %max3A_133 : vector<16xf32>
        %mul3A_590 = arith.mulf %mul3A_589, %mul3A_589 : vector<16xf32>
        %add3A_591 = arith.addf %add3A_573, %mul3A_590 : vector<16xf32>
        %slice3A_592 = vector.extract_strided_slice %get3A_144 {offsets = [8], sizes = [1], strides = [1]} : vector<16xf32> to vector<1xf32>
        %squeeze3A_593 = vector.extract %slice3A_592[0] : f32 from vector<1xf32>
        %mul3A_594 = vector.broadcast %squeeze3A_593 : f32 to vector<16xf32>
        %mul3A_595 = arith.mulf %mul3A_594, %get3A_588 : vector<16xf32>
        %add3A_596 = arith.addf %add3A_578, %mul3A_595 : vector<16xf32>
        %get3A_597 = arith.constant 1 : i32
        %get3A_598 = arith.constant 3 : i32
        %get3A_599 = arith.constant 1 : i32
        %get3A_600 = arith.index_cast %get3A_597 : i32 to index
        %get3A_601 = arith.index_cast %scan3A_109 : i32 to index
        %get3A_602 = arith.index_cast %get3A_598 : i32 to index
        %get3A_603 = arith.index_cast %get3A_599 : i32 to index
        %get3A_604 = arith.index_cast %multiple_of3A_123 : i32 to index
        %get3A_605 = tpu.vector_load %arg8[%get3A_600, %get3A_601, %get3A_602, %get3A_603, %get3A_604] {strides = array<i32>} : memref<2x8x4x8x128xf32, #tpu.memory_space<vmem>>, vector<1x1x1x1x16xf32>,
        %get3A_606 = vector.shape_cast %get3A_605 : vector<1x1x1x1x16xf32> to vector<16xf32>
        %mul3A_607 = arith.mulf %get3A_606, %max3A_133 : vector<16xf32>
        %mul3A_608 = arith.mulf %mul3A_607, %mul3A_607 : vector<16xf32>
        %add3A_609 = arith.addf %add3A_591, %mul3A_608 : vector<16xf32>
        %slice3A_610 = vector.extract_strided_slice %get3A_144 {offsets = [9], sizes = [1], strides = [1]} : vector<16xf32> to vector<1xf32>
        %squeeze3A_611 = vector.extract %slice3A_610[0] : f32 from vector<1xf32>
        %mul3A_612 = vector.broadcast %squeeze3A_611 : f32 to vector<16xf32>
        %mul3A_613 = arith.mulf %mul3A_612, %get3A_606 : vector<16xf32>
        %add3A_614 = arith.addf %add3A_596, %mul3A_613 : vector<16xf32>
        %get3A_615 = arith.constant 1 : i32
        %get3A_616 = arith.constant 3 : i32
        %get3A_617 = arith.constant 2 : i32
        %get3A_618 = arith.index_cast %get3A_615 : i32 to index
        %get3A_619 = arith.index_cast %scan3A_109 : i32 to index
        %get3A_620 = arith.index_cast %get3A_616 : i32 to index
        %get3A_621 = arith.index_cast %get3A_617 : i32 to index
        %get3A_622 = arith.index_cast %multiple_of3A_123 : i32 to index
        %get3A_623 = tpu.vector_load %arg8[%get3A_618, %get3A_619, %get3A_620, %get3A_621, %get3A_622] {strides = array<i32>} : memref<2x8x4x8x128xf32, #tpu.memory_space<vmem>>, vector<1x1x1x1x16xf32>,
        %get3A_624 = vector.shape_cast %get3A_623 : vector<1x1x1x1x16xf32> to vector<16xf32>
        %mul3A_625 = arith.mulf %get3A_624, %max3A_133 : vector<16xf32>
        %mul3A_626 = arith.mulf %mul3A_625, %mul3A_625 : vector<16xf32>
        %add3A_627 = arith.addf %add3A_609, %mul3A_626 : vector<16xf32>
        %slice3A_628 = vector.extract_strided_slice %get3A_144 {offsets = [10], sizes = [1], strides = [1]} : vector<16xf32> to vector<1xf32>
        %squeeze3A_629 = vector.extract %slice3A_628[0] : f32 from vector<1xf32>
        %mul3A_630 = vector.broadcast %squeeze3A_629 : f32 to vector<16xf32>
        %mul3A_631 = arith.mulf %mul3A_630, %get3A_624 : vector<16xf32>
        %add3A_632 = arith.addf %add3A_614, %mul3A_631 : vector<16xf32>
        %get3A_633 = arith.constant 1 : i32
        %get3A_634 = arith.constant 3 : i32
        %get3A_635 = arith.constant 3 : i32
        %get3A_636 = arith.index_cast %get3A_633 : i32 to index
        %get3A_637 = arith.index_cast %scan3A_109 : i32 to index
        %get3A_638 = arith.index_cast %get3A_634 : i32 to index
        %get3A_639 = arith.index_cast %get3A_635 : i32 to index
        %get3A_640 = arith.index_cast %multiple_of3A_123 : i32 to index
        %get3A_641 = tpu.vector_load %arg8[%get3A_636, %get3A_637, %get3A_638, %get3A_639, %get3A_640] {strides = array<i32>} : memref<2x8x4x8x128xf32, #tpu.memory_space<vmem>>, vector<1x1x1x1x16xf32>,
        %get3A_642 = vector.shape_cast %get3A_641 : vector<1x1x1x1x16xf32> to vector<16xf32>
        %mul3A_643 = arith.mulf %get3A_642, %max3A_133 : vector<16xf32>
        %mul3A_644 = arith.mulf %mul3A_643, %mul3A_643 : vector<16xf32>
        %add3A_645 = arith.addf %add3A_627, %mul3A_644 : vector<16xf32>
        %slice3A_646 = vector.extract_strided_slice %get3A_144 {offsets = [11], sizes = [1], strides = [1]} : vector<16xf32> to vector<1xf32>
        %squeeze3A_647 = vector.extract %slice3A_646[0] : f32 from vector<1xf32>
        %mul3A_648 = vector.broadcast %squeeze3A_647 : f32 to vector<16xf32>
        %mul3A_649 = arith.mulf %mul3A_648, %get3A_642 : vector<16xf32>
        %add3A_650 = arith.addf %add3A_632, %mul3A_649 : vector<16xf32>
        %get3A_651 = arith.constant 1 : i32
        %get3A_652 = arith.constant 3 : i32
        %get3A_653 = arith.constant 4 : i32
        %get3A_654 = arith.index_cast %get3A_651 : i32 to index
        %get3A_655 = arith.index_cast %scan3A_109 : i32 to index
        %get3A_656 = arith.index_cast %get3A_652 : i32 to index
        %get3A_657 = arith.index_cast %get3A_653 : i32 to index
        %get3A_658 = arith.index_cast %multiple_of3A_123 : i32 to index
        %get3A_659 = tpu.vector_load %arg8[%get3A_654, %get3A_655, %get3A_656, %get3A_657, %get3A_658] {strides = array<i32>} : memref<2x8x4x8x128xf32, #tpu.memory_space<vmem>>, vector<1x1x1x1x16xf32>,
        %get3A_660 = vector.shape_cast %get3A_659 : vector<1x1x1x1x16xf32> to vector<16xf32>
        %mul3A_661 = arith.mulf %get3A_660, %max3A_133 : vector<16xf32>
        %mul3A_662 = arith.mulf %mul3A_661, %mul3A_661 : vector<16xf32>
        %add3A_663 = arith.addf %add3A_645, %mul3A_662 : vector<16xf32>
        %slice3A_664 = vector.extract_strided_slice %get3A_144 {offsets = [12], sizes = [1], strides = [1]} : vector<16xf32> to vector<1xf32>
        %squeeze3A_665 = vector.extract %slice3A_664[0] : f32 from vector<1xf32>
        %mul3A_666 = vector.broadcast %squeeze3A_665 : f32 to vector<16xf32>
        %mul3A_667 = arith.mulf %mul3A_666, %get3A_660 : vector<16xf32>
        %add3A_668 = arith.addf %add3A_650, %mul3A_667 : vector<16xf32>
        %get3A_669 = arith.constant 1 : i32
        %get3A_670 = arith.constant 3 : i32
        %get3A_671 = arith.constant 5 : i32
        %get3A_672 = arith.index_cast %get3A_669 : i32 to index
        %get3A_673 = arith.index_cast %scan3A_109 : i32 to index
        %get3A_674 = arith.index_cast %get3A_670 : i32 to index
        %get3A_675 = arith.index_cast %get3A_671 : i32 to index
        %get3A_676 = arith.index_cast %multiple_of3A_123 : i32 to index
        %get3A_677 = tpu.vector_load %arg8[%get3A_672, %get3A_673, %get3A_674, %get3A_675, %get3A_676] {strides = array<i32>} : memref<2x8x4x8x128xf32, #tpu.memory_space<vmem>>, vector<1x1x1x1x16xf32>,
        %get3A_678 = vector.shape_cast %get3A_677 : vector<1x1x1x1x16xf32> to vector<16xf32>
        %mul3A_679 = arith.mulf %get3A_678, %max3A_133 : vector<16xf32>
        %mul3A_680 = arith.mulf %mul3A_679, %mul3A_679 : vector<16xf32>
        %add3A_681 = arith.addf %add3A_663, %mul3A_680 : vector<16xf32>
        %slice3A_682 = vector.extract_strided_slice %get3A_144 {offsets = [13], sizes = [1], strides = [1]} : vector<16xf32> to vector<1xf32>
        %squeeze3A_683 = vector.extract %slice3A_682[0] : f32 from vector<1xf32>
        %mul3A_684 = vector.broadcast %squeeze3A_683 : f32 to vector<16xf32>
        %mul3A_685 = arith.mulf %mul3A_684, %get3A_678 : vector<16xf32>
        %add3A_686 = arith.addf %add3A_668, %mul3A_685 : vector<16xf32>
        %get3A_687 = arith.constant 1 : i32
        %get3A_688 = arith.constant 3 : i32
        %get3A_689 = arith.constant 6 : i32
        %get3A_690 = arith.index_cast %get3A_687 : i32 to index
        %get3A_691 = arith.index_cast %scan3A_109 : i32 to index
        %get3A_692 = arith.index_cast %get3A_688 : i32 to index
        %get3A_693 = arith.index_cast %get3A_689 : i32 to index
        %get3A_694 = arith.index_cast %multiple_of3A_123 : i32 to index
        %get3A_695 = tpu.vector_load %arg8[%get3A_690, %get3A_691, %get3A_692, %get3A_693, %get3A_694] {strides = array<i32>} : memref<2x8x4x8x128xf32, #tpu.memory_space<vmem>>, vector<1x1x1x1x16xf32>,
        %get3A_696 = vector.shape_cast %get3A_695 : vector<1x1x1x1x16xf32> to vector<16xf32>
        %mul3A_697 = arith.mulf %get3A_696, %max3A_133 : vector<16xf32>
        %mul3A_698 = arith.mulf %mul3A_697, %mul3A_697 : vector<16xf32>
        %add3A_699 = arith.addf %add3A_681, %mul3A_698 : vector<16xf32>
        %slice3A_700 = vector.extract_strided_slice %get3A_144 {offsets = [14], sizes = [1], strides = [1]} : vector<16xf32> to vector<1xf32>
        %squeeze3A_701 = vector.extract %slice3A_700[0] : f32 from vector<1xf32>
        %mul3A_702 = vector.broadcast %squeeze3A_701 : f32 to vector<16xf32>
        %mul3A_703 = arith.mulf %mul3A_702, %get3A_696 : vector<16xf32>
        %add3A_704 = arith.addf %add3A_686, %mul3A_703 : vector<16xf32>
        %get3A_705 = arith.constant 1 : i32
        %get3A_706 = arith.constant 3 : i32
        %get3A_707 = arith.constant 7 : i32
        %get3A_708 = arith.index_cast %get3A_705 : i32 to index
        %get3A_709 = arith.index_cast %scan3A_109 : i32 to index
        %get3A_710 = arith.index_cast %get3A_706 : i32 to index
        %get3A_711 = arith.index_cast %get3A_707 : i32 to index
        %get3A_712 = arith.index_cast %multiple_of3A_123 : i32 to index
        %get3A_713 = tpu.vector_load %arg8[%get3A_708, %get3A_709, %get3A_710, %get3A_711, %get3A_712] {strides = array<i32>} : memref<2x8x4x8x128xf32, #tpu.memory_space<vmem>>, vector<1x1x1x1x16xf32>,
        %get3A_714 = vector.shape_cast %get3A_713 : vector<1x1x1x1x16xf32> to vector<16xf32>
        %mul3A_715 = arith.mulf %get3A_714, %max3A_133 : vector<16xf32>
        %mul3A_716 = arith.mulf %mul3A_715, %mul3A_715 : vector<16xf32>
        %add3A_717 = arith.addf %add3A_699, %mul3A_716 : vector<16xf32>
        %slice3A_718 = vector.extract_strided_slice %get3A_144 {offsets = [15], sizes = [1], strides = [1]} : vector<16xf32> to vector<1xf32>
        %squeeze3A_719 = vector.extract %slice3A_718[0] : f32 from vector<1xf32>
        %mul3A_720 = vector.broadcast %squeeze3A_719 : f32 to vector<16xf32>
        %mul3A_721 = arith.mulf %mul3A_720, %get3A_714 : vector<16xf32>
        %add3A_722 = arith.addf %add3A_704, %mul3A_721 : vector<16xf32>
        %mul3A_723 = arith.mulf %get3A_139, %get3A_139 : vector<16xf32>
        %add3A_724 = arith.addf %scan3A_110, %mul3A_723 : vector<16xf32>
        %mul3A_725 = arith.mulf %get3A_144, %get3A_144 : vector<16xf32>
        %add3A_726 = arith.addf %add3A_724, %mul3A_725 : vector<16xf32>
        %add3A_727 = arith.addf %add3A_726, %add3A_717 : vector<16xf32>
        %mul3A_728 = arith.mulf %add3A_722, %max3A_133 : vector<16xf32>
        %mul3A_729 = arith.constant 2.000000e+00 : f32
        %mul3A_730 = vector.broadcast %mul3A_729 : f32 to vector<16xf32>
        %mul3A_731 = arith.mulf %mul3A_730, %mul3A_728 : vector<16xf32>
        %sub3A_732 = arith.subf %scan3A_111, %mul3A_731 : vector<16xf32>
        scf.yield %add3A_727, %sub3A_732 : vector<16xf32>, vector<16xf32>
      }
      %scan3A_101 = arith.constant 8 : i32
      %add3A_102 = arith.constant 1 : i32
      %add3A_103 = arith.addi %scan3A_63, %add3A_102 : i32
      %lt3A_104 = arith.constant 32 : i32
      %lt3A_105 = arith.cmpi slt, %add3A_103, %lt3A_104 : i32
      %convert_element_type3A_106 = arith.extui %lt3A_105 : i1 to i32
      %cond3A_107 = arith.constant 0 : i32
      %cond3A_108 = arith.cmpi ne, %convert_element_type3A_106, %cond3A_107 : i32
      scf.if %cond3A_108 {
        %add3A_109 = arith.constant 3 : i32
        %add3A_110 = arith.addi %mul3A_67, %add3A_109 : i32
        %scan3A_111 = arith.constant 0 : i32
        %scan3A_112 = arith.constant 0 : i32
        %scan3A_113 = arith.constant 8 : i32
        %scan3A_114 = arith.addi %scan3A_112, %scan3A_113 : i32
        %scan3A_115 = arith.constant 1 : i32
        scf.for %scan3A_117 = %scan3A_112 to %scan3A_114 step %scan3A_115  : i32 {
          %mul3A_118 = arith.constant 8 : i32
          %mul3A_119 = arith.muli %add3A_110, %mul3A_118 : i32
          %add3A_120 = arith.addi %mul3A_119, %scan3A_117 : i32
          %mul3A_121 = arith.constant 16 : i32
          %mul3A_122 = arith.muli %add3A_120, %mul3A_121 : i32
          %multiple_of3A = tpu.assume_multiple %mul3A_122, 16 : i32
          %get3A = arith.index_cast %multiple_of3A : i32 to index
          %get3A_123 = tpu.vector_load %arg6[%get3A] {strides = array<i32>} : memref<8192xi32, #tpu.memory_space<vmem>>, vector<16xi32>,
          %get3A_124 = vector.shape_cast %get3A_123 : vector<16xi32> to vector<16xi32>
          %slice3A = vector.extract_strided_slice %get3A_124 {offsets = [0], sizes = [1], strides = [1]} : vector<16xi32> to vector<1xi32>
          %squeeze3A = vector.extract %slice3A[0] : i32 from vector<1xi32>
          %shift_right_arithmetic3A = arith.constant 7 : i32
          %shift_right_arithmetic3A_125 = arith.shrsi %squeeze3A, %shift_right_arithmetic3A : i32
          %mul3A_126 = arith.constant 128 : i32
          %mul3A_127 = arith.muli %shift_right_arithmetic3A_125, %mul3A_126 : i32
          %multiple_of3A_128 = tpu.assume_multiple %mul3A_127, 128 : i32
          %dma_start3A_129 = arith.constant 1 : i32
          %dma_start3A_130 = arith.constant 0 : i32
          %dma_start3A_131 = arith.constant 0 : i32
          %dma_start3A_132 = arith.constant 0 : i32
          %dma_start3A_133 = tpu.memref_slice %arg8[%dma_start3A_129, %scan3A_117, %dma_start3A_130, %dma_start3A_131, %dma_start3A_132] : memref<2x8x4x8x128xf32, #tpu.memory_space<vmem>> -> memref<1x1x4x8x128xf32, #tpu.memory_space<vmem>>
          %dma_start3A_134 = tpu.memref_squeeze %dma_start3A_133 : memref<1x1x4x8x128xf32, #tpu.memory_space<vmem>> -> memref<4x8x128xf32, #tpu.memory_space<vmem>>
          %dma_start3A_135 = arith.constant 0 : i32
          %dma_start3A_136 = arith.constant 0 : i32
          %dma_start3A_137 = tpu.memref_slice %arg4[%dma_start3A_135, %dma_start3A_136, %multiple_of3A_128] : memref<4x8x1000000xf32, #tpu.memory_space<hbm>> -> memref<4x8x128xf32, #tpu.memory_space<hbm>>
          %dma_start3A_138 = arith.constant 0 : i32
          %dma_start3A_139 = arith.constant 0 : i32
          %dma_start3A_140 = arith.constant 0 : i32
          %dma_start3A_141 = tpu.memref_slice %arg8[%dma_start3A_129, %scan3A_117, %dma_start3A_138, %dma_start3A_139, %dma_start3A_140] : memref<2x8x4x8x128xf32, #tpu.memory_space<vmem>> -> memref<1x1x4x8x128xf32, #tpu.memory_space<vmem>>
          %dma_start3A_142 = tpu.memref_squeeze %dma_start3A_141 : memref<1x1x4x8x128xf32, #tpu.memory_space<vmem>> -> memref<4x8x128xf32, #tpu.memory_space<vmem>>
          %dma_start3A_143 = arith.constant 0 : i32
          %dma_start3A_144 = arith.constant 0 : i32
          %dma_start3A_145 = tpu.memref_slice %arg4[%dma_start3A_143, %dma_start3A_144, %multiple_of3A_128] : memref<4x8x1000000xf32, #tpu.memory_space<hbm>> -> memref<4x8x128xf32, #tpu.memory_space<hbm>>
          tpu.enqueue_dma source(%dma_start3A_145 : memref<4x8x128xf32, #tpu.memory_space<hbm>>) target(%dma_start3A_142 : memref<4x8x128xf32, #tpu.memory_space<vmem>>) target_semaphore(%arg11 : memref<!tpu.dma_semaphore, #tpu.memory_space<semaphore_mem>>)
        }
        %scan3A_116 = arith.constant 8 : i32
      } else {
      }
      scf.yield %scan3A_100#0, %scan3A_100#1 : vector<16xf32>, vector<16xf32>
    }
    %scan3A_26 = arith.constant 32 : i32
    %add3A_27 = arith.addf %scan3A_25#0, %scan3A_25#1 : vector<16xf32>
    %swap3A = arith.constant 0 : index
    %swap3A_28 = tpu.vector_load %arg9[%swap3A] {strides = array<i32>} : memref<16xf32, #tpu.memory_space<vmem>>, vector<16xf32>,
    %swap3A_29 = vector.shape_cast %swap3A_28 : vector<16xf32> to vector<16xf32>
    %swap3A_30 = vector.shape_cast %add3A_27 : vector<16xf32> to vector<16xf32>
    tpu.vector_store %arg9[%swap3A], %swap3A_30 {strides = array<i32>} : memref<16xf32, #tpu.memory_space<vmem>>, vector<16xf32>,
    %jit3A = arith.constant 8 : i32
    %div3A = arith.divsi %add3A, %jit3A : i32
    %sign3A = arith.constant 0 : i32
    %sign3A_31 = arith.cmpi sgt, %add3A, %sign3A : i32
    %sign3A_32 = arith.extui %sign3A_31 : i1 to i32
    %sign3A_33 = arith.constant 0 : i32
    %sign3A_34 = arith.cmpi slt, %add3A, %sign3A_33 : i32
    %sign3A_35 = arith.extui %sign3A_34 : i1 to i32
    %sign3A_36 = arith.subi %sign3A_32, %sign3A_35 : i32
    %sign3A_37 = arith.constant 0 : i32
    %sign3A_38 = arith.cmpi sgt, %jit3A, %sign3A_37 : i32
    %sign3A_39 = arith.extui %sign3A_38 : i1 to i32
    %sign3A_40 = arith.constant 0 : i32
    %sign3A_41 = arith.cmpi slt, %jit3A, %sign3A_40 : i32
    %sign3A_42 = arith.extui %sign3A_41 : i1 to i32
    %sign3A_43 = arith.subi %sign3A_39, %sign3A_42 : i32
    %ne3A = arith.cmpi ne, %sign3A_36, %sign3A_43 : i32
    %rem3A = arith.remsi %add3A, %jit3A : i32
    %ne3A_44 = arith.constant 0 : i32
    %ne3A_45 = arith.cmpi ne, %rem3A, %ne3A_44 : i32
    %and3A = arith.andi %ne3A, %ne3A_45 : i1
    %sub3A = arith.constant 1 : i32
    %sub3A_46 = arith.subi %div3A, %sub3A : i32
    %select_n3A = arith.select %and3A, %sub3A_46, %div3A : i32
    %jit3A_47 = arith.constant 8 : i32
    %eq3A = arith.constant 0 : i32
    %eq3A_48 = arith.cmpi eq, %jit3A_47, %eq3A : i32
    %jit3A_49 = arith.constant 1 : i32
    %select_n3A_50 = arith.select %eq3A_48, %jit3A_49, %jit3A_47 : i32
    %rem3A_51 = arith.remsi %add3A, %select_n3A_50 : i32
    %ne3A_52 = arith.constant 0 : i32
    %ne3A_53 = arith.cmpi ne, %rem3A_51, %ne3A_52 : i32
    %lt3A = arith.constant 0 : i32
    %lt3A_54 = arith.cmpi slt, %rem3A_51, %lt3A : i32
    %lt3A_55 = arith.constant 0 : i32
    %lt3A_56 = arith.cmpi slt, %select_n3A_50, %lt3A_55 : i32
    %ne3A_57 = arith.xori %lt3A_54, %lt3A_56 : i1
    %and3A_58 = arith.andi %ne3A_57, %ne3A_53 : i1
    %add3A_59 = arith.addi %rem3A_51, %select_n3A_50 : i32
    %select_n3A_60 = arith.select %and3A_58, %add3A_59, %rem3A_51 : i32
    %mul3A_61 = arith.constant 16 : i32
    %mul3A_62 = arith.muli %select_n3A_60, %mul3A_61 : i32
    "tpu.region"() ({
      %run_scoped3A = tpu.sem_alloc : memref<!tpu.dma_semaphore, #tpu.memory_space<semaphore_mem>>
      %dma_start3A_63 = tpu.memref_slice %arg5[%select_n3A, %mul3A_62] : memref<4x128xf32, #tpu.memory_space<hbm>> -> memref<1x16xf32, #tpu.memory_space<hbm>>
      %dma_start3A_64 = tpu.memref_squeeze %dma_start3A_63 : memref<1x16xf32, #tpu.memory_space<hbm>> -> memref<16xf32, #tpu.memory_space<hbm>>
      %dma_start3A_65 = tpu.memref_slice %arg5[%select_n3A, %mul3A_62] : memref<4x128xf32, #tpu.memory_space<hbm>> -> memref<1x16xf32, #tpu.memory_space<hbm>>
      %dma_start3A_66 = tpu.memref_squeeze %dma_start3A_65 : memref<1x16xf32, #tpu.memory_space<hbm>> -> memref<16xf32, #tpu.memory_space<hbm>>
      tpu.enqueue_dma source(%arg9 : memref<16xf32, #tpu.memory_space<vmem>>) target(%dma_start3A_66 : memref<16xf32, #tpu.memory_space<hbm>>) target_semaphore(%run_scoped3A : memref<!tpu.dma_semaphore, #tpu.memory_space<semaphore_mem>>)
      %dma_wait3A_67 = tpu.memref_slice %arg5[%select_n3A, %mul3A_62] : memref<4x128xf32, #tpu.memory_space<hbm>> -> memref<1x16xf32, #tpu.memory_space<hbm>>
      %dma_wait3A_68 = tpu.memref_squeeze %dma_wait3A_67 : memref<1x16xf32, #tpu.memory_space<hbm>> -> memref<16xf32, #tpu.memory_space<hbm>>
      %dma_wait3A_69 = tpu.memref_slice %arg5[%select_n3A, %mul3A_62] : memref<4x128xf32, #tpu.memory_space<hbm>> -> memref<1x16xf32, #tpu.memory_space<hbm>>
      %dma_wait3A_70 = tpu.memref_squeeze %dma_wait3A_69 : memref<1x16xf32, #tpu.memory_space<hbm>> -> memref<16xf32, #tpu.memory_space<hbm>>
      tpu.wait_dma2 semaphore(%run_scoped3A : memref<!tpu.dma_semaphore, #tpu.memory_space<semaphore_mem>>) src(%arg9 : memref<16xf32, #tpu.memory_space<vmem>>) dst(%dma_wait3A_70 : memref<16xf32, #tpu.memory_space<hbm>>)
      tpu.yield
    }) : () -> ()
    return
  }
}

</mosaic_0001>

<sc_bundles>
// kernel: kernel.3.cloned.1.call-start
scs
__scs_entry_jumppad:
0x0: {  	(pc) =	sbr.rel $0x88, $3  }
0x1: {  	(tag) =	ssettag $0x0;
	lr =	simm.s32 $0x1  }
0x2: {  	[smem:$0x3F9E] =	sst lr;
	_ =	strace $0xD0000000  }
0x3: {  	_ = 	snop  }
0x4: {  	_ = 	snop  }
0x5: {  	_ = 	snop  }
0x6: {  	_ = 	snop  }
0x7: {  	_ = 	snop  }
__scs_overlays_trampoline_lowered:
0x8: {  	[smem:$0x3FAD] =	sst s0  }
0x9: {  	[smem:$0x3FAE] =	sst s1  }
0xa: {  	[smem:$0x3FAF] =	sst s2  }
0xb: {  	[smem:$0x3FB0] =	sst s3  }
0xc: {  	[smem:$0x3FB1] =	sst s4  }
0xd: {  	[smem:$0x3FB2] =	sst s5  }
0xe: {  	[smem:$0x3FB3] =	sst s6  }
0xf: {  	[smem:$0x3FB4] =	sst s7  }
0x10: {  	[smem:$0x3FB5] =	sst s8  }
0x11: {  	[smem:$0x3FB6] =	sst s9;
	s0 =	simm.s32 @!p0 $0x0  }
0x12: {  	s1 =	sld [smem:$0x3F9C];
	s0 =	simm.s32 @p0 $0x1  }
0x13: {  	[smem:$0x3FB7] =	sst s0;
	s0 =	simm.s32 @!p1 $0x0  }
0x14: {  	s2 =	sld [smem:$0x3F9B];
	s0 =	simm.s32 @p1 $0x1  }
0x15: {  	[smem:$0x3FB8] =	sst s0;
	s0 =	simm.s32 @!p2 $0x0  }
0x16: {  	s3 =	sld [smem:$0x3FDB];
	s0 =	simm.s32 @p2 $0x1  }
0x17: {  	s4 =	simm.s32 $0x1BF5;
	[smem:$0x3FBA] =	sst s0  }
0x18: {  	s0 =	sld [smem:$0x3F9D];
	_ =	swait.ge [sflag:s4], $0x0  }
0x19: {  	s7 =	sld [smem:$0x3F9E]  }
0x1a: {  	s8 =	sadd.s32 $0xFFFFE003, lr  }
0x1b: {  	s9 =	sadd.s32 $0xFFFFFEF7, lr;
	s5 =	simm.s32 $0xFFFFFFFF;
	p2 =	slt.u32 s8, $0xFFFFF086  }
0x1c: {  	p1 =	slt.u32 s9, $0xF7A;
	s5 =	simm.s32 @!p2 $0x0  }
0x1d: {  	s5 =	simm.s32 @p1 $0x1;
	p0 =	seq.s32 s7, s2  }
0x1e: {  	s7 =	smul.u32 @!p0 $0xF7A, s2;
	p2 =	seq.s32 @!p0 s5, $0x0  }
0x1f: {  	s9 =	smul.u32 $0xF7A, s1;
	s8 =	simm.s32 @!p0 $0x1BF5;
	p2 =	por !p2, p0  }
0x20: {  	[sflag:s8] =	ssyncset.s32 @!p0 $0xFFFFF086;
	s6 =	sadd.s32 @!p0 s3, s7;
	s7 =	simm.s32 @!p0 $0x108  }
0x21: {  	s3 =	sadd.s32 s3, s9;
	s6 =	sadd.s32 @!p0 $0x88, s6;
	s7 =	simm.s32 @p2 $0x1082  }
0x22: {  	[simem:s7], [sflag:s8] =	dma.local @!p0 [hbm:s6], $0xF7A  }
0x23: {  	s9 =	sor.u32 $0xD0000000, s2;
	s6 =	simm.s32 $0x108;
	_ =	swait.ge @!p0 [sflag:s8], $0x0  }
0x24: {  	s3 =	sadd.s32 $0x88, s3;
	s6 =	simm.s32 @!p1 $0x1082;
	[sflag:s4] =	ssyncset.s32 $0xFFFFF086  }
0x25: {  	[simem:s6], [sflag:s4] =	dma.local [hbm:s3], $0xF7A  }
0x26: {  	[smem:$0x3F9E] =	sst s1;
	(tag) =	ssettag s2;
	_ =	strace s9  }
0x27: {  	s1 =	sld [smem:$0x3FAE]  }
0x28: {  	s2 =	sld [smem:$0x3FAF]  }
0x29: {  	s4 =	sld [smem:$0x3FB1]  }
0x2a: {  	p0 =	seq.s32 s5, $0x0;
	s5 =	sld [smem:$0x3FB2]  }
0x2b: {  	s6 =	sld [smem:$0x3FB3]  }
0x2c: {  	s7 =	sld [smem:$0x3FB4]  }
0x2d: {  	s3 =	simm.s32 $0x108;
	s8 =	sld [smem:$0x3FB5]  }
0x2e: {  	s3 =	simm.s32 @!p0 $0x1082;
	s9 =	sld [smem:$0x3FB6]  }
0x2f: {  	lr =	sadd.s32 s0, s3;
	s0 =	sld [smem:$0x3FAD]  }
0x30: {  	s3 =	sld [smem:$0x3FB0]  }
0x31: {  	[smem:$0x3FB9] =	sst s10  }
0x32: {  	s10 =	sld [smem:$0x3FB7];
	_ =	sdelay $0x3  }
0x33: {  	p0 =	seq.s32 s10, $0x1;
	s10 =	sld [smem:$0x3FB9];
	_ =	sdelay $0x3  }
0x34: {  	[smem:$0x3FB9] =	sst s10  }
0x35: {  	s10 =	sld [smem:$0x3FB8];
	_ =	sdelay $0x3  }
0x36: {  	p1 =	seq.s32 s10, $0x1;
	s10 =	sld [smem:$0x3FB9];
	_ =	sdelay $0x3  }
0x37: {  	[smem:$0x3FB9] =	sst s10  }
0x38: {  	s10 =	sld [smem:$0x3FBA]  }
0x39: {  	_ = 	snop;
	(pc) =	sbr.ind lr, $3  }
0x3a: {  	_ = 	snop  }
0x3b: {  	_ = 	snop  }
0x3c: {  	p2 =	seq.s32 s10, $0x1;
	s10 =	sld [smem:$0x3FB9]  }
0x3d: {  	_ =	shalt  }
0x3e: {  	_ =	shalt  }
0x3f: {  	_ =	shalt  }
0x40: {  	_ =	shalt  }
0x41: {  	_ =	shalt  }
0x42: {  	_ =	shalt  }
0x43: {  	_ =	shalt  }
0x44: {  	_ =	shalt  }
0x45: {  	_ =	shalt  }
0x46: {  	_ =	shalt  }
0x47: {  	_ =	shalt  }
0x48: {  	_ =	shalt  }
0x49: {  	_ =	shalt  }
0x4a: {  	_ =	shalt  }
0x4b: {  	_ =	shalt  }
0x4c: {  	_ =	shalt  }
0x4d: {  	_ =	shalt  }
0x4e: {  	_ =	shalt  }
0x4f: {  	_ =	shalt  }
0x50: {  	_ =	shalt  }
0x51: {  	_ =	shalt  }
0x52: {  	_ =	shalt  }
0x53: {  	_ =	shalt  }
0x54: {  	_ =	shalt  }
0x55: {  	_ =	shalt  }
0x56: {  	_ =	shalt  }
0x57: {  	_ =	shalt  }
0x58: {  	_ =	shalt  }
0x59: {  	_ =	shalt  }
0x5a: {  	_ =	shalt  }
0x5b: {  	_ =	shalt  }
0x5c: {  	_ =	shalt  }
0x5d: {  	_ =	shalt  }
0x5e: {  	_ =	shalt  }
0x5f: {  	_ =	shalt  }
0x60: {  	_ =	shalt  }
0x61: {  	_ =	shalt  }
0x62: {  	_ =	shalt  }
0x63: {  	_ =	shalt  }
0x64: {  	_ =	shalt  }
0x65: {  	_ =	shalt  }
0x66: {  	_ =	shalt  }
0x67: {  	_ =	shalt  }
0x68: {  	_ =	shalt  }
0x69: {  	_ =	shalt  }
0x6a: {  	_ =	shalt  }
0x6b: {  	_ =	shalt  }
0x6c: {  	_ =	shalt  }
0x6d: {  	_ =	shalt  }
0x6e: {  	_ =	shalt  }
0x6f: {  	_ =	shalt  }
0x70: {  	_ =	shalt  }
0x71: {  	_ =	shalt  }
0x72: {  	_ =	shalt  }
0x73: {  	_ =	shalt  }
0x74: {  	_ =	shalt  }
0x75: {  	_ =	shalt  }
0x76: {  	_ =	shalt  }
0x77: {  	_ =	shalt  }
0x78: {  	_ =	shalt  }
0x79: {  	_ =	shalt  }
0x7a: {  	_ =	shalt  }
0x7b: {  	_ =	shalt  }
0x7c: {  	_ =	shalt  }
0x7d: {  	_ =	shalt  }
0x7e: {  	_ =	shalt  }
0x7f: {  	_ =	shalt  }
0x80: {  	_ =	shalt  }
0x81: {  	_ =	shalt  }
0x82: {  	_ =	shalt  }
0x83: {  	_ =	shalt  }
0x84: {  	_ =	shalt  }
0x85: {  	_ =	shalt  }
0x86: {  	_ =	shalt  }
0x87: {  	_ =	shalt  }
.Lfunc_end0:
.L_simem_size_0:
called_computation_lowered:
.L_overlay_start_0:
0x88: {  	s2 =	sld [smem:$0x3FD9]  }
0x89: {  	s3 =	sld [smem:$0x3FFE];
	_ =	sdelay $0x1  }
0x8a: {  	s1 =	srdreg.scid  }
0x8b: {  	s0 =	sand.u32 $0x1, s1  }
0x8c: {  	s17 =	sshll.u32 s0, $0xA;
	s2 =	sadd.s32 s3, s2  }
0x8d: {  	s2 =	sadd.s32 s2, s17  }
0x8e: {  	[smem:$0x3FC5] =	sst s2  }
0x8f: {  	_ = 	snop  }
0x90: {  	s2 =	sld [smem:$0x3FC7];
	(tm) =	ssettm $0x1  }
0x91: {  	s18 =	sld [smem:$0x3FFB];
	_ =	sdelay $0x3  }
0x92: {  	_ =	strace s18  }
0x93: {  	s3 =	sld [smem:$0x3FFC];
	_ =	sdelay $0x3  }
0x94: {  	_ =	strace s3  }
0x95: {  	s3 =	sld [smem:$0x3FFD];
	_ =	sdelay $0x3  }
0x96: {  	_ =	strace s3  }
0x97: {  	_ =	strace $0x8FFFFFFF  }
0x98: {  	s19 =	sld [smem:$0x3FDB];
	_ =	sdelay $0x1  }
0x99: {  	s4 =	simm.s32 $_scs_section_size  }
0x9a: {  	s5 =	simm.s32 $_size__tile_overlayer_lowered;
	s6 =	simm.s32 $_tile_overlayer_lowered  }
0x9b: {  	s22 =	simm.s32 $0x1BFF;
	s21 =	sshll.u32 s6, $0x1;
	s3 =	sadd.s32 s4, s19  }
0x9c: {  	s7 =	simm.s32 $0x0;
	s20 =	sshll.u32 s5, $0x1;
	s5 =	sadd.s32 s21, s3  }
0x9d: {  	[timem:s7], [sflag:s22] =	dma.local [hbm:s5], s20  }
0x9e: {  	_ =	swait.ge [sflag:s22], s20  }
0x9f: {  	s4 =	ssub.s32 $0x0, s20;
	[sflag:s22] =	ssyncset.done $0x0  }
0xa0: {  	[sflag:s22] =	ssyncadd.s32 s4;
	_ =	sdelay $0x1  }
0xa1: {  	s23 =	simm.s32 $0x1B8B  }
0xa2: {  	_ =	swait.ge [sflag:s23], $0x1  }
0xa3: {  	[sflag:s23] =	ssyncset.done $0x0  }
0xa4: {  	s25 =	simm.s32 $0x1B8E;
	s24 =	sld [smem:$0x3FFE];
	[sflag:s23] =	ssyncadd.s32 $0xFFFFFFFF  }
0xa5: {  	s26 =	simm.s32 $execute0_lowered;
	[smem:$0x3FD2] =	sst s25  }
0xa6: {  	s5 =	sshll.u32 s26, $0x1;
	_ =	strace $0x80000046;
	[dreg:$0x1] =	wrdreg $0xFFFFFFFF  }
0xa7: {  	s28 =	simm.s32 $_size_execute0_lowered;
	s3 =	sadd.s32 s3, s5;
	[dreg:$0x0] =	wrdreg $0x0  }
0xa8: {  	s5 =	sshll.u32 s28, $0x1;
	[dreg:$0x2] =	wrdreg s3  }
0xa9: {  	[dreg:$0x3] =	wrdreg s5  }
0xaa: {  	[dreg:$0x4] =	wrdreg $0xC0  }
0xab: {  	_ =	task [dreg:s7], $0x5FFFF  }
0xac: {  	[dreg:$0x1] =	wrdreg $0xFFFFFFFF  }
0xad: {  	[dreg:$0x0] =	wrdreg $0x60  }
0xae: {  	[dreg:$0x2] =	wrdreg s24  }
0xaf: {  	[dreg:$0x3] =	wrdreg s2  }
0xb0: {  	[dreg:$0x4] =	wrdreg $0x9  }
0xb1: {  	_ =	task.clear_ibuf [dreg:s7], $0x5FFFF;
	_ =	strace $0x90000046  }
0xb2: {  	s29 =	simm.s32 $0x9;
	_ =	strace $0x80000048  }
0xb3: {  	_ =	swait.ge [sflag:s29], $0x1  }
0xb4: {  	[sflag:s29] =	ssyncadd.s32 $0xFFFFFFFF  }
0xb5: {  	_ =	strace $0x90000048  }
0xb6: {  	_ =	sfence  }
0xb7: {  	s30 =	sld [smem:$0x0];
	_ =	sdelay $0x2  }
0xb8: {  	s31 =	sshll.u32 s1, $0xD;
	s1 =	sshrl.u32 s1, $0x2  }
0xb9: {  	s3 =	sand.u32 $0x4000, s31;
	s1 =	sadd.s32 s1, s30  }
0xba: {  	s0 =	sor.u32 s3, s0;
	s1 =	sshll.u32 s1, $0x11  }
0xbb: {  	s0 =	sor.u32 s1, s0  }
0xbc: {  	s0 =	sadd.s32 $0x8F2B, s0  }
0xbd: {  	[sflag:s0] =	ssyncadd.remote.s32 $0x1  }
0xbe: {  	_ =	sfence.sel $0xFFFF  }
0xbf: {  	[dreg:$0x0] =	wrdreg $0xFFFFFFFF;
	(pc) =	sbr.abs _section_cstart, $3  }
0xc0: {  	[dreg:$0x1] =	wrdreg $0xFFFFFFFF  }
0xc1: {  	_ =	task.clear_ibuf [dreg:s7], $0x2FFFF;
	_ =	strace $0x9FFFFFFF  }
0xc2: {  	(tm) =	ssettm $0x7FFFFFFF  }
0xc3: {  	_ =	shalt  }
tec
execute0_lowered:
.L_overlay_start_1:
0x0: {  	(tag) =	ssettag $0x1  }
0x1: {  	v0 =	vimm.f32 $1.500000000e+01;
	vm0 =	vcmask $0x300  }
0x2: {  	vm14 =	vcmask $0x704;
	v0 =	vsel vm0, $0x0, v0  }
0x3: {  	s0 =	rddreg [dreg:$0x0];
	s1 =	srdreg.scid;
	vm15 =	vcmask $0xB08;
	v0 =	vsel vm14, $0x3F800000, v0  }
0x4: {  	s7 =	stileid.u32;
	s2 =	rddreg [dreg:$0x1];
	vm4 =	vcmask $0xF0C;
	v0 =	vsel vm15, $0x40000000, v0  }
0x5: {  	s3 =	simm.s32 $0x0;
	vm5 =	vcmask $0x1310;
	s10 =	simm.s32 $0x400;
	s11 =	simm.s32 $0x7A1400;
	v0 =	vsel vm4, $0x40400000, v0  }
0x6: {  	vm6 =	vcmask $0x1714;
	s23 =	simm.s32 $0x11000;
	s24 =	simm.s32 $0x12000;
	s25 =	simm.s32 $0x13000;
	v0 =	vsel vm5, $0x40800000, v0  }
0x7: {  	vm7 =	vcmask $0x1B18;
	s28 =	simm.s32 $0x15000;
	s29 =	simm.s32 $0x3;
	s30 =	simm.s32 $0x1;
	v0 =	vsel vm6, $0x40A00000, v0  }
0x8: {  	vm8 =	vcmask $0x1F1C;
	s31 =	simm.s32 $0x2;
	s1 =	sand.u32 $0x1, s1;
	s4 =	sshll.u32 s7, $0x1;
	v0 =	vsel vm7, $0x40C00000, v0  }
0x9: {  	vm9 =	vcmask $0x2320;
	[smem:$0x7FF] =	sst s3;
	s7 =	sshll.u32 s7, $0x2;
	s4 =	sor.u32 s1, s4;
	v0 =	vsel vm8, $0x40E00000, v0  }
0xa: {  	vm10 =	vcmask $0x2724;
	_ =	strace $0x80000047;
	s1 =	ssub.s32 $0x2, s1;
	s7 =	sand.u32 $0x30, s7;
	v0 =	vsel vm9, $0x41000000, v0  }
0xb: {  	vm11 =	vcmask $0x2B28;
	s5 =	sshll.u32 s4, $0xA;
	s6 =	sshll.u32 s4, $0xB;
	s8 =	sshrl.u32 s1, $0x1;
	v0 =	vsel vm10, $0x41100000, v0  }
0xc: {  	vm12 =	vcmask $0x2F2C;
	s4 =	sshll.u32 s4, $0x1;
	s5 =	sadd.s32 s5, s0;
	s6 =	sadd.s32 s6, s0;
	v0 =	vsel vm11, $0x41200000, v0  }
0xd: {  	vm13 =	vcmask $0x3330;
	s0 =	sadd.s32 s7, s0;
	s1 =	ssub.s32 s1, s8;
	s26 =	sand.u32 $0xE, s4;
	v0 =	vsel vm12, $0x41300000, v0  }
0xe: {  	vm14 =	vcmask $0x3734;
	s8 =	simm.s32 $0x4;
	s4 =	sadd.s32 $0x10200, s5;
	s5 =	sadd.s32 $0x200, s6;
	v0 =	vsel vm13, $0x41400000, v0  }
0xf: {  	vm15 =	vcmask $0x3B38;
	s0 =	sadd.s32 s26, s0;
	s7 =	smax.u32 s1, $0x1;
	s26 =	simm.s32 $0x14000;
	v0 =	vsel vm14, $0x41500000, v0  }
0x10: {  	s1 =	simm.s32 $0x16000;
	s6 =	sadd.s32 $0x18200, s0;
	s0 =	simm.s32 $0x0;
	v0 =	vsel vm15, $0x41600000, v0  }
.LBB2_1:
0x11: {  	[tilespmem:s3], [sflag:$0x4] =	stream.linear.gather [hbm4b:s4+s3], $0x2000, $0x38;
	[tilespmem:$0x16080] =	vst v63  }
0x12: {  	_ =	swait.ge [sflag:s8], $0x2000  }
0x13: {  	[sflag:s8] =	ssyncset.done $0x0  }
0x14: {  	s9 =	simm.s32 $0x2000;
	[sflag:s8] =	ssyncadd.s32 $0xFFFFE000  }
0x15: {  	[tilespmem:s9], [sflag:$0x3] =	stream.linear.gather [hbm4b:s5+s3], $0x4000, $0x38;
	[tilespmem:$0x16080] =	vst v63  }
0x16: {  	v1 =	vld [tilespmem:$0x0];
	_ =	sdelay $0x4  }
0x17: {  	(v2sf) =	vpush v1, $0x0;
	_ =	sdelay $0xe  }
0x18: {  	s18 =	spop (v2sf)  }
0x19: {  	s9 =	sand.u32 $0xFFFFF80, s18  }
0x1a: {  	s12 =	simm.s32 $0x6000;
	s9 =	sadd.s32 s2, s9  }
0x1b: {  	[tilespmem:s12], [sflag:$0x1] =	stream.strided.gather [hbm4b:s9+s10], $0x1000, s11, s10, $0x38;
	[tilespmem:$0x16080] =	vst v63  }
0x1c: {  	v1 =	vld [tilespmem:$0x10];
	_ =	sdelay $0x4  }
0x1d: {  	(v2sf) =	vpush v1, $0x0;
	_ =	sdelay $0xe  }
0x1e: {  	s19 =	spop (v2sf)  }
0x1f: {  	s9 =	sand.u32 $0xFFFFF80, s19  }
0x20: {  	s20 =	simm.s32 $0x7000;
	s9 =	sadd.s32 s2, s9  }
0x21: {  	[tilespmem:s20], [sflag:$0x1] =	stream.strided.gather [hbm4b:s9+s10], $0x1000, s11, s10, $0x38;
	[tilespmem:$0x16080] =	vst v63  }
0x22: {  	v1 =	vld [tilespmem:$0x20];
	_ =	sdelay $0x4  }
0x23: {  	(v2sf) =	vpush v1, $0x0;
	_ =	sdelay $0xe  }
0x24: {  	s21 =	spop (v2sf)  }
0x25: {  	s9 =	sand.u32 $0xFFFFF80, s21  }
0x26: {  	s22 =	simm.s32 $0x8000;
	s9 =	sadd.s32 s2, s9  }
0x27: {  	[tilespmem:s22], [sflag:$0x1] =	stream.strided.gather [hbm4b:s9+s10], $0x1000, s11, s10, $0x38;
	[tilespmem:$0x16080] =	vst v63  }
0x28: {  	v1 =	vld [tilespmem:$0x30];
	_ =	sdelay $0x4  }
0x29: {  	(v2sf) =	vpush v1, $0x0;
	_ =	sdelay $0xe  }
0x2a: {  	s13 =	spop (v2sf)  }
0x2b: {  	s9 =	sand.u32 $0xFFFFF80, s13  }
0x2c: {  	s14 =	simm.s32 $0x9000;
	s9 =	sadd.s32 s2, s9  }
0x2d: {  	[tilespmem:s14], [sflag:$0x1] =	stream.strided.gather [hbm4b:s9+s10], $0x1000, s11, s10, $0x38;
	[tilespmem:$0x16080] =	vst v63  }
0x2e: {  	v1 =	vld [tilespmem:$0x40];
	_ =	sdelay $0x4  }
0x2f: {  	(v2sf) =	vpush v1, $0x0;
	_ =	sdelay $0xe  }
0x30: {  	s15 =	spop (v2sf)  }
0x31: {  	s9 =	sand.u32 $0xFFFFF80, s15  }
0x32: {  	s16 =	simm.s32 $0xA000;
	s9 =	sadd.s32 s2, s9  }
0x33: {  	[tilespmem:s16], [sflag:$0x1] =	stream.strided.gather [hbm4b:s9+s10], $0x1000, s11, s10, $0x38;
	[tilespmem:$0x16080] =	vst v63  }
0x34: {  	v1 =	vld [tilespmem:$0x50];
	_ =	sdelay $0x4  }
0x35: {  	(v2sf) =	vpush v1, $0x0;
	_ =	sdelay $0xe  }
0x36: {  	s17 =	spop (v2sf)  }
0x37: {  	s9 =	sand.u32 $0xFFFFF80, s17  }
0x38: {  	s18 =	simm.s32 $0xB000;
	s9 =	sadd.s32 s2, s9  }
0x39: {  	[tilespmem:s18], [sflag:$0x1] =	stream.strided.gather [hbm4b:s9+s10], $0x1000, s11, s10, $0x38;
	[tilespmem:$0x16080] =	vst v63  }
0x3a: {  	v1 =	vld [tilespmem:$0x60];
	_ =	sdelay $0x4  }
0x3b: {  	(v2sf) =	vpush v1, $0x0;
	_ =	sdelay $0xe  }
0x3c: {  	s19 =	spop (v2sf)  }
0x3d: {  	s9 =	sand.u32 $0xFFFFF80, s19  }
0x3e: {  	s20 =	simm.s32 $0xC000;
	s9 =	sadd.s32 s2, s9  }
0x3f: {  	[tilespmem:s20], [sflag:$0x1] =	stream.strided.gather [hbm4b:s9+s10], $0x1000, s11, s10, $0x38;
	[tilespmem:$0x16080] =	vst v63  }
0x40: {  	v1 =	vld [tilespmem:$0x70];
	_ =	sdelay $0x4  }
0x41: {  	(v2sf) =	vpush v1, $0x0;
	_ =	sdelay $0xe  }
0x42: {  	s21 =	spop (v2sf)  }
0x43: {  	s9 =	sand.u32 $0xFFFFF80, s21  }
0x44: {  	s22 =	simm.s32 $0xD000;
	s9 =	sadd.s32 s2, s9  }
0x45: {  	[tilespmem:s22], [sflag:$0x1] =	stream.strided.gather [hbm4b:s9+s10], $0x1000, s11, s10, $0x38;
	[tilespmem:$0x16080] =	vst v63  }
0x46: {  	v1 =	vld [tilespmem:$0x80];
	_ =	sdelay $0x4  }
0x47: {  	(v2sf) =	vpush v1, $0x0;
	_ =	sdelay $0xe  }
0x48: {  	s12 =	spop (v2sf)  }
0x49: {  	s9 =	sand.u32 $0xFFFFF80, s12  }
0x4a: {  	s13 =	simm.s32 $0xE000;
	s9 =	sadd.s32 s2, s9  }
0x4b: {  	[tilespmem:s13], [sflag:$0x2] =	stream.strided.gather [hbm4b:s9+s10], $0x1000, s11, s10, $0x38;
	[tilespmem:$0x16080] =	vst v63  }
0x4c: {  	v1 =	vld [tilespmem:$0x90];
	_ =	sdelay $0x4  }
0x4d: {  	(v2sf) =	vpush v1, $0x0;
	_ =	sdelay $0xe  }
0x4e: {  	s14 =	spop (v2sf)  }
0x4f: {  	s9 =	sand.u32 $0xFFFFF80, s14  }
0x50: {  	s15 =	simm.s32 $0xF000;
	s9 =	sadd.s32 s2, s9  }
0x51: {  	[tilespmem:s15], [sflag:$0x2] =	stream.strided.gather [hbm4b:s9+s10], $0x1000, s11, s10, $0x38;
	[tilespmem:$0x16080] =	vst v63  }
0x52: {  	v1 =	vld [tilespmem:$0xA0];
	_ =	sdelay $0x4  }
0x53: {  	(v2sf) =	vpush v1, $0x0;
	_ =	sdelay $0xe  }
0x54: {  	s16 =	spop (v2sf)  }
0x55: {  	s9 =	sand.u32 $0xFFFFF80, s16  }
0x56: {  	s17 =	simm.s32 $0x10000;
	s9 =	sadd.s32 s2, s9  }
0x57: {  	[tilespmem:s17], [sflag:$0x2] =	stream.strided.gather [hbm4b:s9+s10], $0x1000, s11, s10, $0x38;
	[tilespmem:$0x16080] =	vst v63  }
0x58: {  	v1 =	vld [tilespmem:$0xB0];
	_ =	sdelay $0x4  }
0x59: {  	(v2sf) =	vpush v1, $0x0;
	_ =	sdelay $0xe  }
0x5a: {  	s18 =	spop (v2sf)  }
0x5b: {  	s9 =	sand.u32 $0xFFFFF80, s18  }
0x5c: {  	s9 =	sadd.s32 s2, s9  }
0x5d: {  	[tilespmem:s23], [sflag:$0x2] =	stream.strided.gather [hbm4b:s9+s10], $0x1000, s11, s10, $0x38;
	[tilespmem:$0x16080] =	vst v63  }
0x5e: {  	v1 =	vld [tilespmem:$0xC0];
	_ =	sdelay $0x4  }
0x5f: {  	(v2sf) =	vpush v1, $0x0;
	_ =	sdelay $0xe  }
0x60: {  	s19 =	spop (v2sf)  }
0x61: {  	s9 =	sand.u32 $0xFFFFF80, s19  }
0x62: {  	s9 =	sadd.s32 s2, s9  }
0x63: {  	[tilespmem:s24], [sflag:$0x2] =	stream.strided.gather [hbm4b:s9+s10], $0x1000, s11, s10, $0x38;
	[tilespmem:$0x16080] =	vst v63  }
0x64: {  	v1 =	vld [tilespmem:$0xD0];
	_ =	sdelay $0x4  }
0x65: {  	(v2sf) =	vpush v1, $0x0;
	_ =	sdelay $0xe  }
0x66: {  	s20 =	spop (v2sf)  }
0x67: {  	s9 =	sand.u32 $0xFFFFF80, s20  }
0x68: {  	s9 =	sadd.s32 s2, s9  }
0x69: {  	[tilespmem:s25], [sflag:$0x2] =	stream.strided.gather [hbm4b:s9+s10], $0x1000, s11, s10, $0x38;
	[tilespmem:$0x16080] =	vst v63  }
0x6a: {  	v1 =	vld [tilespmem:$0xE0];
	_ =	sdelay $0x4  }
0x6b: {  	(v2sf) =	vpush v1, $0x0;
	_ =	sdelay $0xe  }
0x6c: {  	s21 =	spop (v2sf)  }
0x6d: {  	s9 =	sand.u32 $0xFFFFF80, s21  }
0x6e: {  	s9 =	sadd.s32 s2, s9  }
0x6f: {  	[tilespmem:s26], [sflag:$0x2] =	stream.strided.gather [hbm4b:s9+s10], $0x1000, s11, s10, $0x38;
	[tilespmem:$0x16080] =	vst v63  }
0x70: {  	v1 =	vld [tilespmem:$0xF0];
	_ =	sdelay $0x4  }
0x71: {  	(v2sf) =	vpush v1, $0x0;
	_ =	sdelay $0xe  }
0x72: {  	s22 =	spop (v2sf)  }
0x73: {  	s9 =	sand.u32 $0xFFFFF80, s22  }
0x74: {  	s9 =	sadd.s32 s2, s9  }
0x75: {  	[tilespmem:s28], [sflag:$0x2] =	stream.strided.gather [hbm4b:s9+s10], $0x1000, s11, s10, $0x38;
	[tilespmem:$0x16080] =	vst v63  }
0x76: {  	s12 =	simm.s32 $0x2110;
	_ =	swait.ge [sflag:s29], $0x4000  }
0x77: {  	s13 =	simm.s32 $0x80;
	s14 =	simm.s32 $0x0;
	[sflag:s29] =	ssyncset.done $0x0  }
0x78: {  	v11 =	vimm.f32 $0.0e+00;
	s15 =	simm.s32 $0x0;
	v1 =	vimm.f32 $0.0e+00;
	s9 =	simm.s32 $0x2010;
	[sflag:s29] =	ssyncadd.s32 $0xFFFFC000  }
.LBB2_2:
0x79: {  	_ =	swait.ge [sflag:s30], $0x1000  }
0x7a: {  	[sflag:s30] =	ssyncset.done $0x0  }
0x7b: {  	[sflag:s30] =	ssyncadd.s32 $0xFFFFF000  }
0x7c: {  	_ =	swait.ge [sflag:s30], $0x1000  }
0x7d: {  	[sflag:s30] =	ssyncset.done $0x0  }
0x7e: {  	[sflag:s30] =	ssyncadd.s32 $0xFFFFF000  }
0x7f: {  	_ =	swait.ge [sflag:s30], $0x1000  }
0x80: {  	[sflag:s30] =	ssyncset.done $0x0  }
0x81: {  	[sflag:s30] =	ssyncadd.s32 $0xFFFFF000  }
0x82: {  	_ =	swait.ge [sflag:s30], $0x1000  }
0x83: {  	[sflag:s30] =	ssyncset.done $0x0  }
0x84: {  	[sflag:s30] =	ssyncadd.s32 $0xFFFFF000  }
0x85: {  	_ =	swait.ge [sflag:s30], $0x1000  }
0x86: {  	[sflag:s30] =	ssyncset.done $0x0  }
0x87: {  	[sflag:s30] =	ssyncadd.s32 $0xFFFFF000  }
0x88: {  	_ =	swait.ge [sflag:s30], $0x1000  }
0x89: {  	[sflag:s30] =	ssyncset.done $0x0  }
0x8a: {  	[sflag:s30] =	ssyncadd.s32 $0xFFFFF000  }
0x8b: {  	_ =	swait.ge [sflag:s30], $0x1000  }
0x8c: {  	[sflag:s30] =	ssyncset.done $0x0  }
0x8d: {  	[sflag:s30] =	ssyncadd.s32 $0xFFFFF000  }
0x8e: {  	_ =	swait.ge [sflag:s30], $0x1000  }
0x8f: {  	[sflag:s30] =	ssyncset.done $0x0  }
0x90: {  	[sflag:s30] =	ssyncadd.s32 $0xFFFFF000  }
0x91: {  	v2 =	vld [tilespmem:s14+$0x0];
	_ =	sdelay $0x4  }
0x92: {  	(v2sf) =	vpush v2, $0x0;
	_ =	sdelay $0xe  }
0x93: {  	s16 =	spop (v2sf)  }
0x94: {  	s17 =	sand.u32 $0xF, s16  }
0x95: {  	v2 =	vmov s17  }
0x96: {  	s16 =	sshll.u32 s16, $0x2;
	v2 =	vcvt.s32.f32 v2  }
0x97: {  	s16 =	sand.u32 $0x1C0, s16  }
0x98: {  	s19 =	sshrl.u32 s16, $0x2;
	s16 =	sadd.s32 $0x0, s16;
	v2 =	vbroadcast v2, $0x0  }
0x99: {  	s16 =	sshra.s32 s16, $0x2  }
0x9a: {  	s17 =	sadd.s32 $0x0, s19;
	v14 =	vld [tilespmem:s16+$0x6000];
	v3 =	vsub.f32 v0, v2  }
0x9b: {  	v2 =	vld [tilespmem:s17+$0x6080]  }
0x9c: {  	v12 =	vld [tilespmem:s17+$0x6100];
	v3 =	vand.u32 $0x7FFFFFFF, v3  }
0x9d: {  	v3 =	vsub.f32 $1.000000000e+00, v3;
	_ =	sdelay $0x1  }
0x9e: {  	v17 =	vld [tilespmem:s17+$0x6180];
	v3 =	vmax.f32 v3, $0.0e+00  }
0x9f: {  	v4 =	vmul.f32 v3, v14;
	v5 =	vmul.f32 v3, v2  }
0xa0: {  	v19 =	vld [tilespmem:s17+$0x6200];
	v6 =	vmul.f32 v3, v12  }
0xa1: {  	v4 =	vmul.f32 v4, v4;
	v5 =	vmul.f32 v5, v5  }
0xa2: {  	v18 =	vld [tilespmem:s17+$0x6280]  }
0xa3: {  	v4 =	vadd.f32 v5, v4;
	v5 =	vmul.f32 v6, v6;
	v6 =	vmul.f32 v3, v17  }
0xa4: {  	v42 =	vld [tilespmem:s17+$0x6300]  }
0xa5: {  	v4 =	vadd.f32 v4, v5;
	v5 =	vmul.f32 v6, v6;
	v6 =	vmul.f32 v3, v19  }
0xa6: {  	v21 =	vld [tilespmem:s17+$0x6380]  }
0xa7: {  	v4 =	vadd.f32 v4, v5;
	v5 =	vmul.f32 v6, v6;
	v6 =	vmul.f32 v3, v18  }
0xa8: {  	v22 =	vld [tilespmem:s17+$0x6400]  }
0xa9: {  	v4 =	vadd.f32 v4, v5;
	v5 =	vmul.f32 v6, v6;
	v6 =	vmul.f32 v3, v42  }
0xaa: {  	v23 =	vld [tilespmem:s17+$0x6480]  }
0xab: {  	v4 =	vadd.f32 v4, v5;
	v5 =	vmul.f32 v6, v6;
	v6 =	vmul.f32 v21, v3  }
0xac: {  	v41 =	vld [tilespmem:s17+$0x6500]  }
0xad: {  	v4 =	vadd.f32 v4, v5;
	v5 =	vmul.f32 v6, v6;
	v6 =	vmul.f32 v22, v3  }
0xae: {  	v39 =	vld [tilespmem:s17+$0x6580]  }
0xaf: {  	v4 =	vadd.f32 v4, v5;
	v5 =	vmul.f32 v6, v6;
	v6 =	vmul.f32 v23, v3  }
0xb0: {  	v40 =	vld [tilespmem:s17+$0x6600]  }
0xb1: {  	v4 =	vadd.f32 v4, v5;
	v5 =	vmul.f32 v6, v6;
	v6 =	vmul.f32 v41, v3  }
0xb2: {  	v37 =	vld [tilespmem:s17+$0x6680]  }
0xb3: {  	v4 =	vadd.f32 v4, v5;
	v5 =	vmul.f32 v6, v6;
	v6 =	vmul.f32 v39, v3  }
0xb4: {  	v38 =	vld [tilespmem:s17+$0x6700]  }
0xb5: {  	v4 =	vadd.f32 v4, v5;
	v5 =	vmul.f32 v6, v6;
	v6 =	vmul.f32 v40, v3  }
0xb6: {  	v35 =	vld [tilespmem:s17+$0x6780]  }
0xb7: {  	v4 =	vadd.f32 v4, v5;
	v5 =	vmul.f32 v6, v6;
	v6 =	vmul.f32 v37, v3  }
0xb8: {  	v36 =	vld [tilespmem:s17+$0x6800]  }
0xb9: {  	v4 =	vadd.f32 v4, v5;
	v5 =	vmul.f32 v6, v6;
	v6 =	vmul.f32 v38, v3  }
0xba: {  	v33 =	vld [tilespmem:s17+$0x6880]  }
0xbb: {  	v4 =	vadd.f32 v4, v5;
	v5 =	vmul.f32 v6, v6;
	v6 =	vmul.f32 v35, v3  }
0xbc: {  	v34 =	vld [tilespmem:s17+$0x6900]  }
0xbd: {  	v4 =	vadd.f32 v4, v5;
	v5 =	vmul.f32 v6, v6;
	v6 =	vmul.f32 v36, v3  }
0xbe: {  	s18 =	sadd.s32 $0x10, s14;
	v31 =	vld [tilespmem:s17+$0x6980]  }
0xbf: {  	v7 =	vld [tilespmem:s18+$0x0];
	v4 =	vadd.f32 v4, v5;
	v5 =	vmul.f32 v6, v6;
	v6 =	vmul.f32 v33, v3  }
0xc0: {  	v32 =	vld [tilespmem:s17+$0x6A00]  }
0xc1: {  	v8 =	vmul.f32 v34, v3;
	v4 =	vadd.f32 v4, v5;
	v6 =	vmul.f32 v6, v6  }
0xc2: {  	v5 =	vld [tilespmem:s17+$0x6A80]  }
0xc3: {  	v9 =	vmul.f32 v31, v3;
	v8 =	vmul.f32 v8, v8;
	v4 =	vadd.f32 v4, v6  }
0xc4: {  	(v2sf) =	vpush v7, $0x0;
	v6 =	vld [tilespmem:s17+$0x6B00]  }
0xc5: {  	v4 =	vadd.f32 v4, v8;
	v8 =	vmul.f32 v9, v9;
	v9 =	vmul.f32 v32, v3  }
0xc6: {  	v7 =	vld [tilespmem:s17+$0x6B80]  }
0xc7: {  	v10 =	vmul.f32 v5, v3;
	v4 =	vadd.f32 v4, v8;
	v9 =	vmul.f32 v9, v9  }
0xc8: {  	v8 =	vld [tilespmem:s17+$0x6C00]  }
0xc9: {  	v4 =	vadd.f32 v4, v9;
	v9 =	vmul.f32 v10, v10;
	v10 =	vmul.f32 v6, v3  }
0xca: {  	v13 =	vld [tilespmem:s17+$0x6C80]  }
0xcb: {  	v15 =	vmul.f32 v7, v3;
	v4 =	vadd.f32 v4, v9;
	v9 =	vmul.f32 v10, v10  }
0xcc: {  	v10 =	vld [tilespmem:s17+$0x6D00]  }
0xcd: {  	v46 =	vld [tilespmem:s9+$0xFFFFFFF0];
	v4 =	vadd.f32 v4, v9;
	v9 =	vmul.f32 v15, v15;
	v15 =	vmul.f32 v8, v3  }
0xce: {  	v20 =	vld [tilespmem:s17+$0x6D80]  }
0xcf: {  	v4 =	vadd.f32 v4, v9;
	v9 =	vmul.f32 v15, v15;
	v15 =	vmul.f32 v13, v3  }
0xd0: {  	v25 =	vld [tilespmem:s17+$0x6E00]  }
0xd1: {  	v4 =	vadd.f32 v4, v9;
	v9 =	vmul.f32 v15, v15;
	v15 =	vmul.f32 v10, v3  }
0xd2: {  	v29 =	vmul.f32 v46, v46;
	v26 =	vld [tilespmem:s17+$0x6E80]  }
0xd3: {  	v16 =	vmul.f32 v20, v3;
	v4 =	vadd.f32 v4, v9;
	v15 =	vmul.f32 v15, v15  }
0xd4: {  	v44 =	vbroadcast v46, $0x0;
	v47 =	vbroadcast v46, $0x1;
	s20 =	spop (v2sf);
	v9 =	vld [tilespmem:s17+$0x6F00]  }
0xd5: {  	s19 =	sand.u32 $0xF, s20;
	v4 =	vadd.f32 v4, v15;
	v15 =	vmul.f32 v16, v16;
	v16 =	vmul.f32 v25, v3  }
0xd6: {  	v48 =	vbroadcast v46, $0x2;
	v63 =	vbroadcast v46, $0x3;
	v28 =	vmov s19  }
0xd7: {  	v4 =	vadd.f32 v4, v15;
	v15 =	vmul.f32 v16, v16;
	v16 =	vmul.f32 v26, v3  }
0xd8: {  	v49 =	vbroadcast v46, $0x4;
	s21 =	sshll.u32 s20, $0x2;
	v28 =	vcvt.s32.f32 v28  }
0xd9: {  	v24 =	vld [tilespmem:s16+$0x6F80];
	s16 =	sand.u32 $0x1C0, s21;
	v4 =	vadd.f32 v4, v15;
	v15 =	vmul.f32 v16, v16;
	v16 =	vmul.f32 v9, v3  }
0xda: {  	v50 =	vbroadcast v46, $0x5;
	s22 =	sshrl.u32 s16, $0x2;
	v28 =	vbroadcast v28, $0x0  }
0xdb: {  	v27 =	vld [tilespmem:s9+$0x0];
	v52 =	vbroadcast v46, $0x6;
	s16 =	sadd.s32 $0x4000, s16;
	s20 =	sadd.s32 $0x1000, s22;
	v15 =	vadd.f32 v4, v15;
	v16 =	vmul.f32 v16, v16  }
0xdc: {  	v62 =	vmul.f32 v12, v48;
	v57 =	vmul.f32 v17, v63;
	s21 =	sshra.s32 s16, $0x2;
	v43 =	vsub.f32 v0, v28;
	v4 =	vld [tilespmem:s20+$0x6080]  }
0xdd: {  	v58 =	vmul.f32 v19, v49;
	v14 =	vmul.f32 v14, v44;
	v45 =	vadd.f32 v15, v16;
	v15 =	vld [tilespmem:s21+$0x6000]  }
0xde: {  	v60 =	vmul.f32 v18, v50;
	v30 =	vmul.f32 v24, v3;
	v43 =	vand.u32 $0x7FFFFFFF, v43;
	v16 =	vld [tilespmem:s20+$0x6100]  }
0xdf: {  	v47 =	vmul.f32 v2, v47;
	v14 =	vadd.f32 $0.0e+00, v14;
	v2 =	vsub.f32 $1.000000000e+00, v43  }
0xe0: {  	v63 =	vbroadcast v46, $0x8;
	v61 =	vmul.f32 v30, v30;
	v12 =	vld [tilespmem:s20+$0x6180]  }
0xe1: {  	v47 =	vadd.f32 v47, v14;
	v28 =	vmul.f32 v27, v27;
	v2 =	vmax.f32 v2, $0.0e+00  }
0xe2: {  	v30 =	vadd.f32 v29, v11;
	v51 =	vmul.f32 v2, v4;
	v11 =	vmul.f32 v2, v15  }
0xe3: {  	v14 =	vld [tilespmem:s20+$0x6200];
	v42 =	vmul.f32 v42, v52;
	v43 =	vadd.f32 v62, v47;
	v53 =	vmul.f32 v2, v16  }
0xe4: {  	v18 =	vld [tilespmem:s20+$0x6300];
	v28 =	vadd.f32 v28, v30;
	v56 =	vmul.f32 v51, v51;
	v11 =	vmul.f32 v11, v11  }
0xe5: {  	v17 =	vld [tilespmem:s20+$0x6280];
	v62 =	vbroadcast v46, $0x7;
	v43 =	vadd.f32 v57, v43;
	v59 =	vmul.f32 v2, v12  }
0xe6: {  	v47 =	vmul.f32 v22, v63;
	v19 =	vmul.f32 v53, v53;
	v11 =	vadd.f32 v56, v11  }
0xe7: {  	v63 =	vbroadcast v46, $0xC;
	v43 =	vadd.f32 v58, v43;
	v44 =	vmul.f32 v59, v59  }
0xe8: {  	v29 =	vadd.f32 v45, v61;
	v61 =	vmul.f32 v2, v14;
	v11 =	vadd.f32 v11, v19  }
0xe9: {  	v49 =	vmul.f32 v21, v62;
	v55 =	vmul.f32 v2, v18;
	v43 =	vadd.f32 v60, v43;
	v19 =	vld [tilespmem:s20+$0x6380]  }
0xea: {  	v52 =	vmul.f32 v61, v61;
	v53 =	vmul.f32 v2, v17;
	v11 =	vadd.f32 v11, v44  }
0xeb: {  	v21 =	vld [tilespmem:s20+$0x6400];
	v57 =	vbroadcast v46, $0xA;
	v62 =	vbroadcast v46, $0xB;
	v42 =	vadd.f32 v42, v43  }
0xec: {  	v58 =	vmul.f32 v55, v55;
	v54 =	vmul.f32 v53, v53;
	v11 =	vadd.f32 v11, v52  }
0xed: {  	v22 =	vld [tilespmem:s20+$0x6480];
	v41 =	vmul.f32 v41, v57;
	v49 =	vadd.f32 v49, v42;
	v56 =	vbroadcast v46, $0x9  }
0xee: {  	v57 =	vbroadcast v46, $0xE;
	v59 =	vmul.f32 v19, v2;
	v11 =	vadd.f32 v11, v54  }
0xef: {  	v39 =	vmul.f32 v39, v62;
	v47 =	vadd.f32 v47, v49;
	v48 =	vmul.f32 v23, v56;
	v23 =	vld [tilespmem:s20+$0x6500]  }
0xf0: {  	v61 =	vmul.f32 v21, v2;
	v60 =	vmul.f32 v59, v59;
	v11 =	vadd.f32 v11, v58  }
0xf1: {  	v62 =	vbroadcast v46, $0xF;
	v42 =	vld [tilespmem:s20+$0x6580];
	v40 =	vmul.f32 v40, v63;
	v53 =	vadd.f32 v48, v47  }
0xf2: {  	v44 =	vmul.f32 v61, v61;
	v52 =	vmul.f32 v22, v2;
	v11 =	vadd.f32 v11, v60  }
0xf3: {  	v43 =	vld [tilespmem:s20+$0x6600];
	v63 =	vbroadcast v27, $0x0;
	v38 =	vmul.f32 v38, v57;
	v41 =	vadd.f32 v41, v53  }
0xf4: {  	v55 =	vmul.f32 v23, v2;
	v54 =	vmul.f32 v52, v52;
	v11 =	vadd.f32 v11, v44  }
0xf5: {  	v57 =	vbroadcast v27, $0x2;
	v56 =	vbroadcast v46, $0xD;
	v39 =	vadd.f32 v39, v41;
	v44 =	vld [tilespmem:s20+$0x6680]  }
0xf6: {  	v59 =	vmul.f32 v42, v2;
	v58 =	vmul.f32 v55, v55;
	v11 =	vadd.f32 v11, v54  }
0xf7: {  	v35 =	vmul.f32 v35, v62;
	v45 =	vld [tilespmem:s20+$0x6700];
	v37 =	vmul.f32 v37, v56;
	v39 =	vadd.f32 v40, v39  }
0xf8: {  	v61 =	vmul.f32 v43, v2;
	v60 =	vmul.f32 v59, v59;
	v11 =	vadd.f32 v11, v58  }
0xf9: {  	v34 =	vmul.f32 v34, v57;
	v62 =	vbroadcast v27, $0x3;
	v46 =	vld [tilespmem:s20+$0x6780];
	v37 =	vadd.f32 v37, v39  }
0xfa: {  	v52 =	vmul.f32 v61, v61;
	v53 =	vmul.f32 v44, v2;
	v11 =	vadd.f32 v11, v60  }
0xfb: {  	v57 =	vbroadcast v27, $0x6;
	v36 =	vmul.f32 v36, v63;
	v47 =	vld [tilespmem:s20+$0x6800];
	v37 =	vadd.f32 v38, v37  }
0xfc: {  	v55 =	vmul.f32 v45, v2;
	v54 =	vmul.f32 v53, v53;
	v11 =	vadd.f32 v11, v52  }
0xfd: {  	v63 =	vbroadcast v27, $0x4;
	v56 =	vbroadcast v27, $0x1;
	v48 =	vld [tilespmem:s20+$0x6880];
	v35 =	vadd.f32 v35, v37  }
0xfe: {  	v59 =	vmul.f32 v46, v2;
	v58 =	vmul.f32 v55, v55;
	v11 =	vadd.f32 v11, v54  }
0xff: {  	v49 =	vld [tilespmem:s20+$0x6900];
	v31 =	vmul.f32 v31, v62;
	v33 =	vmul.f32 v33, v56;
	v35 =	vadd.f32 v36, v35  }
0x100: {  	v50 =	vld [tilespmem:s20+$0x6980];
	v61 =	vmul.f32 v47, v2;
	v60 =	vmul.f32 v59, v59;
	v11 =	vadd.f32 v11, v58  }
0x101: {  	s19 =	sadd.s32 $0x10, s18;
	v32 =	vmul.f32 v32, v63;
	v63 =	vbroadcast v27, $0x7;
	v41 =	vld [tilespmem:s20+$0x6A00];
	v33 =	vadd.f32 v33, v35  }
0x102: {  	v51 =	vmul.f32 v61, v61;
	v53 =	vld [tilespmem:s19+$0x0];
	v52 =	vmul.f32 v48, v2;
	v11 =	vadd.f32 v11, v60  }
0x103: {  	v28 =	vadd.f32 v29, v28;
	v56 =	vbroadcast v27, $0x5;
	v40 =	vld [tilespmem:s20+$0x6A80];
	v33 =	vadd.f32 v34, v33  }
0x104: {  	v55 =	vmul.f32 v49, v2;
	v54 =	vmul.f32 v52, v52;
	v11 =	vadd.f32 v11, v51  }
0x105: {  	v38 =	vmul.f32 v5, v56;
	v5 =	vld [tilespmem:s20+$0x6B00];
	v59 =	vmul.f32 v50, v2;
	v31 =	vadd.f32 v31, v33  }
0x106: {  	v62 =	vmul.f32 v41, v2;
	v58 =	vmul.f32 v55, v55;
	v11 =	vadd.f32 v11, v54  }
0x107: {  	v61 =	vmul.f32 v59, v59;
	(v2sf) =	vpush v53, $0x0;
	v31 =	vadd.f32 v32, v31  }
0x108: {  	v53 =	vmul.f32 v40, v2;
	v60 =	vmul.f32 v6, v57;
	v6 =	vld [tilespmem:s20+$0x6B80];
	v11 =	vadd.f32 v11, v58  }
0x109: {  	v52 =	vmul.f32 v62, v62;
	v55 =	vbroadcast v27, $0x8;
	v31 =	vadd.f32 v38, v31  }
0x10a: {  	v56 =	vmul.f32 v53, v53;
	v57 =	vmul.f32 v5, v2;
	v51 =	vadd.f32 v11, v61  }
0x10b: {  	v59 =	vmul.f32 v8, v55;
	v31 =	vadd.f32 v60, v31;
	v54 =	vmul.f32 v7, v63;
	v11 =	vld [tilespmem:s20+$0x6C00]  }
0x10c: {  	v60 =	vmul.f32 v57, v57;
	v7 =	vld [tilespmem:s20+$0x6C80];
	v63 =	vbroadcast v27, $0xA;
	v32 =	vadd.f32 v51, v52  }
0x10d: {  	v58 =	vbroadcast v27, $0x9;
	v31 =	vadd.f32 v54, v31;
	v61 =	vmul.f32 v6, v2  }
0x10e: {  	v57 =	vbroadcast v27, $0xC;
	v53 =	vmul.f32 v10, v63;
	v8 =	vadd.f32 v32, v56  }
0x10f: {  	v62 =	vmul.f32 v13, v58;
	v13 =	vld [tilespmem:s20+$0x6D00];
	v31 =	vadd.f32 v59, v31;
	v34 =	vmul.f32 v61, v61  }
0x110: {  	v52 =	vbroadcast v27, $0xB;
	v51 =	vmul.f32 v11, v2;
	v32 =	vadd.f32 v8, v60  }
0x111: {  	v63 =	vbroadcast v27, $0xE;
	v55 =	vmul.f32 v7, v2;
	v31 =	vadd.f32 v62, v31;
	v8 =	vld [tilespmem:s20+$0x6D80]  }
0x112: {  	v56 =	vmul.f32 v20, v52;
	v20 =	vld [tilespmem:s20+$0x6E00];
	v54 =	vmul.f32 v51, v51;
	v10 =	vadd.f32 v32, v34  }
0x113: {  	v59 =	vbroadcast v27, $0xD;
	v36 =	vmul.f32 v9, v63;
	v31 =	vadd.f32 v53, v31  }
0x114: {  	v9 =	vld [tilespmem:s21+$0x6F80];
	v58 =	vmul.f32 v13, v2;
	v34 =	vmul.f32 v55, v55;
	v32 =	vadd.f32 v10, v54  }
0x115: {  	v27 =	vbroadcast v27, $0xF;
	v60 =	vmul.f32 v25, v57;
	v31 =	vadd.f32 v56, v31;
	v10 =	vld [tilespmem:s20+$0x6E80]  }
0x116: {  	v25 =	vld [tilespmem:s20+$0x6F00];
	v61 =	vmul.f32 v58, v58;
	v62 =	vmul.f32 v8, v2;
	v32 =	vadd.f32 v32, v34  }
0x117: {  	s16 =	sadd.s32 $0x20, s9;
	v26 =	vmul.f32 v26, v59;
	v31 =	vadd.f32 v60, v31;
	v55 =	vmul.f32 v20, v2  }
0x118: {  	v24 =	vmul.f32 v24, v27;
	s22 =	spop (v2sf);
	v51 =	vld [tilespmem:s16+$0xFFFFFFF0];
	v54 =	vmul.f32 v62, v62;
	v32 =	vadd.f32 v32, v61  }
0x119: {  	v29 =	vmul.f32 v9, v2;
	s20 =	sand.u32 $0xF, s22;
	v26 =	vadd.f32 v26, v31;
	v56 =	vmul.f32 v55, v55  }
0x11a: {  	v27 =	vmov s20;
	v57 =	vmul.f32 v10, v2;
	v32 =	vadd.f32 v32, v54  }
0x11b: {  	v59 =	vmul.f32 v25, v2;
	v27 =	vcvt.s32.f32 v27  }
0x11c: {  	s21 =	sshll.u32 s22, $0x2;
	v26 =	vadd.f32 v36, v26;
	v58 =	vmul.f32 v57, v57;
	v31 =	vadd.f32 v32, v56  }
0x11d: {  	s17 =	sand.u32 $0x1C0, s21;
	v30 =	vmul.f32 v51, v51;
	v60 =	vmul.f32 v59, v59  }
0x11e: {  	v33 =	vld [tilespmem:s16+$0x0];
	s22 =	sshrl.u32 s17, $0x2;
	s17 =	sadd.s32 $0x8000, s17;
	v27 =	vbroadcast v27, $0x0;
	v36 =	vadd.f32 v24, v26;
	v31 =	vadd.f32 v31, v58  }
0x11f: {  	s17 =	sshra.s32 s17, $0x2;
	v26 =	vmul.f32 v29, v29;
	v29 =	vbroadcast v51, $0x0;
	v28 =	vadd.f32 v30, v28  }
0x120: {  	s18 =	sadd.s32 $0x2000, s22;
	v35 =	vld [tilespmem:s17+$0x6000];
	v30 =	vbroadcast v51, $0x1;
	v27 =	vsub.f32 v0, v27;
	v24 =	vadd.f32 v31, v60  }
0x121: {  	v15 =	vmul.f32 v15, v29;
	v29 =	vbroadcast v51, $0x4;
	v32 =	vld [tilespmem:s18+$0x6080]  }
0x122: {  	v37 =	vld [tilespmem:s18+$0x6100];
	v31 =	vbroadcast v51, $0x2;
	v24 =	vadd.f32 v24, v26;
	v26 =	vand.u32 $0x7FFFFFFF, v27  }
0x123: {  	v61 =	vmul.f32 v33, v33;
	v27 =	vmul.f32 v4, v30;
	v4 =	vsub.f32 $1.000000000e+00, v26  }
0x124: {  	v15 =	vadd.f32 $0.0e+00, v15;
	v14 =	vmul.f32 v14, v29;
	v16 =	vmul.f32 v16, v31  }
0x125: {  	v34 =	vld [tilespmem:s18+$0x6180];
	v30 =	vbroadcast v51, $0x5;
	v26 =	vbroadcast v51, $0x3;
	v4 =	vmax.f32 v4, $0.0e+00  }
0x126: {  	v28 =	vadd.f32 v61, v28;
	v62 =	vmul.f32 v4, v35;
	v63 =	vmul.f32 v4, v32  }
0x127: {  	v38 =	vld [tilespmem:s18+$0x6200];
	v15 =	vadd.f32 v27, v15;
	v12 =	vmul.f32 v12, v26;
	v27 =	vmul.f32 v4, v37  }
0x128: {  	v39 =	vadd.f32 v24, v28;
	v24 =	vmul.f32 v62, v62;
	v26 =	vmul.f32 v63, v63  }
0x129: {  	v31 =	vbroadcast v51, $0x6;
	v28 =	vld [tilespmem:s18+$0x6280];
	v15 =	vadd.f32 v16, v15;
	v16 =	vmul.f32 v17, v30  }
0x12a: {  	v17 =	vadd.f32 v26, v24;
	v24 =	vmul.f32 v27, v27;
	v26 =	vmul.f32 v4, v34  }
0x12b: {  	v12 =	vadd.f32 v12, v15;
	v15 =	vmul.f32 v18, v31;
	v18 =	vbroadcast v51, $0x7;
	v27 =	vld [tilespmem:s18+$0x6300]  }
0x12c: {  	v17 =	vadd.f32 v17, v24;
	v24 =	vmul.f32 v26, v26;
	v26 =	vmul.f32 v4, v38  }
0x12d: {  	v29 =	vld [tilespmem:s18+$0x6380];
	v12 =	vadd.f32 v14, v12;
	v14 =	vmul.f32 v19, v18;
	v18 =	vbroadcast v51, $0x8  }
0x12e: {  	v17 =	vadd.f32 v17, v24;
	v19 =	vmul.f32 v26, v26;
	v24 =	vmul.f32 v4, v28  }
0x12f: {  	v31 =	vld [tilespmem:s18+$0x6400];
	v12 =	vadd.f32 v16, v12;
	v16 =	vmul.f32 v21, v18;
	v18 =	vbroadcast v51, $0x9  }
0x130: {  	v21 =	vmul.f32 v4, v27;
	v17 =	vadd.f32 v17, v19;
	v19 =	vmul.f32 v24, v24  }
0x131: {  	v30 =	vld [tilespmem:s18+$0x6480];
	v12 =	vadd.f32 v15, v12;
	v15 =	vmul.f32 v22, v18;
	v18 =	vbroadcast v51, $0xA  }
0x132: {  	v17 =	vadd.f32 v17, v19;
	v19 =	vmul.f32 v21, v21;
	v21 =	vmul.f32 v29, v4  }
0x133: {  	v26 =	vld [tilespmem:s18+$0x6500];
	v12 =	vadd.f32 v14, v12;
	v14 =	vmul.f32 v23, v18;
	v18 =	vbroadcast v51, $0xB  }
0x134: {  	v17 =	vadd.f32 v17, v19;
	v19 =	vmul.f32 v21, v21;
	v21 =	vmul.f32 v31, v4  }
0x135: {  	v24 =	vld [tilespmem:s18+$0x6580];
	v12 =	vadd.f32 v16, v12;
	v16 =	vmul.f32 v42, v18;
	v18 =	vbroadcast v51, $0xC  }
0x136: {  	v23 =	vld [tilespmem:s18+$0x6600];
	v17 =	vadd.f32 v17, v19;
	v19 =	vmul.f32 v21, v21;
	v21 =	vmul.f32 v30, v4  }
0x137: {  	v12 =	vadd.f32 v15, v12;
	v15 =	vmul.f32 v43, v18;
	v18 =	vbroadcast v51, $0xD  }
0x138: {  	v22 =	vld [tilespmem:s18+$0x6680];
	v17 =	vadd.f32 v17, v19;
	v19 =	vmul.f32 v21, v21;
	v21 =	vmul.f32 v26, v4  }
0x139: {  	v12 =	vadd.f32 v14, v12;
	v14 =	vmul.f32 v44, v18;
	v18 =	vbroadcast v51, $0xE  }
0x13a: {  	v52 =	vmul.f32 v24, v4;
	v17 =	vadd.f32 v17, v19;
	v19 =	vmul.f32 v21, v21  }
0x13b: {  	v54 =	vmul.f32 v23, v4;
	v12 =	vadd.f32 v16, v12;
	v53 =	vmul.f32 v45, v18;
	v21 =	vld [tilespmem:s18+$0x6700]  }
0x13c: {  	v16 =	vbroadcast v51, $0xF;
	v18 =	vmul.f32 v52, v52;
	v17 =	vadd.f32 v17, v19  }
0x13d: {  	v55 =	vmul.f32 v22, v4;
	v42 =	vmul.f32 v54, v54;
	v12 =	vadd.f32 v15, v12;
	v19 =	vld [tilespmem:s18+$0x6780]  }
0x13e: {  	v15 =	vmul.f32 v46, v16;
	v16 =	vbroadcast v33, $0x0;
	v17 =	vadd.f32 v17, v18  }
0x13f: {  	v57 =	vmul.f32 v55, v55;
	v12 =	vadd.f32 v14, v12;
	v14 =	vbroadcast v33, $0x1;
	v18 =	vld [tilespmem:s18+$0x6800]  }
0x140: {  	v56 =	vmul.f32 v47, v16;
	v16 =	vld [tilespmem:s18+$0x6880];
	v58 =	vmul.f32 v21, v4;
	v17 =	vadd.f32 v17, v42  }
0x141: {  	v63 =	vbroadcast v33, $0x5;
	v12 =	vadd.f32 v53, v12;
	v59 =	vmul.f32 v48, v14  }
0x142: {  	v51 =	vmul.f32 v58, v58;
	v52 =	vmul.f32 v19, v4;
	v17 =	vadd.f32 v17, v57  }
0x143: {  	v48 =	vbroadcast v33, $0x2;
	v14 =	vld [tilespmem:s18+$0x6900];
	v12 =	vadd.f32 v15, v12;
	v15 =	vbroadcast v33, $0x3  }
0x144: {  	v44 =	vmul.f32 v52, v52;
	v53 =	vmul.f32 v18, v4;
	v42 =	vadd.f32 v17, v51  }
0x145: {  	v55 =	vmul.f32 v16, v4;
	v45 =	vadd.f32 v56, v12;
	v62 =	vmul.f32 v50, v15;
	v17 =	vld [tilespmem:s18+$0x6980]  }
0x146: {  	v15 =	vbroadcast v33, $0x4;
	v54 =	vmul.f32 v53, v53;
	v42 =	vadd.f32 v42, v44  }
0x147: {  	s20 =	sadd.s32 $0x10, s19;
	v46 =	vmul.f32 v49, v48;
	v12 =	vld [tilespmem:s18+$0x6A00];
	v56 =	vmul.f32 v55, v55;
	v43 =	vadd.f32 v59, v45  }
0x148: {  	v55 =	vmul.f32 v14, v4;
	v61 =	vmul.f32 v41, v15;
	v41 =	vld [tilespmem:s20+$0x0];
	v57 =	vadd.f32 v42, v54  }
0x149: {  	s21 =	simm.s32 $0x10000;
	s19 =	simm.s32 $0xC000;
	v60 =	vmul.f32 v40, v63;
	v58 =	vbroadcast v33, $0x6;
	v15 =	vld [tilespmem:s18+$0x6A80];
	v59 =	vadd.f32 v46, v43  }
.LBB2_3:
0x14a: {  	p0 =	sne.s32 s21, $0x1C000;
	v40 =	vadd.f32 v57, v56;
	v42 =	vmul.f32 v55, v55;
	v43 =	vmul.f32 v17, v4  }
0x14b: {  	v46 =	vbroadcast v33, $0x7;
	v44 =	vadd.f32 v62, v59;
	v45 =	vmul.f32 v5, v58;
	v5 =	vld [tilespmem:s18+$0x6B00]  }
0x14c: {  	v40 =	vadd.f32 v40, v42;
	v42 =	vmul.f32 v43, v43;
	v43 =	vmul.f32 v12, v4  }
0x14d: {  	(v2sf) =	vpush v41, $0x0;
	v41 =	vadd.f32 v61, v44;
	v44 =	vmul.f32 v6, v46;
	v6 =	vld [tilespmem:s18+$0x6B80]  }
0x14e: {  	v40 =	vadd.f32 v40, v42;
	v42 =	vmul.f32 v43, v43;
	v43 =	vmul.f32 v15, v4  }
0x14f: {  	v47 =	vbroadcast v33, $0x8;
	v48 =	vbroadcast v33, $0x9;
	v46 =	vld [tilespmem:s18+$0x6C00];
	v41 =	vadd.f32 v60, v41  }
0x150: {  	v40 =	vadd.f32 v40, v42;
	v42 =	vmul.f32 v43, v43;
	v43 =	vmul.f32 v5, v4  }
0x151: {  	v41 =	vadd.f32 v45, v41;
	v45 =	vmul.f32 v11, v47;
	v47 =	vmul.f32 v7, v48;
	v7 =	vld [tilespmem:s18+$0x6C80]  }
0x152: {  	v50 =	vadd.f32 v40, v42;
	v40 =	vmul.f32 v43, v43;
	v42 =	vmul.f32 v6, v4  }
0x153: {  	v48 =	vbroadcast v33, $0xB;
	v43 =	vld [tilespmem:s18+$0x6D00];
	v41 =	vadd.f32 v44, v41;
	v44 =	vbroadcast v33, $0xA  }
0x154: {  	v40 =	vadd.f32 v50, v40;
	v42 =	vmul.f32 v42, v42;
	v49 =	vmul.f32 v46, v4;
	v11 =	vmovc v46  }
0x155: {  	v41 =	vadd.f32 v45, v41;
	v44 =	vmul.f32 v13, v44;
	v45 =	vmul.f32 v8, v48;
	v8 =	vld [tilespmem:s18+$0x6D80]  }
0x156: {  	v50 =	vadd.f32 v40, v42;
	v40 =	vmul.f32 v49, v49;
	v42 =	vmul.f32 v7, v4  }
0x157: {  	v48 =	vbroadcast v33, $0xD;
	v46 =	vld [tilespmem:s18+$0x6E00];
	v41 =	vadd.f32 v47, v41;
	v47 =	vbroadcast v33, $0xC  }
0x158: {  	v40 =	vadd.f32 v50, v40;
	v42 =	vmul.f32 v42, v42;
	v49 =	vmul.f32 v43, v4;
	v13 =	vmovc v43  }
0x159: {  	v41 =	vadd.f32 v44, v41;
	v43 =	vmul.f32 v20, v47;
	v44 =	vmul.f32 v10, v48;
	v10 =	vld [tilespmem:s18+$0x6E80]  }
0x15a: {  	v50 =	vadd.f32 v40, v42;
	v42 =	vmul.f32 v49, v49;
	v47 =	vmul.f32 v8, v4  }
0x15b: {  	s16 =	sadd.s32 $0x20, s16;
	v48 =	vld [tilespmem:s18+$0x6F00];
	v41 =	vadd.f32 v45, v41;
	v45 =	vbroadcast v33, $0xE;
	v33 =	vbroadcast v33, $0xF  }
0x15c: {  	s18 =	spop (v2sf);
	v40 =	vld [tilespmem:s16+$0xFFFFFFF0];
	v42 =	vadd.f32 v50, v42;
	v47 =	vmul.f32 v47, v47;
	v49 =	vmul.f32 v46, v4;
	v20 =	vmovc v46  }
0x15d: {  	v41 =	vadd.f32 v43, v41;
	v43 =	vmul.f32 v25, v45;
	v45 =	vmul.f32 v9, v33;
	v9 =	vld [tilespmem:s17+$0x6F80]  }
0x15e: {  	s17 =	sand.u32 $0xF, s18;
	v33 =	vld [tilespmem:s16+$0x0];
	v50 =	vadd.f32 v42, v47;
	v42 =	vmul.f32 v49, v49;
	v46 =	vmul.f32 v10, v4  }
0x15f: {  	v47 =	vmov s17;
	v41 =	vadd.f32 v44, v41;
	v44 =	vmul.f32 v36, v3;
	v3 =	vmovc v2;
	v2 =	vmovc v4  }
0x160: {  	v4 =	vadd.f32 v50, v42;
	v36 =	vmul.f32 v46, v46;
	v42 =	vmul.f32 v48, v2;
	v25 =	vmovc v48  }
0x161: {  	s17 =	sshll.u32 s18, $0x2;
	v46 =	vcvt.s32.f32 v47;
	v47 =	vmul.f32 v40, v40;
	v41 =	vadd.f32 v43, v41  }
0x162: {  	s17 =	sand.u32 $0x1C0, s17;
	v4 =	vadd.f32 v4, v36;
	v42 =	vmul.f32 v42, v42;
	v43 =	vmul.f32 v9, v2  }
0x163: {  	s22 =	sshra.s32 s19, $0x2;
	s18 =	sshrl.u32 s17, $0x2;
	v46 =	vbroadcast v46, $0x0;
	v48 =	vmul.f32 v33, v33;
	v36 =	vadd.f32 v45, v41  }
0x164: {  	s17 =	sadd.s32 s17, s19;
	s19 =	smov.u32 s21;
	s18 =	sadd.s32 s22, s18;
	v39 =	vadd.f32 v47, v39;
	v4 =	vadd.f32 v4, v42;
	v41 =	vmul.f32 v43, v43  }
0x165: {  	s17 =	sshra.s32 s17, $0x2;
	v45 =	vbroadcast v40, $0x0;
	v42 =	vsub.f32 v0, v46;
	v46 =	vbroadcast v40, $0x1;
	v43 =	vld [tilespmem:s18+$0x6080]  }
0x166: {  	v49 =	vbroadcast v40, $0x2;
	v39 =	vadd.f32 v48, v39;
	v47 =	vld [tilespmem:s17+$0x6000];
	v4 =	vadd.f32 v4, v41  }
0x167: {  	v35 =	vmul.f32 v35, v45;
	v41 =	vand.u32 $0x7FFFFFFF, v42;
	v45 =	vmul.f32 v32, v46;
	v42 =	vld [tilespmem:s18+$0x6100]  }
0x168: {  	v51 =	vsub.f32 $1.000000000e+00, v41;
	v41 =	vmul.f32 v37, v49;
	v39 =	vadd.f32 v4, v39  }
0x169: {  	v54 =	vbroadcast v40, $0x3;
	v46 =	vbroadcast v40, $0x4;
	v52 =	vadd.f32 $0.0e+00, v35  }
0x16a: {  	v50 =	vbroadcast v40, $0x6;
	v49 =	vbroadcast v40, $0x5;
	v4 =	vmax.f32 v51, $0.0e+00;
	v48 =	vld [tilespmem:s18+$0x6180];
	v32 =	vmovc v43  }
0x16b: {  	v45 =	vadd.f32 v45, v52;
	v43 =	vmul.f32 v4, v47;
	v51 =	vmul.f32 v4, v32;
	v35 =	vmovc v47  }
0x16c: {  	v53 =	vmul.f32 v34, v54;
	v54 =	vadd.f32 v44, v44;
	v47 =	vmul.f32 v4, v42;
	v52 =	vld [tilespmem:s18+$0x6200];
	v37 =	vmovc v42  }
0x16d: {  	v41 =	vadd.f32 v41, v45;
	v42 =	vmul.f32 v43, v43;
	v43 =	vmul.f32 v51, v51  }
0x16e: {  	v1 =	vsub.f32 v1, v54;
	v44 =	vmul.f32 v38, v46;
	v45 =	vmul.f32 v28, v49;
	v28 =	vld [tilespmem:s18+$0x6280]  }
0x16f: {  	v49 =	vadd.f32 v43, v42;
	v42 =	vmul.f32 v47, v47;
	v43 =	vmul.f32 v4, v48;
	v34 =	vmovc v48  }
0x170: {  	v46 =	vmul.f32 v27, v50;
	v41 =	vadd.f32 v53, v41;
	v47 =	vbroadcast v40, $0x7;
	v27 =	vld [tilespmem:s18+$0x6300]  }
0x171: {  	v42 =	vadd.f32 v49, v42;
	v43 =	vmul.f32 v43, v43;
	v48 =	vmul.f32 v4, v52;
	v38 =	vmovc v52  }
0x172: {  	v41 =	vadd.f32 v44, v41;
	v44 =	vmul.f32 v29, v47;
	v47 =	vbroadcast v40, $0x8;
	v29 =	vld [tilespmem:s18+$0x6380]  }
0x173: {  	v42 =	vadd.f32 v42, v43;
	v43 =	vmul.f32 v48, v48;
	v48 =	vmul.f32 v4, v28  }
0x174: {  	v41 =	vadd.f32 v45, v41;
	v45 =	vmul.f32 v31, v47;
	v47 =	vbroadcast v40, $0x9;
	v31 =	vld [tilespmem:s18+$0x6400]  }
0x175: {  	v42 =	vadd.f32 v42, v43;
	v43 =	vmul.f32 v48, v48;
	v48 =	vmul.f32 v4, v27  }
0x176: {  	v41 =	vadd.f32 v46, v41;
	v46 =	vmul.f32 v30, v47;
	v47 =	vbroadcast v40, $0xA;
	v30 =	vld [tilespmem:s18+$0x6480]  }
0x177: {  	v42 =	vadd.f32 v42, v43;
	v43 =	vmul.f32 v48, v48;
	v48 =	vmul.f32 v29, v4  }
0x178: {  	v41 =	vadd.f32 v44, v41;
	v44 =	vmul.f32 v26, v47;
	v47 =	vbroadcast v40, $0xB;
	v26 =	vld [tilespmem:s18+$0x6500]  }
0x179: {  	v42 =	vadd.f32 v42, v43;
	v43 =	vmul.f32 v48, v48;
	v48 =	vmul.f32 v31, v4  }
0x17a: {  	v41 =	vadd.f32 v45, v41;
	v45 =	vmul.f32 v24, v47;
	v47 =	vbroadcast v40, $0xC;
	v24 =	vld [tilespmem:s18+$0x6580]  }
0x17b: {  	v42 =	vadd.f32 v42, v43;
	v43 =	vmul.f32 v48, v48;
	v48 =	vmul.f32 v30, v4  }
0x17c: {  	v41 =	vadd.f32 v46, v41;
	v46 =	vmul.f32 v23, v47;
	v47 =	vbroadcast v40, $0xD;
	v23 =	vld [tilespmem:s18+$0x6600]  }
0x17d: {  	v42 =	vadd.f32 v42, v43;
	v43 =	vmul.f32 v48, v48;
	v48 =	vmul.f32 v26, v4  }
0x17e: {  	v41 =	vadd.f32 v44, v41;
	v44 =	vmul.f32 v22, v47;
	v47 =	vbroadcast v40, $0xE;
	v22 =	vld [tilespmem:s18+$0x6680]  }
0x17f: {  	v42 =	vadd.f32 v42, v43;
	v43 =	vmul.f32 v48, v48;
	v48 =	vmul.f32 v24, v4  }
0x180: {  	v41 =	vadd.f32 v45, v41;
	v40 =	vbroadcast v40, $0xF;
	v45 =	vmul.f32 v21, v47;
	v21 =	vld [tilespmem:s18+$0x6700]  }
0x181: {  	v42 =	vadd.f32 v42, v43;
	v43 =	vmul.f32 v48, v48;
	v47 =	vmul.f32 v23, v4  }
0x182: {  	v41 =	vadd.f32 v46, v41;
	v40 =	vmul.f32 v19, v40;
	v46 =	vbroadcast v33, $0x0;
	v19 =	vld [tilespmem:s18+$0x6780]  }
0x183: {  	v42 =	vadd.f32 v42, v43;
	v43 =	vmul.f32 v47, v47;
	v47 =	vmul.f32 v22, v4  }
0x184: {  	v41 =	vadd.f32 v44, v41;
	v44 =	vmul.f32 v18, v46;
	v46 =	vbroadcast v33, $0x1;
	v18 =	vld [tilespmem:s18+$0x6800]  }
0x185: {  	v42 =	vadd.f32 v42, v43;
	v43 =	vmul.f32 v47, v47;
	v47 =	vmul.f32 v21, v4  }
0x186: {  	v41 =	vadd.f32 v45, v41;
	v45 =	vmul.f32 v16, v46;
	v46 =	vbroadcast v33, $0x2;
	v16 =	vld [tilespmem:s18+$0x6880]  }
0x187: {  	v42 =	vadd.f32 v42, v43;
	v43 =	vmul.f32 v47, v47;
	v47 =	vmul.f32 v19, v4  }
0x188: {  	v40 =	vadd.f32 v40, v41;
	v46 =	vmul.f32 v14, v46;
	v41 =	vbroadcast v33, $0x3;
	v14 =	vld [tilespmem:s18+$0x6900]  }
0x189: {  	v42 =	vadd.f32 v42, v43;
	v43 =	vmul.f32 v47, v47;
	v47 =	vmul.f32 v18, v4  }
.Ltmp0:
0x18a: {  	v40 =	vadd.f32 v44, v40;
	v62 =	vmul.f32 v17, v41;
	v41 =	vbroadcast v33, $0x4;
	v17 =	vld [tilespmem:s18+$0x6980];
	(pc) =	sbr.rel @p0 .LBB2_3-.Ltmp0, $4  }
0x18b: {  	v42 =	vadd.f32 v42, v43;
	v43 =	vmul.f32 v47, v47;
	v44 =	vmul.f32 v16, v4  }
0x18c: {  	s20 =	sadd.s32 $0x10, s20;
	v40 =	vadd.f32 v45, v40;
	v61 =	vmul.f32 v12, v41;
	v45 =	vbroadcast v33, $0x5;
	v12 =	vld [tilespmem:s18+$0x6A00]  }
0x18d: {  	v41 =	vld [tilespmem:s20+$0x0];
	v57 =	vadd.f32 v42, v43;
	v56 =	vmul.f32 v44, v44;
	v55 =	vmul.f32 v14, v4  }
0x18e: {  	s21 =	sadd.s32 $0x4000, s21;
	v58 =	vbroadcast v33, $0x6;
	v59 =	vadd.f32 v46, v40;
	v60 =	vmul.f32 v15, v45;
	v15 =	vld [tilespmem:s18+$0x6A80]  }
0x18f: {  	_ =	sdelay $0x2  }
0x190: {  	(v2sf) =	vpush v41, $0x0;
	_ =	sdelay $0x8  }
0x191: {  	v42 =	vld [tilespmem:s18+$0x6B00]  }
0x192: {  	v44 =	vld [tilespmem:s18+$0x6B80]  }
0x193: {  	v45 =	vld [tilespmem:s18+$0x6C00]  }
0x194: {  	v46 =	vld [tilespmem:s18+$0x6C80]  }
0x195: {  	v47 =	vld [tilespmem:s18+$0x6D00]  }
0x196: {  	v50 =	vld [tilespmem:s18+$0x6D80]  }
0x197: {  	v48 =	vld [tilespmem:s18+$0x6E00];
	s20 =	spop (v2sf)  }
0x198: {  	v49 =	vld [tilespmem:s18+$0x6E80];
	s21 =	sshll.u32 s20, $0x2  }
0x199: {  	v53 =	vld [tilespmem:s18+$0x6F00];
	s18 =	sadd.s32 $0x20, s16;
	s16 =	sand.u32 $0x1C0, s21  }
0x19a: {  	s21 =	sshra.s32 s19, $0x2;
	s22 =	sshrl.u32 s16, $0x2  }
0x19b: {  	v51 =	vld [tilespmem:s17+$0x6F80];
	s17 =	sadd.s32 s21, s22  }
0x19c: {  	v63 =	vld [tilespmem:s17+$0x6180]  }
0x19d: {  	v54 =	vld [tilespmem:s17+$0x6100];
	_ =	sdelay $0x3  }
0x19e: {  	[tilespmem:$0x1FE00] =	vst v63;
	v63 =	vld [tilespmem:s17+$0x6280]  }
0x19f: {  	[tilespmem:$0x1FDF0] =	vst v54;
	v54 =	vld [tilespmem:s17+$0x6200];
	_ =	sdelay $0x3  }
0x1a0: {  	[tilespmem:$0x1FE20] =	vst v63;
	v63 =	vld [tilespmem:s17+$0x6380]  }
0x1a1: {  	[tilespmem:$0x1FE10] =	vst v54;
	v54 =	vld [tilespmem:s17+$0x6300];
	_ =	sdelay $0x3  }
0x1a2: {  	[tilespmem:$0x1FE40] =	vst v63;
	v63 =	vld [tilespmem:s17+$0x6480]  }
0x1a3: {  	[tilespmem:$0x1FE30] =	vst v54;
	v54 =	vld [tilespmem:s17+$0x6400];
	_ =	sdelay $0x3  }
0x1a4: {  	[tilespmem:$0x1FE60] =	vst v63;
	v63 =	vld [tilespmem:s17+$0x6600]  }
0x1a5: {  	[tilespmem:$0x1FE50] =	vst v54;
	v54 =	vld [tilespmem:s17+$0x6500];
	_ =	sdelay $0x3  }
0x1a6: {  	[tilespmem:$0x1FE90] =	vst v63;
	v63 =	vld [tilespmem:s17+$0x6680]  }
0x1a7: {  	[tilespmem:$0x1FE70] =	vst v54;
	v54 =	vld [tilespmem:s17+$0x6580];
	_ =	sdelay $0x3  }
0x1a8: {  	[tilespmem:$0x1FEA0] =	vst v63;
	v63 =	vld [tilespmem:s17+$0x6700]  }
0x1a9: {  	[tilespmem:$0x1FE80] =	vst v54;
	v54 =	vld [tilespmem:s17+$0x6780];
	_ =	sdelay $0x3  }
0x1aa: {  	[tilespmem:$0x1FEB0] =	vst v63;
	v63 =	vld [tilespmem:s17+$0x6800]  }
0x1ab: {  	[tilespmem:$0x1FEC0] =	vst v54;
	v54 =	vld [tilespmem:s17+$0x6880];
	_ =	sdelay $0x3  }
0x1ac: {  	[tilespmem:$0x1FED0] =	vst v63;
	v63 =	vld [tilespmem:s17+$0x6900]  }
0x1ad: {  	[tilespmem:$0x1FEE0] =	vst v54;
	v54 =	vld [tilespmem:s17+$0x6980];
	_ =	sdelay $0x3  }
0x1ae: {  	[tilespmem:$0x1FEF0] =	vst v63;
	v63 =	vld [tilespmem:s17+$0x6A00]  }
0x1af: {  	[tilespmem:$0x1FF00] =	vst v54;
	v54 =	vld [tilespmem:s17+$0x6A80]  }
0x1b0: {  	v43 =	vld [tilespmem:s17+$0x6080];
	_ =	sdelay $0x1  }
0x1b1: {  	p0 =	seq.s32 s15, $0x1F;
	s16 =	sadd.s32 s16, s19  }
0x1b2: {  	s19 =	sshra.s32 s16, $0x2;
	s16 =	sshll.u32 @!p0 s15, $0xA;
	[tilespmem:$0x1FF20] =	vst v63;
	v63 =	vld [tilespmem:s17+$0x6B00]  }
0x1b3: {  	s16 =	sshra.s32 @!p0 s16, $0x2;
	[tilespmem:$0x1FF40] =	vst v54;
	v54 =	vld [tilespmem:s17+$0x6B80]  }
0x1b4: {  	[tilespmem:$0x1FDE0] =	vst v43;
	v43 =	vld @!p0 [tilespmem:s16+$0x100];
	_ =	sdelay $0x2  }
0x1b5: {  	[tilespmem:$0x1FF50] =	vst v63;
	v63 =	vld [tilespmem:s17+$0x6C00]  }
0x1b6: {  	[tilespmem:$0x1FF60] =	vst v54;
	v54 =	vld [tilespmem:s17+$0x6C80]  }
0x1b7: {  	(v2sf) =	vpush @!p0 v43, $0x0;
	_ =	sdelay $0x2  }
0x1b8: {  	[tilespmem:$0x1FF70] =	vst v63;
	v63 =	vld [tilespmem:s17+$0x6D00]  }
0x1b9: {  	[tilespmem:$0x1FF80] =	vst v54;
	v54 =	vld [tilespmem:s17+$0x6D80];
	_ =	sdelay $0x3  }
0x1ba: {  	[tilespmem:$0x1FF90] =	vst v63;
	v63 =	vld [tilespmem:s17+$0x6E00]  }
0x1bb: {  	[tilespmem:$0x1FFA0] =	vst v54;
	v54 =	vld [tilespmem:s17+$0x6E80];
	_ =	sdelay $0x2  }
0x1bc: {  	v40 =	vld [tilespmem:s18+$0xFFFFFFF0]  }
0x1bd: {  	[tilespmem:$0x1FFB0] =	vst v63;
	v63 =	vld [tilespmem:s17+$0x6F00]  }
0x1be: {  	[tilespmem:$0x1FFC0] =	vst v54;
	v54 =	vld [tilespmem:s19+$0x6F80]  }
0x1bf: {  	v41 =	vld [tilespmem:s18+$0x0];
	s21 =	sadd.s32 $0x20, s18;
	s18 =	spop @!p0 (v2sf)  }
0x1c0: {  	v52 =	vld [tilespmem:s19+$0x6000];
	s17 =	sand.u32 @!p0 $0xFFFFF80, s18;
	s18 =	simm.s32 @!p0 $0x7A1400  }
0x1c1: {  	v43 =	vld [tilespmem:s21+$0x0];
	s19 =	simm.s32 @!p0 $0x6000;
	s22 =	sadd.s32 @!p0 s2, s17;
	s17 =	simm.s32 @!p0 $0x400  }
0x1c2: {  	[tilespmem:$0x1FFD0] =	vst v63;
	v63 =	vld [tilespmem:s21+$0xFFFFFFF0];
	[tilespmem:s19], [sflag:$0x1] =	stream.strided.gather @!p0 [hbm4b:s22+s17], $0x1000, s18, s17, $0x38  }
0x1c3: {  	[tilespmem:$0x1FFE0] =	vst v54;
	v54 =	vld @!p0 [tilespmem:s16+$0x110];
	_ =	sdelay $0x4  }
0x1c4: {  	(v2sf) =	vpush @!p0 v54, $0x0;
	_ =	sdelay $0xe  }
0x1c5: {  	s19 =	spop @!p0 (v2sf)  }
0x1c6: {  	s19 =	sand.u32 @!p0 $0xFFFFF80, s19  }
0x1c7: {  	s21 =	simm.s32 @!p0 $0x7000;
	s19 =	sadd.s32 @!p0 s2, s19  }
0x1c8: {  	[tilespmem:s21], [sflag:$0x1] =	stream.strided.gather @!p0 [hbm4b:s19+s17], $0x1000, s18, s17, $0x38;
	[tilespmem:$0x16080] =	vst v63  }
0x1c9: {  	v54 =	vld @!p0 [tilespmem:s16+$0x120];
	_ =	sdelay $0x4  }
0x1ca: {  	(v2sf) =	vpush @!p0 v54, $0x0;
	_ =	sdelay $0xe  }
0x1cb: {  	s19 =	spop @!p0 (v2sf)  }
0x1cc: {  	s19 =	sand.u32 @!p0 $0xFFFFF80, s19  }
0x1cd: {  	s21 =	simm.s32 @!p0 $0x8000;
	s19 =	sadd.s32 @!p0 s2, s19  }
0x1ce: {  	[tilespmem:s21], [sflag:$0x1] =	stream.strided.gather @!p0 [hbm4b:s19+s17], $0x1000, s18, s17, $0x38;
	[tilespmem:$0x16080] =	vst v63  }
0x1cf: {  	v54 =	vld @!p0 [tilespmem:s16+$0x130];
	_ =	sdelay $0x4  }
0x1d0: {  	(v2sf) =	vpush @!p0 v54, $0x0;
	_ =	sdelay $0xe  }
0x1d1: {  	s19 =	spop @!p0 (v2sf)  }
0x1d2: {  	s19 =	sand.u32 @!p0 $0xFFFFF80, s19  }
0x1d3: {  	s21 =	simm.s32 @!p0 $0x9000;
	s19 =	sadd.s32 @!p0 s2, s19  }
0x1d4: {  	[tilespmem:s21], [sflag:$0x1] =	stream.strided.gather @!p0 [hbm4b:s19+s17], $0x1000, s18, s17, $0x38;
	[tilespmem:$0x16080] =	vst v63  }
0x1d5: {  	v54 =	vld @!p0 [tilespmem:s16+$0x140];
	_ =	sdelay $0x4  }
0x1d6: {  	(v2sf) =	vpush @!p0 v54, $0x0;
	_ =	sdelay $0xe  }
0x1d7: {  	s19 =	spop @!p0 (v2sf)  }
0x1d8: {  	s19 =	sand.u32 @!p0 $0xFFFFF80, s19  }
0x1d9: {  	s21 =	simm.s32 @!p0 $0xA000;
	s19 =	sadd.s32 @!p0 s2, s19  }
0x1da: {  	[tilespmem:s21], [sflag:$0x1] =	stream.strided.gather @!p0 [hbm4b:s19+s17], $0x1000, s18, s17, $0x38;
	[tilespmem:$0x16080] =	vst v63  }
0x1db: {  	v54 =	vld @!p0 [tilespmem:s16+$0x150];
	_ =	sdelay $0x4  }
0x1dc: {  	(v2sf) =	vpush @!p0 v54, $0x0;
	_ =	sdelay $0xe  }
0x1dd: {  	s19 =	spop @!p0 (v2sf)  }
0x1de: {  	s19 =	sand.u32 @!p0 $0xFFFFF80, s19  }
0x1df: {  	s21 =	simm.s32 @!p0 $0xB000;
	s19 =	sadd.s32 @!p0 s2, s19  }
0x1e0: {  	v55 =	vmul.f32 v55, v55;
	v54 =	vadd.f32 v57, v56;
	v56 =	vmul.f32 v17, v4;
	[tilespmem:s21], [sflag:$0x1] =	stream.strided.gather @!p0 [hbm4b:s19+s17], $0x1000, s18, s17, $0x38;
	[tilespmem:$0x16080] =	vst v63  }
0x1e1: {  	v57 =	vld @!p0 [tilespmem:s16+$0x160]  }
0x1e2: {  	v54 =	vadd.f32 v54, v55;
	v55 =	vmul.f32 v56, v56;
	v56 =	vmul.f32 v12, v4  }
0x1e3: {  	v59 =	vadd.f32 v62, v59  }
0x1e4: {  	v62 =	vmul.f32 v15, v4;
	v54 =	vadd.f32 v54, v55;
	v55 =	vmul.f32 v56, v56  }
0x1e5: {  	v59 =	vadd.f32 v61, v59;
	[tilespmem:$0x1FF10] =	vst v42;
	v42 =	vmul.f32 v42, v4  }
0x1e6: {  	v54 =	vadd.f32 v54, v55;
	v55 =	vmul.f32 v62, v62;
	(v2sf) =	vpush @!p0 v57, $0x0  }
0x1e7: {  	v5 =	vmul.f32 v5, v58;
	v61 =	vadd.f32 v60, v59;
	v62 =	vbroadcast v33, $0x7  }
0x1e8: {  	[tilespmem:$0x1FF30] =	vst v44;
	v44 =	vmul.f32 v44, v4;
	v42 =	vmul.f32 v42, v42;
	v54 =	vadd.f32 v54, v55  }
0x1e9: {  	v60 =	vbroadcast v33, $0x8;
	v5 =	vadd.f32 v5, v61;
	v6 =	vmul.f32 v6, v62  }
0x1ea: {  	v61 =	vmul.f32 v44, v44;
	v62 =	vmul.f32 v45, v4;
	v54 =	vadd.f32 v54, v42  }
0x1eb: {  	v11 =	vmul.f32 v11, v60;
	v5 =	vadd.f32 v6, v5;
	v6 =	vbroadcast v33, $0x9  }
0x1ec: {  	v44 =	vmul.f32 v46, v4;
	v42 =	vmul.f32 v62, v62;
	v54 =	vadd.f32 v54, v61  }
0x1ed: {  	v6 =	vmul.f32 v7, v6;
	v5 =	vadd.f32 v11, v5;
	v7 =	vbroadcast v33, $0xA  }
0x1ee: {  	v59 =	vmul.f32 v47, v4;
	v58 =	vmul.f32 v44, v44;
	v11 =	vadd.f32 v54, v42  }
0x1ef: {  	v7 =	vmul.f32 v13, v7;
	v5 =	vadd.f32 v6, v5;
	v6 =	vbroadcast v33, $0xB  }
0x1f0: {  	v60 =	vmul.f32 v50, v4;
	v13 =	vmul.f32 v59, v59;
	v11 =	vadd.f32 v11, v58  }
0x1f1: {  	v6 =	vmul.f32 v8, v6;
	v5 =	vadd.f32 v7, v5;
	v7 =	vbroadcast v33, $0xC  }
0x1f2: {  	v8 =	vadd.f32 v11, v13;
	v11 =	vmul.f32 v60, v60;
	v13 =	vmul.f32 v48, v4  }
0x1f3: {  	v7 =	vmul.f32 v20, v7;
	v5 =	vadd.f32 v6, v5;
	v6 =	vbroadcast v33, $0xD  }
0x1f4: {  	v8 =	vadd.f32 v8, v11;
	v11 =	vmul.f32 v13, v13;
	v13 =	vbroadcast v33, $0xE  }
0x1f5: {  	v6 =	vmul.f32 v10, v6;
	v10 =	vmul.f32 v49, v4;
	s19 =	spop @!p0 (v2sf)  }
0x1f6: {  	s20 =	sand.u32 $0xF, s20;
	v5 =	vadd.f32 v7, v5;
	v7 =	vmul.f32 v25, v13;
	v8 =	vadd.f32 v8, v11;
	s19 =	sand.u32 @!p0 $0xFFFFF80, s19  }
0x1f7: {  	s21 =	simm.s32 @!p0 $0xC000;
	v10 =	vmul.f32 v10, v10;
	v11 =	vmov s20;
	v13 =	vmul.f32 v53, v4;
	s19 =	sadd.s32 @!p0 s2, s19  }
0x1f8: {  	v5 =	vadd.f32 v6, v5;
	v6 =	vbroadcast v33, $0xF;
	v11 =	vcvt.s32.f32 v11;
	[tilespmem:s21], [sflag:$0x1] =	stream.strided.gather @!p0 [hbm4b:s19+s17], $0x1000, s18, s17, $0x38;
	[tilespmem:$0x16080] =	vst v63  }
0x1f9: {  	v8 =	vadd.f32 v8, v10;
	v10 =	vmul.f32 v13, v13;
	v13 =	vmul.f32 v51, v4;
	v20 =	vld @!p0 [tilespmem:s16+$0x170]  }
0x1fa: {  	v6 =	vmul.f32 v9, v6;
	v5 =	vadd.f32 v7, v5;
	v7 =	vmul.f32 v40, v40  }
0x1fb: {  	v25 =	vbroadcast v40, $0x5;
	v9 =	vbroadcast v11, $0x0;
	v8 =	vadd.f32 v8, v10  }
0x1fc: {  	v10 =	vmul.f32 v13, v13;
	v6 =	vadd.f32 v6, v5;
	v5 =	vadd.f32 v7, v39  }
0x1fd: {  	v7 =	vmul.f32 v36, v3;
	v3 =	vsub.f32 v0, v9;
	v9 =	vbroadcast v40, $0x0  }
0x1fe: {  	v25 =	vmul.f32 v28, v25;
	(v2sf) =	vpush @!p0 v20, $0x0  }
0x1ff: {  	v8 =	vadd.f32 v8, v10;
	v10 =	vbroadcast v40, $0x1;
	v9 =	vmul.f32 v35, v9  }
0x200: {  	v11 =	vmul.f32 v41, v41;
	v13 =	vbroadcast v40, $0x2  }
0x201: {  	v62 =	vld [tilespmem:$0x1FDE0];
	v3 =	vand.u32 $0x7FFFFFFF, v3;
	v10 =	vmul.f32 v32, v10;
	v9 =	vadd.f32 $0.0e+00, v9  }
0x202: {  	v5 =	vadd.f32 v11, v5;
	v11 =	vmul.f32 v37, v13;
	v3 =	vsub.f32 $1.000000000e+00, v3  }
0x203: {  	v13 =	vbroadcast v40, $0x3;
	v7 =	vadd.f32 v7, v7;
	v9 =	vadd.f32 v10, v9  }
0x204: {  	v61 =	vld [tilespmem:$0x1FDF0];
	v5 =	vadd.f32 v8, v5;
	v3 =	vmax.f32 v3, $0.0e+00;
	v20 =	vbroadcast v40, $0x4  }
0x205: {  	v8 =	vmul.f32 v34, v13;
	v13 =	vmul.f32 v3, v52;
	v9 =	vadd.f32 v11, v9  }
0x206: {  	v1 =	vsub.f32 v1, v7;
	v10 =	vmul.f32 v38, v20;
	v20 =	vmul.f32 v3, v62  }
0x207: {  	v60 =	vld [tilespmem:$0x1FE00];
	v7 =	vbroadcast v40, $0x6;
	v13 =	vmul.f32 v13, v13;
	v8 =	vadd.f32 v8, v9  }
0x208: {  	v9 =	vbroadcast v40, $0x7;
	v11 =	vmul.f32 v20, v20  }
0x209: {  	v59 =	vld [tilespmem:$0x1FE10];
	v7 =	vmul.f32 v27, v7;
	v20 =	vmul.f32 v3, v61;
	v8 =	vadd.f32 v10, v8  }
0x20a: {  	v9 =	vmul.f32 v29, v9;
	v10 =	vbroadcast v40, $0x8;
	v11 =	vadd.f32 v11, v13  }
0x20b: {  	v29 =	vld [tilespmem:$0x1FE20];
	v13 =	vmul.f32 v20, v20;
	v8 =	vadd.f32 v25, v8;
	v25 =	vbroadcast v40, $0x9  }
0x20c: {  	v20 =	vmul.f32 v3, v60;
	v10 =	vmul.f32 v31, v10  }
0x20d: {  	v31 =	vld [tilespmem:$0x1FE30];
	v7 =	vadd.f32 v7, v8;
	v8 =	vmul.f32 v30, v25;
	v25 =	vbroadcast v40, $0xA;
	s19 =	spop @!p0 (v2sf)  }
0x20e: {  	v11 =	vadd.f32 v11, v13;
	v13 =	vmul.f32 v20, v20;
	v20 =	vmul.f32 v3, v59;
	s19 =	sand.u32 @!p0 $0xFFFFF80, s19  }
0x20f: {  	s20 =	simm.s32 @!p0 $0xD000;
	v28 =	vld [tilespmem:$0x1FE40];
	[tilespmem:$0x1FFF0] =	vst v5;
	v7 =	vadd.f32 v9, v7;
	v9 =	vmul.f32 v26, v25;
	v25 =	vbroadcast v40, $0xB;
	s19 =	sadd.s32 @!p0 s2, s19  }
0x210: {  	v11 =	vadd.f32 v11, v13;
	v13 =	vmul.f32 v20, v20;
	v20 =	vmul.f32 v3, v29;
	[tilespmem:s20], [sflag:$0x1] =	stream.strided.gather @!p0 [hbm4b:s19+s17], $0x1000, s18, s17, $0x38;
	[tilespmem:$0x16080] =	vst v63  }
0x211: {  	v7 =	vadd.f32 v10, v7;
	v10 =	vmul.f32 v24, v25;
	v24 =	vbroadcast v40, $0xC;
	_ =	swait.ge [sflag:s31], $0x1000  }
0x212: {  	v11 =	vadd.f32 v11, v13;
	v13 =	vmul.f32 v20, v20;
	v20 =	vmul.f32 v3, v31;
	[sflag:s31] =	ssyncset.done $0x0  }
0x213: {  	v7 =	vadd.f32 v8, v7;
	v8 =	vmul.f32 v23, v24;
	v23 =	vbroadcast v40, $0xD;
	v44 =	vld [tilespmem:$0x1FE50];
	[sflag:s31] =	ssyncadd.s32 $0xFFFFF000  }
0x214: {  	v11 =	vadd.f32 v11, v13;
	v13 =	vmul.f32 v20, v20;
	v20 =	vmul.f32 v28, v3;
	_ =	swait.ge [sflag:s31], $0x1000  }
0x215: {  	v7 =	vadd.f32 v9, v7;
	v9 =	vmul.f32 v22, v23;
	v22 =	vbroadcast v40, $0xE;
	v26 =	vld [tilespmem:$0x1FE60];
	[sflag:s31] =	ssyncset.done $0x0  }
0x216: {  	v25 =	vbroadcast v63, $0x9;
	v11 =	vadd.f32 v11, v13;
	v13 =	vmul.f32 v20, v20;
	[sflag:s31] =	ssyncadd.s32 $0xFFFFF000  }
0x217: {  	v42 =	vmovc v47;
	v7 =	vadd.f32 v10, v7;
	v10 =	vmul.f32 v21, v22;
	v21 =	vbroadcast v40, $0xF;
	v47 =	vld [tilespmem:$0x1FE70];
	_ =	swait.ge [sflag:s31], $0x1000  }
0x218: {  	v22 =	vbroadcast v63, $0x6;
	v20 =	vmul.f32 v44, v3;
	[sflag:s31] =	ssyncset.done $0x0  }
0x219: {  	v7 =	vadd.f32 v8, v7;
	v8 =	vmul.f32 v19, v21;
	v19 =	vbroadcast v41, $0x0;
	v27 =	vld [tilespmem:$0x1FE80];
	[sflag:s31] =	ssyncadd.s32 $0xFFFFF000  }
0x21a: {  	v11 =	vadd.f32 v11, v13;
	v13 =	vmul.f32 v20, v20;
	v20 =	vmul.f32 v26, v3;
	_ =	swait.ge [sflag:s31], $0x1000  }
0x21b: {  	v5 =	vmov v52;
	v21 =	vbroadcast v63, $0x5;
	v24 =	vmul.f32 v31, v22;
	v52 =	vld [tilespmem:$0x1FE90]  }
0x21c: {  	v11 =	vadd.f32 v11, v13;
	[sflag:s31] =	ssyncset.done $0x0;
	v13 =	vmul.f32 v20, v20;
	v20 =	vmul.f32 v47, v3  }
0x21d: {  	v22 =	vbroadcast v63, $0x7;
	v31 =	vbroadcast v63, $0xF;
	v7 =	vadd.f32 v9, v7;
	v30 =	vld [tilespmem:$0x1FEA0];
	[sflag:s31] =	ssyncadd.s32 $0xFFFFF000  }
0x21e: {  	_ =	swait.ge [sflag:s31], $0x1000;
	v11 =	vadd.f32 v11, v13;
	v13 =	vmul.f32 v20, v20;
	v20 =	vmul.f32 v27, v3  }
0x21f: {  	v9 =	vmul.f32 v18, v19;
	v18 =	vbroadcast v41, $0x1;
	v7 =	vadd.f32 v10, v7;
	v32 =	vld [tilespmem:$0x1FEB0];
	[sflag:s31] =	ssyncset.done $0x0  }
0x220: {  	[sflag:s31] =	ssyncadd.s32 $0xFFFFF000;
	v11 =	vadd.f32 v11, v13;
	v13 =	vmul.f32 v20, v20;
	v20 =	vmul.f32 v52, v3  }
0x221: {  	v23 =	vmul.f32 v29, v21;
	v29 =	vbroadcast v63, $0xD;
	v7 =	vadd.f32 v8, v7;
	v33 =	vld [tilespmem:$0x1FEC0];
	_ =	swait.ge [sflag:s31], $0x1000  }
0x222: {  	[sflag:s31] =	ssyncset.done $0x0;
	v11 =	vadd.f32 v11, v13;
	v13 =	vmul.f32 v20, v20;
	v20 =	vmul.f32 v30, v3  }
0x223: {  	v10 =	vmul.f32 v16, v18;
	v16 =	vbroadcast v41, $0x2;
	v7 =	vadd.f32 v9, v7;
	v34 =	vld [tilespmem:$0x1FED0];
	[sflag:s31] =	ssyncadd.s32 $0xFFFFF000  }
0x224: {  	v19 =	vmul.f32 v32, v3;
	_ =	swait.ge [sflag:s31], $0x1000;
	v11 =	vadd.f32 v11, v13;
	v13 =	vmul.f32 v20, v20  }
0x225: {  	v8 =	vmul.f32 v14, v16;
	v14 =	vbroadcast v41, $0x3;
	v7 =	vadd.f32 v10, v7;
	v58 =	vld [tilespmem:$0x1FEE0];
	[sflag:s31] =	ssyncset.done $0x0  }
0x226: {  	v18 =	vmul.f32 v33, v3;
	[sflag:s31] =	ssyncadd.s32 $0xFFFFF000;
	v11 =	vadd.f32 v11, v13;
	v13 =	vmul.f32 v19, v19  }
0x227: {  	v9 =	vmul.f32 v17, v14;
	v14 =	vbroadcast v41, $0x4;
	v7 =	vadd.f32 v8, v7;
	v35 =	vld [tilespmem:$0x1FEF0];
	_ =	swait.ge [sflag:s31], $0x1000  }
0x228: {  	v16 =	vmul.f32 v34, v3;
	v57 =	vld [tilespmem:$0x1FF00];
	v11 =	vadd.f32 v11, v13;
	v13 =	vmul.f32 v18, v18  }
0x229: {  	v10 =	vmul.f32 v12, v14;
	v12 =	vbroadcast v41, $0x5;
	v7 =	vadd.f32 v9, v7;
	v9 =	vld [tilespmem:$0x1FF10]  }
0x22a: {  	[sflag:s31] =	ssyncset.done $0x0;
	v36 =	vld [tilespmem:$0x1FF20];
	v11 =	vadd.f32 v11, v13;
	v13 =	vmul.f32 v16, v16;
	v16 =	vmul.f32 v58, v3  }
0x22b: {  	v25 =	vmul.f32 v26, v25;
	v8 =	vmul.f32 v15, v12;
	v7 =	vadd.f32 v10, v7;
	v10 =	vld [tilespmem:$0x1FF30];
	[sflag:s31] =	ssyncadd.s32 $0xFFFFF000  }
0x22c: {  	v14 =	vmul.f32 v35, v3;
	v15 =	vld [tilespmem:s13+$0x0];
	v11 =	vadd.f32 v11, v13;
	v13 =	vmul.f32 v16, v16  }
0x22d: {  	v26 =	vbroadcast v63, $0xB;
	v12 =	vbroadcast v41, $0x6;
	v56 =	vld [tilespmem:$0x1FF40]  }
0x22e: {  	v37 =	vld [tilespmem:$0x1FF50];
	v11 =	vadd.f32 v11, v13;
	v13 =	vmul.f32 v14, v14;
	v14 =	vmul.f32 v57, v3  }
0x22f: {  	v7 =	vadd.f32 v8, v7;
	v9 =	vmul.f32 v9, v12;
	v12 =	vbroadcast v41, $0x7  }
0x230: {  	v11 =	vadd.f32 v11, v13;
	v13 =	vmul.f32 v14, v14;
	v14 =	vmul.f32 v36, v3  }
0x231: {  	v38 =	vld [tilespmem:$0x1FF60];
	v10 =	vmul.f32 v10, v12;
	v12 =	vbroadcast v41, $0x8;
	(v2sf) =	vpush v15, $0x0  }
0x232: {  	v54 =	vld [tilespmem:$0x1FF70];
	v11 =	vadd.f32 v11, v13;
	v13 =	vmul.f32 v14, v14;
	v14 =	vmul.f32 v56, v3  }
0x233: {  	v15 =	vmul.f32 v37, v3;
	v7 =	vadd.f32 v9, v7;
	v8 =	vmul.f32 v45, v12  }
0x234: {  	v12 =	vbroadcast v41, $0x9;
	v14 =	vmul.f32 v14, v14;
	v11 =	vadd.f32 v11, v13  }
0x235: {  	v55 =	vld [tilespmem:$0x1FF80];
	v9 =	vmul.f32 v15, v15;
	v15 =	vbroadcast v41, $0xA;
	v7 =	vadd.f32 v10, v7  }
0x236: {  	v40 =	vld [tilespmem:$0x1FF90];
	v12 =	vmul.f32 v46, v12;
	v13 =	vmul.f32 v38, v3;
	v11 =	vadd.f32 v11, v14  }
0x237: {  	v10 =	vmul.f32 v42, v15;
	v15 =	vmul.f32 v54, v3;
	v7 =	vadd.f32 v8, v7  }
0x238: {  	v14 =	vbroadcast v41, $0xB;
	v13 =	vmul.f32 v13, v13;
	v9 =	vadd.f32 v11, v9  }
0x239: {  	v39 =	vld [tilespmem:$0x1FFA0];
	v8 =	vmul.f32 v15, v15;
	v15 =	vbroadcast v41, $0xC;
	v7 =	vadd.f32 v12, v7  }
0x23a: {  	v42 =	vld [tilespmem:$0x1FFC0];
	v11 =	vmul.f32 v50, v14;
	v14 =	vmul.f32 v55, v3;
	v9 =	vadd.f32 v9, v13  }
0x23b: {  	v12 =	vmul.f32 v48, v15;
	v15 =	vmul.f32 v40, v3;
	v7 =	vadd.f32 v10, v7;
	v48 =	vld [tilespmem:$0x1FFD0]  }
0x23c: {  	v50 =	vld [tilespmem:$0x1FFB0];
	v13 =	vbroadcast v41, $0xD;
	v14 =	vmul.f32 v14, v14;
	v8 =	vadd.f32 v9, v8  }
0x23d: {  	v10 =	vmul.f32 v15, v15;
	v15 =	vbroadcast v41, $0xE;
	v7 =	vadd.f32 v11, v7  }
0x23e: {  	v9 =	vmul.f32 v49, v13;
	v13 =	vmul.f32 v39, v3;
	v8 =	vadd.f32 v8, v14  }
0x23f: {  	v27 =	vmul.f32 v27, v26;
	v16 =	vmul.f32 v42, v3;
	v7 =	vadd.f32 v12, v7  }
0x240: {  	v15 =	vmul.f32 v53, v15;
	v13 =	vmul.f32 v13, v13;
	v8 =	vadd.f32 v8, v10  }
0x241: {  	v11 =	vmul.f32 v50, v3;
	v7 =	vadd.f32 v9, v7;
	v9 =	vmul.f32 v48, v3  }
0x242: {  	v46 =	vld [tilespmem:$0x1FFE0];
	s22 =	spop (v2sf);
	v10 =	vmul.f32 v6, v2;
	v2 =	vadd.f32 v8, v13;
	v8 =	vbroadcast v63, $0x0  }
0x243: {  	s19 =	sand.u32 $0xF, s22;
	v11 =	vmul.f32 v11, v11;
	v6 =	vmul.f32 v16, v16  }
0x244: {  	v16 =	vmov s19;
	v13 =	vbroadcast v63, $0x1;
	v8 =	vmul.f32 v5, v8  }
0x245: {  	v17 =	vmul.f32 v9, v9;
	v9 =	vcvt.s32.f32 v16;
	v2 =	vadd.f32 v2, v11  }
0x246: {  	v11 =	vbroadcast v63, $0x2;
	v13 =	vmul.f32 v62, v13;
	v8 =	vadd.f32 $0.0e+00, v8  }
0x247: {  	s17 =	sand.u32 $0x70, s22;
	v16 =	vadd.f32 v15, v7;
	v7 =	vmul.f32 v46, v3;
	v9 =	vbroadcast v9, $0x0  }
0x248: {  	v18 =	vbroadcast v63, $0x3;
	s20 =	sadd.s32 $0x0, s17;
	v11 =	vmul.f32 v61, v11;
	v8 =	vadd.f32 v13, v8  }
0x249: {  	v29 =	vmul.f32 v30, v29;
	v15 =	vmul.f32 v7, v7;
	v7 =	vld [tilespmem:s20+$0xE080];
	v19 =	vsub.f32 v0, v9  }
0x24a: {  	v20 =	vbroadcast v63, $0x4;
	v18 =	vmul.f32 v60, v18;
	v9 =	vld [tilespmem:s20+$0xE000];
	v8 =	vadd.f32 v11, v8  }
0x24b: {  	v30 =	vbroadcast v63, $0xE;
	v14 =	vbroadcast v41, $0xF;
	v19 =	vand.u32 $0x7FFFFFFF, v19;
	v11 =	vld [tilespmem:s20+$0xE100]  }
0x24c: {  	v20 =	vmul.f32 v59, v20;
	v8 =	vadd.f32 v18, v8;
	v18 =	vsub.f32 $1.000000000e+00, v19  }
0x24d: {  	v59 =	vbroadcast v43, $0xF;
	v14 =	vmul.f32 v51, v14  }
0x24e: {  	v19 =	vadd.f32 v2, v6;
	v6 =	vld [tilespmem:s20+$0xE180];
	v8 =	vadd.f32 v20, v8;
	v2 =	vmax.f32 v18, $0.0e+00  }
0x24f: {  	v21 =	vadd.f32 v14, v16;
	v14 =	vmul.f32 v2, v9;
	v16 =	vmul.f32 v2, v7  }
0x250: {  	v18 =	vmul.f32 v28, v22;
	v20 =	vadd.f32 v23, v8;
	v23 =	vmul.f32 v2, v11;
	v8 =	vld [tilespmem:s20+$0xE200]  }
0x251: {  	v14 =	vmul.f32 v14, v14;
	v16 =	vmul.f32 v16, v16  }
0x252: {  	v22 =	vadd.f32 v19, v17;
	v19 =	vbroadcast v63, $0x8;
	v17 =	vld [tilespmem:s20+$0xE280];
	v20 =	vadd.f32 v24, v20  }
0x253: {  	v24 =	vmul.f32 v2, v6;
	v14 =	vadd.f32 v16, v14;
	v16 =	vmul.f32 v23, v23  }
0x254: {  	v45 =	vbroadcast v43, $0x5;
	v19 =	vmul.f32 v44, v19;
	v23 =	vld [tilespmem:s20+$0xE300];
	v18 =	vadd.f32 v18, v20  }
0x255: {  	v14 =	vadd.f32 v14, v16;
	v16 =	vmul.f32 v24, v24;
	v20 =	vmul.f32 v2, v8  }
0x256: {  	v12 =	vmul.f32 v63, v63;
	v24 =	vbroadcast v63, $0xA;
	v18 =	vadd.f32 v19, v18;
	v19 =	vld [tilespmem:s20+$0xE380]  }
0x257: {  	v14 =	vadd.f32 v14, v16;
	v16 =	vmul.f32 v20, v20;
	v20 =	vmul.f32 v2, v17  }
0x258: {  	v49 =	vbroadcast v43, $0x7;
	v26 =	vld [tilespmem:s20+$0xE400];
	v24 =	vmul.f32 v47, v24;
	v18 =	vadd.f32 v25, v18  }
0x259: {  	v25 =	vmul.f32 v2, v23;
	v14 =	vadd.f32 v14, v16;
	v16 =	vmul.f32 v20, v20  }
0x25a: {  	v51 =	vbroadcast v43, $0x8;
	v28 =	vbroadcast v63, $0xC;
	v20 =	vld [tilespmem:s20+$0xE480];
	v18 =	vadd.f32 v24, v18  }
0x25b: {  	v14 =	vadd.f32 v14, v16;
	v16 =	vmul.f32 v25, v25;
	v24 =	vmul.f32 v19, v2  }
0x25c: {  	v62 =	vbroadcast v43, $0x1;
	v25 =	vmul.f32 v52, v28;
	v28 =	vld [tilespmem:s20+$0xE500];
	v18 =	vadd.f32 v27, v18  }
0x25d: {  	v27 =	vmul.f32 v26, v2;
	v14 =	vadd.f32 v14, v16;
	v16 =	vmul.f32 v24, v24  }
0x25e: {  	v4 =	vmul.f32 v21, v4;
	v61 =	vmul.f32 v33, v31;
	v24 =	vld [tilespmem:s20+$0xE580];
	v18 =	vadd.f32 v25, v18  }
0x25f: {  	v25 =	vmul.f32 v20, v2;
	v14 =	vadd.f32 v14, v16;
	v16 =	vmul.f32 v27, v27  }
0x260: {  	v4 =	vadd.f32 v4, v4;
	v27 =	vmul.f32 v32, v30;
	v30 =	vld [tilespmem:s20+$0xE600];
	v18 =	vadd.f32 v29, v18  }
0x261: {  	v14 =	vadd.f32 v14, v16;
	v16 =	vmul.f32 v25, v25;
	v25 =	vmul.f32 v28, v2  }
0x262: {  	v31 =	vld [tilespmem:s20+$0xE680];
	v13 =	vmul.f32 v43, v43;
	v29 =	vbroadcast v43, $0x0;
	v18 =	vadd.f32 v27, v18  }
0x263: {  	v14 =	vadd.f32 v14, v16;
	v16 =	vmul.f32 v25, v25;
	v25 =	vmul.f32 v24, v2  }
0x264: {  	v41 =	vld [tilespmem:s20+$0xE700];
	v44 =	vbroadcast v43, $0x3;
	v27 =	vmul.f32 v34, v29;
	v18 =	vadd.f32 v61, v18  }
0x265: {  	v5 =	vld [tilespmem:$0x1FFF0];
	v14 =	vadd.f32 v14, v16;
	v16 =	vmul.f32 v25, v25;
	v25 =	vmul.f32 v30, v2  }
0x266: {  	v63 =	vbroadcast v43, $0x2;
	v32 =	vld [tilespmem:s20+$0xE780];
	v29 =	vmul.f32 v58, v62;
	v18 =	vadd.f32 v27, v18  }
0x267: {  	v14 =	vadd.f32 v14, v16;
	v16 =	vmul.f32 v25, v25;
	v25 =	vmul.f32 v31, v2  }
0x268: {  	v34 =	vmul.f32 v57, v44;
	v44 =	vld [tilespmem:s20+$0xE800];
	v27 =	vmul.f32 v35, v63;
	v18 =	vadd.f32 v29, v18  }
0x269: {  	v14 =	vadd.f32 v14, v16;
	v16 =	vmul.f32 v25, v25;
	v25 =	vmul.f32 v41, v2  }
0x26a: {  	v33 =	vld [tilespmem:s20+$0xE880];
	v5 =	vadd.f32 v12, v5;
	v29 =	vbroadcast v43, $0x4;
	v18 =	vadd.f32 v27, v18  }
0x26b: {  	v14 =	vadd.f32 v14, v16;
	v16 =	vmul.f32 v25, v25;
	v25 =	vmul.f32 v32, v2  }
0x26c: {  	v27 =	vmul.f32 v36, v29;
	v29 =	vmul.f32 v56, v45;
	v45 =	vld [tilespmem:s20+$0xE900];
	v18 =	vadd.f32 v34, v18  }
0x26d: {  	v14 =	vadd.f32 v14, v16;
	v16 =	vmul.f32 v25, v25;
	v25 =	vmul.f32 v44, v2  }
0x26e: {  	v12 =	vmul.f32 v46, v59;
	v47 =	vbroadcast v43, $0x6;
	v18 =	vadd.f32 v27, v18  }
0x26f: {  	v34 =	vld [tilespmem:s20+$0xE980];
	v14 =	vadd.f32 v14, v16;
	v16 =	vmul.f32 v25, v25;
	v25 =	vmul.f32 v33, v2  }
0x270: {  	s17 =	sadd.s32 $0x10, s13;
	v5 =	vadd.f32 v13, v5;
	v27 =	vmul.f32 v37, v47;
	v47 =	vld [tilespmem:s20+$0xEA00];
	v18 =	vadd.f32 v29, v18  }
0x271: {  	v29 =	vld [tilespmem:s17+$0x0];
	v14 =	vadd.f32 v14, v16;
	v16 =	vmul.f32 v25, v25;
	v25 =	vmul.f32 v45, v2  }
0x272: {  	v15 =	vadd.f32 v22, v15;
	v22 =	vadd.f32 v10, v10;
	v36 =	vmul.f32 v38, v49  }
0x273: {  	v35 =	vld [tilespmem:s20+$0xEA80];
	v18 =	vadd.f32 v27, v18;
	v14 =	vadd.f32 v14, v16;
	v16 =	vmul.f32 v25, v25  }
0x274: {  	v1 =	vsub.f32 v1, v22;
	v52 =	vbroadcast v43, $0x9;
	v25 =	vmul.f32 v34, v2  }
0x275: {  	v49 =	vld [tilespmem:s20+$0xEB00];
	v27 =	vmul.f32 v54, v51;
	v18 =	vadd.f32 v36, v18;
	v14 =	vadd.f32 v14, v16  }
0x276: {  	v16 =	vmul.f32 v25, v25;
	v25 =	vmul.f32 v47, v2;
	(v2sf) =	vpush v29, $0x0  }
0x277: {  	v53 =	vmul.f32 v55, v52;
	v54 =	vbroadcast v43, $0xA;
	v36 =	vld [tilespmem:s20+$0xEB80];
	v18 =	vadd.f32 v27, v18  }
0x278: {  	v27 =	vmul.f32 v35, v2;
	v16 =	vadd.f32 v14, v16;
	v25 =	vmul.f32 v25, v25  }
0x279: {  	v38 =	vmul.f32 v40, v54;
	v29 =	vbroadcast v43, $0xB;
	v14 =	vld [tilespmem:s20+$0xEC00];
	v18 =	vadd.f32 v53, v18  }
0x27a: {  	v16 =	vadd.f32 v16, v25;
	v25 =	vmul.f32 v27, v27;
	v27 =	vmul.f32 v49, v2  }
0x27b: {  	v55 =	vbroadcast v43, $0xC;
	v37 =	vld [tilespmem:s20+$0xEC80];
	v29 =	vmul.f32 v39, v29;
	v18 =	vadd.f32 v38, v18  }
0x27c: {  	v56 =	vmul.f32 v36, v2;
	v25 =	vadd.f32 v16, v25;
	v27 =	vmul.f32 v27, v27  }
0x27d: {  	v57 =	vbroadcast v43, $0xD;
	v39 =	vmul.f32 v50, v55;
	v16 =	vld [tilespmem:s20+$0xED00];
	v18 =	vadd.f32 v29, v18  }
0x27e: {  	v60 =	vld [tilespmem:s12+$0xFFFFFFF0];
	v29 =	vmul.f32 v14, v2;
	v25 =	vadd.f32 v25, v27;
	v27 =	vmul.f32 v56, v56  }
0x27f: {  	v58 =	vbroadcast v43, $0xE;
	v40 =	vmul.f32 v42, v57;
	v38 =	vld [tilespmem:s20+$0xED80];
	v18 =	vadd.f32 v39, v18  }
0x280: {  	v25 =	vadd.f32 v25, v27;
	v27 =	vmul.f32 v29, v29;
	v29 =	vmul.f32 v37, v2  }
0x281: {  	v5 =	vadd.f32 v15, v5;
	v42 =	vmul.f32 v48, v58;
	v40 =	vadd.f32 v40, v18;
	v18 =	vld [tilespmem:s20+$0xEE00]  }
0x282: {  	v25 =	vadd.f32 v25, v27;
	v27 =	vmul.f32 v29, v29;
	v29 =	vmul.f32 v16, v2  }
0x283: {  	v1 =	vsub.f32 v1, v4;
	v62 =	vbroadcast v60, $0x5;
	v39 =	vld [tilespmem:s20+$0xEE80];
	v40 =	vadd.f32 v42, v40  }
0x284: {  	v25 =	vadd.f32 v25, v27;
	v27 =	vmul.f32 v29, v29;
	v29 =	vmul.f32 v38, v2  }
0x285: {  	v10 =	vld [tilespmem:s20+$0xEF00];
	v61 =	vbroadcast v60, $0x4;
	v17 =	vmul.f32 v17, v62;
	v12 =	vadd.f32 v12, v40;
	s21 =	spop (v2sf)  }
0x286: {  	v50 =	vld [tilespmem:s12+$0x0];
	v21 =	vadd.f32 v25, v27;
	v25 =	vmul.f32 v29, v29;
	v13 =	vmul.f32 v18, v2;
	s22 =	sand.u32 $0xF, s21  }
0x287: {  	v63 =	vbroadcast v60, $0x6;
	v3 =	vmul.f32 v12, v3;
	v22 =	vmov s22  }
0x288: {  	v12 =	vadd.f32 v21, v25;
	v13 =	vmul.f32 v13, v13;
	v21 =	vmul.f32 v39, v2  }
0x289: {  	v8 =	vmul.f32 v8, v61;
	v4 =	vcvt.s32.f32 v22;
	v3 =	vadd.f32 v3, v3  }
0x28a: {  	v12 =	vadd.f32 v12, v13;
	v13 =	vmul.f32 v21, v21;
	v21 =	vmul.f32 v10, v2  }
0x28b: {  	v51 =	vmul.f32 v50, v50;
	s21 =	sand.u32 $0x70, s21;
	v3 =	vsub.f32 v1, v3;
	v1 =	vbroadcast v4, $0x0  }
0x28c: {  	v48 =	vld [tilespmem:s20+$0xEF80];
	v55 =	vbroadcast v50, $0x9;
	s18 =	sadd.s32 $0x1000, s21;
	v12 =	vadd.f32 v12, v13;
	v13 =	vmul.f32 v21, v21  }
0x28d: {  	v58 =	vbroadcast v50, $0xB;
	v25 =	vbroadcast v60, $0x0;
	v4 =	vld [tilespmem:s18+$0xE080];
	v1 =	vsub.f32 v0, v1  }
0x28e: {  	v61 =	vbroadcast v50, $0xD;
	v29 =	vbroadcast v60, $0x2;
	v27 =	vadd.f32 v12, v13;
	v13 =	vld [tilespmem:s18+$0xE000]  }
0x28f: {  	v22 =	vmul.f32 v60, v60;
	v15 =	vld [tilespmem:s18+$0xE100];
	v9 =	vmul.f32 v9, v25;
	v1 =	vand.u32 $0x7FFFFFFF, v1  }
0x290: {  	v25 =	vmul.f32 v11, v29;
	v12 =	vbroadcast v60, $0x1;
	v1 =	vsub.f32 $1.000000000e+00, v1  }
0x291: {  	v29 =	vbroadcast v60, $0x3;
	v21 =	vmul.f32 v48, v2  }
0x292: {  	v11 =	vld [tilespmem:s18+$0xE180];
	v9 =	vadd.f32 $0.0e+00, v9;
	v7 =	vmul.f32 v7, v12;
	v1 =	vmax.f32 v1, $0.0e+00  }
0x293: {  	v52 =	vadd.f32 v22, v5;
	v5 =	vmul.f32 v1, v13;
	v22 =	vmul.f32 v1, v4  }
0x294: {  	v21 =	vmul.f32 v21, v21;
	v12 =	vld [tilespmem:s18+$0xE200];
	v7 =	vadd.f32 v7, v9;
	v9 =	vmul.f32 v1, v15  }
0x295: {  	v5 =	vmul.f32 v5, v5;
	v22 =	vmul.f32 v22, v22  }
0x296: {  	v6 =	vmul.f32 v6, v29;
	v53 =	vadd.f32 v27, v21;
	v21 =	vld [tilespmem:s18+$0xE280];
	v7 =	vadd.f32 v25, v7  }
0x297: {  	v25 =	vmul.f32 v1, v11;
	v9 =	vmul.f32 v9, v9;
	v5 =	vadd.f32 v22, v5  }
0x298: {  	v56 =	vmul.f32 v37, v55;
	v55 =	vbroadcast v50, $0xF;
	v6 =	vadd.f32 v6, v7;
	v22 =	vld [tilespmem:s18+$0xE300]  }
0x299: {  	v5 =	vadd.f32 v5, v9;
	v9 =	vmul.f32 v25, v25;
	v25 =	vmul.f32 v1, v12  }
0x29a: {  	v27 =	vbroadcast v60, $0x7;
	v7 =	vmul.f32 v23, v63;
	v23 =	vld [tilespmem:s18+$0xE380];
	v6 =	vadd.f32 v8, v6  }
0x29b: {  	v29 =	vmul.f32 v1, v21;
	v5 =	vadd.f32 v5, v9;
	v9 =	vmul.f32 v25, v25  }
0x29c: {  	v19 =	vmul.f32 v19, v27;
	v8 =	vbroadcast v60, $0x8;
	v6 =	vadd.f32 v17, v6;
	v25 =	vld [tilespmem:s18+$0xE400]  }
0x29d: {  	v17 =	vmul.f32 v1, v22;
	v5 =	vadd.f32 v5, v9;
	v9 =	vmul.f32 v29, v29  }
0x29e: {  	v27 =	vbroadcast v60, $0x9;
	v8 =	vmul.f32 v26, v8;
	v26 =	vld [tilespmem:s18+$0xE480];
	v6 =	vadd.f32 v7, v6  }
0x29f: {  	v5 =	vadd.f32 v5, v9;
	v9 =	vmul.f32 v17, v17;
	v17 =	vmul.f32 v23, v1  }
0x2a0: {  	v20 =	vmul.f32 v20, v27;
	v27 =	vld [tilespmem:s18+$0xE500];
	v7 =	vbroadcast v60, $0xA;
	v6 =	vadd.f32 v19, v6  }
0x2a1: {  	v5 =	vadd.f32 v5, v9;
	v9 =	vmul.f32 v17, v17;
	v17 =	vmul.f32 v25, v1  }
0x2a2: {  	v7 =	vmul.f32 v28, v7;
	v19 =	vbroadcast v60, $0xB;
	v28 =	vld [tilespmem:s18+$0xE580];
	v6 =	vadd.f32 v8, v6  }
0x2a3: {  	v5 =	vadd.f32 v5, v9;
	v9 =	vmul.f32 v17, v17;
	v17 =	vmul.f32 v26, v1  }
0x2a4: {  	v29 =	vld [tilespmem:s18+$0xE600];
	v8 =	vbroadcast v60, $0xC;
	v19 =	vmul.f32 v24, v19;
	v6 =	vadd.f32 v20, v6  }
0x2a5: {  	v5 =	vadd.f32 v5, v9;
	v9 =	vmul.f32 v17, v17;
	v17 =	vmul.f32 v27, v1  }
0x2a6: {  	v8 =	vmul.f32 v30, v8;
	v20 =	vbroadcast v60, $0xD;
	v30 =	vld [tilespmem:s18+$0xE680];
	v6 =	vadd.f32 v7, v6  }
0x2a7: {  	v5 =	vadd.f32 v5, v9;
	v9 =	vmul.f32 v17, v17;
	v17 =	vmul.f32 v28, v1  }
0x2a8: {  	v40 =	vld [tilespmem:s18+$0xE700];
	v7 =	vbroadcast v60, $0xE;
	v20 =	vmul.f32 v31, v20;
	v6 =	vadd.f32 v19, v6  }
0x2a9: {  	v5 =	vadd.f32 v5, v9;
	v9 =	vmul.f32 v17, v17;
	v17 =	vmul.f32 v29, v1  }
0x2aa: {  	v7 =	vmul.f32 v41, v7;
	v19 =	vbroadcast v60, $0xF;
	v41 =	vld [tilespmem:s18+$0xE780];
	v6 =	vadd.f32 v8, v6  }
0x2ab: {  	v5 =	vadd.f32 v5, v9;
	v9 =	vmul.f32 v17, v17;
	v17 =	vmul.f32 v30, v1  }
0x2ac: {  	v42 =	vld [tilespmem:s18+$0xE800];
	v8 =	vbroadcast v50, $0x0;
	v19 =	vmul.f32 v32, v19;
	v6 =	vadd.f32 v20, v6  }
0x2ad: {  	v5 =	vadd.f32 v5, v9;
	v9 =	vmul.f32 v17, v17;
	v17 =	vmul.f32 v40, v1  }
0x2ae: {  	v43 =	vld [tilespmem:s18+$0xE880];
	v8 =	vmul.f32 v44, v8;
	v20 =	vbroadcast v50, $0x1;
	v6 =	vadd.f32 v7, v6  }
0x2af: {  	v5 =	vadd.f32 v5, v9;
	v9 =	vmul.f32 v17, v17;
	v17 =	vmul.f32 v41, v1  }
0x2b0: {  	v44 =	vld [tilespmem:s18+$0xE900];
	v7 =	vbroadcast v50, $0x2;
	v20 =	vmul.f32 v33, v20;
	v6 =	vadd.f32 v19, v6  }
0x2b1: {  	v5 =	vadd.f32 v5, v9;
	v9 =	vmul.f32 v17, v17;
	v17 =	vmul.f32 v42, v1  }
0x2b2: {  	v7 =	vmul.f32 v45, v7;
	v45 =	vld [tilespmem:s18+$0xE980];
	v6 =	vadd.f32 v8, v6;
	v8 =	vbroadcast v50, $0x4  }
0x2b3: {  	v5 =	vadd.f32 v5, v9;
	v9 =	vmul.f32 v17, v17;
	v17 =	vmul.f32 v43, v1  }
0x2b4: {  	s19 =	sadd.s32 $0x10, s17;
	v46 =	vld [tilespmem:s18+$0xEA00];
	v19 =	vbroadcast v50, $0x3;
	v6 =	vadd.f32 v20, v6;
	v20 =	vmul.f32 v47, v8  }
0x2b5: {  	v8 =	vld [tilespmem:s19+$0x0];
	v5 =	vadd.f32 v5, v9;
	v9 =	vmul.f32 v17, v17;
	v17 =	vmul.f32 v44, v1  }
0x2b6: {  	v24 =	vbroadcast v50, $0x5;
	v19 =	vmul.f32 v34, v19;
	v47 =	vld [tilespmem:s18+$0xEA80];
	v7 =	vadd.f32 v7, v6  }
0x2b7: {  	v5 =	vadd.f32 v5, v9;
	v9 =	vmul.f32 v17, v17;
	v17 =	vmul.f32 v45, v1  }
0x2b8: {  	v24 =	vmul.f32 v35, v24;
	v31 =	vbroadcast v50, $0x6;
	v6 =	vld [tilespmem:s18+$0xEB00];
	v7 =	vadd.f32 v19, v7  }
0x2b9: {  	v5 =	vadd.f32 v5, v9;
	v9 =	vmul.f32 v17, v17;
	v17 =	vmul.f32 v46, v1  }
0x2ba: {  	v19 =	vmul.f32 v49, v31;
	(v2sf) =	vpush v8, $0x0;
	v8 =	vld [tilespmem:s18+$0xEB80];
	v7 =	vadd.f32 v20, v7  }
0x2bb: {  	v20 =	vmul.f32 v47, v1;
	v5 =	vadd.f32 v5, v9;
	v9 =	vmul.f32 v17, v17  }
0x2bc: {  	v31 =	vbroadcast v50, $0x7;
	v7 =	vadd.f32 v24, v7;
	v24 =	vbroadcast v50, $0x8;
	v17 =	vld [tilespmem:s18+$0xEC00]  }
0x2bd: {  	v54 =	vmul.f32 v6, v1;
	v20 =	vmul.f32 v20, v20;
	v5 =	vadd.f32 v5, v9  }
0x2be: {  	v31 =	vmul.f32 v36, v31;
	v7 =	vadd.f32 v19, v7;
	v19 =	vmul.f32 v14, v24;
	v9 =	vld [tilespmem:s18+$0xEC80]  }
0x2bf: {  	v24 =	vmul.f32 v8, v1;
	v5 =	vadd.f32 v5, v20;
	v20 =	vmul.f32 v54, v54  }
0x2c0: {  	v59 =	vmul.f32 v38, v58;
	v14 =	vld [tilespmem:s18+$0xED00];
	v7 =	vadd.f32 v31, v7;
	v31 =	vbroadcast v50, $0xA  }
0x2c1: {  	v24 =	vmul.f32 v24, v24;
	v57 =	vmul.f32 v17, v1;
	v20 =	vadd.f32 v5, v20  }
0x2c2: {  	s17 =	sadd.s32 $0x20, s12;
	v63 =	vmul.f32 v39, v61;
	v7 =	vadd.f32 v19, v7;
	v16 =	vmul.f32 v16, v31;
	v5 =	vld [tilespmem:s18+$0xED80]  }
0x2c3: {  	v49 =	vld [tilespmem:s17+$0xFFFFFFF0];
	v31 =	vmul.f32 v9, v1;
	v19 =	vadd.f32 v20, v24;
	v24 =	vmul.f32 v57, v57  }
0x2c4: {  	v39 =	vbroadcast v50, $0xE;
	v60 =	vbroadcast v50, $0xC;
	v32 =	vadd.f32 v56, v7;
	v20 =	vld [tilespmem:s18+$0xEE00]  }
0x2c5: {  	v7 =	vld [tilespmem:s18+$0xEE80];
	v19 =	vadd.f32 v19, v24;
	v24 =	vmul.f32 v31, v31;
	v31 =	vmul.f32 v14, v1  }
0x2c6: {  	v35 =	vmul.f32 v48, v55;
	v18 =	vmul.f32 v18, v60;
	v16 =	vadd.f32 v16, v32  }
0x2c7: {  	v62 =	vmul.f32 v5, v1;
	v19 =	vadd.f32 v19, v24;
	v31 =	vmul.f32 v31, v31  }
0x2c8: {  	v60 =	vmul.f32 v49, v49;
	v55 =	vbroadcast v49, $0x1;
	v16 =	vadd.f32 v59, v16;
	v24 =	vld [tilespmem:s18+$0xEF00]  }
0x2c9: {  	s22 =	spop (v2sf);
	v54 =	vmul.f32 v20, v1;
	v19 =	vadd.f32 v19, v31;
	v31 =	vmul.f32 v62, v62  }
0x2ca: {  	s21 =	sand.u32 $0xF, s22;
	v56 =	vmul.f32 v7, v1;
	v16 =	vadd.f32 v18, v16;
	v18 =	vmul.f32 v10, v39;
	v10 =	vld [tilespmem:s18+$0xEF80]  }
0x2cb: {  	v33 =	vld [tilespmem:s17+$0x0];
	v57 =	vmov s21;
	v19 =	vadd.f32 v19, v31;
	v31 =	vmul.f32 v54, v54  }
0x2cc: {  	v59 =	vadd.f32 v51, v52;
	v36 =	vcvt.s32.f32 v57;
	v16 =	vadd.f32 v63, v16  }
0x2cd: {  	v58 =	vmul.f32 v24, v1;
	v19 =	vadd.f32 v19, v31;
	v31 =	vmul.f32 v56, v56  }
0x2ce: {  	v57 =	vbroadcast v49, $0x4;
	v62 =	vbroadcast v36, $0x0;
	v16 =	vadd.f32 v18, v16  }
0x2cf: {  	s22 =	sand.u32 $0x70, s22;
	v61 =	vmul.f32 v10, v1;
	v18 =	vadd.f32 v19, v31;
	v19 =	vmul.f32 v58, v58  }
0x2d0: {  	s18 =	sadd.s32 $0x2000, s22;
	v63 =	vmul.f32 v33, v33;
	v54 =	vbroadcast v49, $0x0;
	v38 =	vadd.f32 v35, v16  }
0x2d1: {  	v32 =	vld [tilespmem:s18+$0xE080];
	v16 =	vadd.f32 v18, v19;
	v18 =	vmul.f32 v61, v61;
	v19 =	vsub.f32 v0, v62  }
0x2d2: {  	v56 =	vbroadcast v49, $0x2;
	v13 =	vmul.f32 v13, v54;
	v35 =	vld [tilespmem:s18+$0xE000]  }
0x2d3: {  	v37 =	vld [tilespmem:s18+$0xE100];
	v31 =	vadd.f32 v53, v59;
	v16 =	vadd.f32 v16, v18;
	v18 =	vand.u32 $0x7FFFFFFF, v19  }
0x2d4: {  	v12 =	vmul.f32 v12, v57;
	v19 =	vmul.f32 v4, v55;
	v4 =	vsub.f32 $1.000000000e+00, v18  }
0x2d5: {  	v15 =	vmul.f32 v15, v56;
	v13 =	vadd.f32 $0.0e+00, v13;
	v31 =	vadd.f32 v60, v31  }
0x2d6: {  	v34 =	vld [tilespmem:s18+$0xE180];
	v58 =	vbroadcast v49, $0x5;
	v18 =	vbroadcast v49, $0x3;
	v4 =	vmax.f32 v4, $0.0e+00  }
0x2d7: {  	v31 =	vadd.f32 v63, v31;
	v60 =	vmul.f32 v4, v35;
	v61 =	vmul.f32 v4, v32  }
0x2d8: {  	v36 =	vld [tilespmem:s18+$0xE200];
	v13 =	vadd.f32 v19, v13;
	v11 =	vmul.f32 v11, v18;
	v62 =	vmul.f32 v4, v37  }
0x2d9: {  	v39 =	vadd.f32 v16, v31;
	v16 =	vmul.f32 v60, v60;
	v18 =	vmul.f32 v61, v61  }
0x2da: {  	v59 =	vbroadcast v49, $0x6;
	v19 =	vld [tilespmem:s18+$0xE280];
	v31 =	vmul.f32 v21, v58;
	v13 =	vadd.f32 v15, v13  }
0x2db: {  	v21 =	vmul.f32 v4, v34;
	v15 =	vadd.f32 v18, v16;
	v18 =	vmul.f32 v62, v62  }
0x2dc: {  	v11 =	vadd.f32 v11, v13;
	v13 =	vmul.f32 v22, v59;
	v22 =	vbroadcast v49, $0x7;
	v16 =	vld [tilespmem:s18+$0xE300]  }
0x2dd: {  	v63 =	vmul.f32 v4, v36;
	v21 =	vmul.f32 v21, v21;
	v18 =	vadd.f32 v15, v18  }
0x2de: {  	v11 =	vadd.f32 v12, v11;
	v12 =	vmul.f32 v23, v22;
	v22 =	vbroadcast v49, $0x8;
	v15 =	vld [tilespmem:s18+$0xE380]  }
0x2df: {  	v52 =	vmul.f32 v4, v19;
	v23 =	vmul.f32 v63, v63;
	v18 =	vadd.f32 v18, v21  }
0x2e0: {  	v11 =	vadd.f32 v31, v11;
	v31 =	vmul.f32 v25, v22;
	v22 =	vbroadcast v49, $0x9;
	v21 =	vld [tilespmem:s18+$0xE400]  }
0x2e1: {  	v25 =	vmul.f32 v52, v52;
	v53 =	vmul.f32 v4, v16;
	v23 =	vadd.f32 v18, v23  }
0x2e2: {  	v11 =	vadd.f32 v13, v11;
	v13 =	vmul.f32 v26, v22;
	v22 =	vbroadcast v49, $0xA;
	v18 =	vld [tilespmem:s18+$0xE480]  }
0x2e3: {  	v26 =	vmul.f32 v53, v53;
	v54 =	vmul.f32 v15, v4;
	v23 =	vadd.f32 v23, v25  }
0x2e4: {  	v11 =	vadd.f32 v12, v11;
	v12 =	vmul.f32 v27, v22;
	v27 =	vbroadcast v49, $0xB;
	v25 =	vld [tilespmem:s18+$0xE500]  }
0x2e5: {  	v22 =	vld [tilespmem:s18+$0xE580];
	v55 =	vmul.f32 v21, v4;
	v23 =	vadd.f32 v23, v26;
	v26 =	vmul.f32 v54, v54  }
0x2e6: {  	v11 =	vadd.f32 v31, v11;
	v27 =	vmul.f32 v28, v27;
	v31 =	vbroadcast v49, $0xC  }
0x2e7: {  	v56 =	vmul.f32 v18, v4;
	v23 =	vadd.f32 v23, v26;
	v26 =	vmul.f32 v55, v55  }
0x2e8: {  	v28 =	vld [tilespmem:s18+$0xE600];
	v11 =	vadd.f32 v13, v11;
	v13 =	vmul.f32 v29, v31;
	v29 =	vbroadcast v49, $0xD  }
0x2e9: {  	v31 =	vmul.f32 v56, v56;
	v57 =	vmul.f32 v25, v4;
	v23 =	vadd.f32 v23, v26  }
0x2ea: {  	v60 =	vbroadcast v33, $0x0;
	v58 =	vmul.f32 v22, v4;
	v11 =	vadd.f32 v12, v11;
	v26 =	vld [tilespmem:s18+$0xE680]  }
0x2eb: {  	v12 =	vmul.f32 v30, v29;
	v30 =	vmul.f32 v57, v57;
	v23 =	vadd.f32 v23, v31  }
0x2ec: {  	v62 =	vbroadcast v33, $0x1;
	v29 =	vbroadcast v49, $0xE;
	v11 =	vadd.f32 v27, v11;
	v31 =	vld [tilespmem:s18+$0xE700]  }
0x2ed: {  	v59 =	vmul.f32 v28, v4;
	v23 =	vadd.f32 v23, v30;
	v30 =	vmul.f32 v58, v58  }
0x2ee: {  	v40 =	vmul.f32 v40, v29;
	v29 =	vbroadcast v49, $0xF;
	v27 =	vld [tilespmem:s18+$0xE780];
	v11 =	vadd.f32 v13, v11  }
0x2ef: {  	v61 =	vmul.f32 v26, v4;
	v23 =	vadd.f32 v23, v30;
	v30 =	vmul.f32 v59, v59  }
0x2f0: {  	v53 =	vmul.f32 v43, v62;
	v13 =	vmul.f32 v41, v29;
	v29 =	vld [tilespmem:s18+$0xE800];
	v11 =	vadd.f32 v12, v11  }
0x2f1: {  	v63 =	vmul.f32 v61, v61;
	v52 =	vmul.f32 v31, v4;
	v30 =	vadd.f32 v23, v30  }
0x2f2: {  	v54 =	vbroadcast v33, $0x2;
	v12 =	vmul.f32 v42, v60;
	v11 =	vadd.f32 v40, v11;
	v23 =	vld [tilespmem:s18+$0xE880]  }
0x2f3: {  	v56 =	vmul.f32 v27, v4;
	v55 =	vmul.f32 v52, v52;
	v42 =	vadd.f32 v30, v63  }
0x2f4: {  	v57 =	vbroadcast v33, $0x3;
	v41 =	vmul.f32 v44, v54;
	v11 =	vadd.f32 v13, v11;
	v30 =	vld [tilespmem:s18+$0xE900]  }
0x2f5: {  	v58 =	vmul.f32 v56, v56;
	v59 =	vmul.f32 v29, v4;
	v13 =	vld [tilespmem:s18+$0xE980];
	v42 =	vadd.f32 v42, v55  }
0x2f6: {  	v60 =	vbroadcast v33, $0x6;
	v11 =	vadd.f32 v12, v11;
	v12 =	vbroadcast v33, $0x4  }
0x2f7: {  	v51 =	vmul.f32 v59, v59;
	v52 =	vmul.f32 v23, v4;
	v42 =	vadd.f32 v42, v58  }
0x2f8: {  	s20 =	sadd.s32 $0x10, s19;
	v11 =	vadd.f32 v53, v11;
	v62 =	vmul.f32 v46, v12;
	v53 =	vbroadcast v33, $0x5;
	v12 =	vld [tilespmem:s18+$0xEA00]  }
0x2f9: {  	v40 =	vld [tilespmem:s20+$0x0];
	v54 =	vmul.f32 v52, v52;
	v55 =	vmul.f32 v30, v4;
	v42 =	vadd.f32 v42, v51  }
0x2fa: {  	v63 =	vmul.f32 v45, v57;
	v56 =	vmul.f32 v13, v4;
	v59 =	vadd.f32 v41, v11;
	v11 =	vld [tilespmem:s18+$0xEA80]  }
0x2fb: {  	s15 =	sadd.s32 $0x1, s15;
	s19 =	simm.s32 $0xC000;
	s21 =	simm.s32 $0x10000;
	v61 =	vmul.f32 v47, v53;
	v58 =	vmul.f32 v55, v55;
	v57 =	vadd.f32 v42, v54  }
.LBB2_5:
0x2fc: {  	p1 =	sne.s32 s21, $0x1C000;
	v41 =	vadd.f32 v63, v59;
	v42 =	vmul.f32 v6, v60;
	v6 =	vld [tilespmem:s18+$0xEB00];
	v43 =	vbroadcast v33, $0x7  }
0x2fd: {  	v44 =	vadd.f32 v57, v58;
	v45 =	vmul.f32 v56, v56;
	v46 =	vmul.f32 v12, v4  }
0x2fe: {  	(v2sf) =	vpush v40, $0x0;
	v40 =	vadd.f32 v62, v41;
	v41 =	vmul.f32 v8, v43;
	v8 =	vld [tilespmem:s18+$0xEB80]  }
0x2ff: {  	v43 =	vadd.f32 v44, v45;
	v44 =	vmul.f32 v46, v46;
	v45 =	vmul.f32 v11, v4  }
0x300: {  	v47 =	vbroadcast v33, $0x8;
	v48 =	vbroadcast v33, $0x9;
	v46 =	vld [tilespmem:s18+$0xEC00];
	v40 =	vadd.f32 v61, v40  }
0x301: {  	v43 =	vadd.f32 v43, v44;
	v44 =	vmul.f32 v45, v45;
	v45 =	vmul.f32 v6, v4  }
0x302: {  	v40 =	vadd.f32 v42, v40;
	v42 =	vmul.f32 v17, v47;
	v47 =	vmul.f32 v9, v48;
	v9 =	vld [tilespmem:s18+$0xEC80]  }
0x303: {  	v50 =	vadd.f32 v43, v44;
	v43 =	vmul.f32 v45, v45;
	v44 =	vmul.f32 v8, v4  }
0x304: {  	v48 =	vbroadcast v33, $0xB;
	v45 =	vld [tilespmem:s18+$0xED00];
	v40 =	vadd.f32 v41, v40;
	v41 =	vbroadcast v33, $0xA  }
0x305: {  	v43 =	vadd.f32 v50, v43;
	v44 =	vmul.f32 v44, v44;
	v49 =	vmul.f32 v46, v4;
	v17 =	vmovc v46  }
0x306: {  	v40 =	vadd.f32 v42, v40;
	v41 =	vmul.f32 v14, v41;
	v42 =	vmul.f32 v5, v48;
	v5 =	vld [tilespmem:s18+$0xED80]  }
0x307: {  	v50 =	vadd.f32 v43, v44;
	v43 =	vmul.f32 v49, v49;
	v44 =	vmul.f32 v9, v4  }
0x308: {  	v48 =	vbroadcast v33, $0xD;
	v46 =	vld [tilespmem:s18+$0xEE00];
	v40 =	vadd.f32 v47, v40;
	v47 =	vbroadcast v33, $0xC  }
0x309: {  	v43 =	vadd.f32 v50, v43;
	v44 =	vmul.f32 v44, v44;
	v49 =	vmul.f32 v45, v4;
	v14 =	vmovc v45  }
0x30a: {  	v45 =	vmul.f32 v7, v48;
	v40 =	vadd.f32 v41, v40;
	v41 =	vmul.f32 v20, v47;
	v7 =	vld [tilespmem:s18+$0xEE80]  }
0x30b: {  	v50 =	vadd.f32 v43, v44;
	v43 =	vmul.f32 v49, v49;
	v44 =	vmul.f32 v5, v4  }
0x30c: {  	s17 =	sadd.s32 $0x20, s17;
	v48 =	vbroadcast v33, $0xE;
	v33 =	vbroadcast v33, $0xF;
	v47 =	vld [tilespmem:s18+$0xEF00];
	v42 =	vadd.f32 v42, v40  }
0x30d: {  	s22 =	spop (v2sf);
	v40 =	vld [tilespmem:s17+$0xFFFFFFF0];
	v43 =	vadd.f32 v50, v43;
	v44 =	vmul.f32 v44, v44;
	v49 =	vmul.f32 v46, v4;
	v20 =	vmovc v46  }
0x30e: {  	v46 =	vmul.f32 v10, v33;
	v41 =	vadd.f32 v41, v42;
	v42 =	vmul.f32 v24, v48;
	v10 =	vld [tilespmem:s18+$0xEF80]  }
0x30f: {  	s18 =	sand.u32 $0xF, s22;
	v33 =	vld [tilespmem:s17+$0x0];
	v50 =	vadd.f32 v43, v44;
	v43 =	vmul.f32 v49, v49;
	v44 =	vmul.f32 v7, v4  }
0x310: {  	v48 =	vmov s18;
	v41 =	vadd.f32 v45, v41;
	v45 =	vmul.f32 v38, v2;
	v2 =	vmovc v1;
	v1 =	vmovc v4  }
0x311: {  	v4 =	vadd.f32 v50, v43;
	v38 =	vmul.f32 v44, v44;
	v43 =	vmul.f32 v47, v1;
	v24 =	vmovc v47  }
0x312: {  	v44 =	vcvt.s32.f32 v48;
	v47 =	vmul.f32 v40, v40;
	v41 =	vadd.f32 v42, v41  }
0x313: {  	v4 =	vadd.f32 v4, v38;
	v42 =	vmul.f32 v43, v43;
	v43 =	vmul.f32 v10, v1  }
0x314: {  	s18 =	sand.u32 $0x70, s22;
	s22 =	sshra.s32 s19, $0x2;
	s19 =	smov.u32 s21;
	v44 =	vbroadcast v44, $0x0;
	v48 =	vmul.f32 v33, v33;
	v38 =	vadd.f32 v46, v41  }
0x315: {  	s18 =	sadd.s32 s22, s18;
	v39 =	vadd.f32 v47, v39;
	v4 =	vadd.f32 v4, v42;
	v41 =	vmul.f32 v43, v43  }
0x316: {  	v46 =	vbroadcast v40, $0x1;
	v42 =	vsub.f32 v0, v44;
	v44 =	vbroadcast v40, $0x0;
	v43 =	vld [tilespmem:s18+$0xE080]  }
0x317: {  	v49 =	vbroadcast v40, $0x2;
	v39 =	vadd.f32 v48, v39;
	v47 =	vld [tilespmem:s18+$0xE000];
	v4 =	vadd.f32 v4, v41  }
0x318: {  	v41 =	vand.u32 $0x7FFFFFFF, v42;
	v35 =	vmul.f32 v35, v44;
	v44 =	vmul.f32 v32, v46;
	v42 =	vld [tilespmem:s18+$0xE100]  }
0x319: {  	v51 =	vsub.f32 $1.000000000e+00, v41;
	v41 =	vmul.f32 v37, v49;
	v39 =	vadd.f32 v4, v39  }
0x31a: {  	v54 =	vbroadcast v40, $0x3;
	v46 =	vbroadcast v40, $0x4;
	v52 =	vadd.f32 $0.0e+00, v35  }
0x31b: {  	v50 =	vbroadcast v40, $0x6;
	v49 =	vbroadcast v40, $0x5;
	v4 =	vmax.f32 v51, $0.0e+00;
	v48 =	vld [tilespmem:s18+$0xE180];
	v32 =	vmovc v43  }
0x31c: {  	v44 =	vadd.f32 v44, v52;
	v43 =	vmul.f32 v4, v47;
	v51 =	vmul.f32 v4, v32;
	v35 =	vmovc v47  }
0x31d: {  	v53 =	vmul.f32 v34, v54;
	v54 =	vadd.f32 v45, v45;
	v47 =	vmul.f32 v4, v42;
	v52 =	vld [tilespmem:s18+$0xE200];
	v37 =	vmovc v42  }
0x31e: {  	v41 =	vadd.f32 v41, v44;
	v42 =	vmul.f32 v43, v43;
	v43 =	vmul.f32 v51, v51  }
0x31f: {  	v3 =	vsub.f32 v3, v54;
	v45 =	vmul.f32 v19, v49;
	v44 =	vmul.f32 v36, v46;
	v19 =	vld [tilespmem:s18+$0xE280]  }
0x320: {  	v49 =	vadd.f32 v43, v42;
	v42 =	vmul.f32 v47, v47;
	v43 =	vmul.f32 v4, v48;
	v34 =	vmovc v48  }
0x321: {  	v46 =	vmul.f32 v16, v50;
	v41 =	vadd.f32 v53, v41;
	v47 =	vbroadcast v40, $0x7;
	v16 =	vld [tilespmem:s18+$0xE300]  }
0x322: {  	v42 =	vadd.f32 v49, v42;
	v43 =	vmul.f32 v43, v43;
	v48 =	vmul.f32 v4, v52;
	v36 =	vmovc v52  }
0x323: {  	v41 =	vadd.f32 v44, v41;
	v44 =	vmul.f32 v15, v47;
	v47 =	vbroadcast v40, $0x8;
	v15 =	vld [tilespmem:s18+$0xE380]  }
0x324: {  	v42 =	vadd.f32 v42, v43;
	v43 =	vmul.f32 v48, v48;
	v48 =	vmul.f32 v4, v19  }
0x325: {  	v41 =	vadd.f32 v45, v41;
	v45 =	vmul.f32 v21, v47;
	v47 =	vbroadcast v40, $0x9;
	v21 =	vld [tilespmem:s18+$0xE400]  }
0x326: {  	v42 =	vadd.f32 v42, v43;
	v43 =	vmul.f32 v48, v48;
	v48 =	vmul.f32 v4, v16  }
0x327: {  	v41 =	vadd.f32 v46, v41;
	v46 =	vmul.f32 v18, v47;
	v47 =	vbroadcast v40, $0xA;
	v18 =	vld [tilespmem:s18+$0xE480]  }
0x328: {  	v42 =	vadd.f32 v42, v43;
	v43 =	vmul.f32 v48, v48;
	v48 =	vmul.f32 v15, v4  }
0x329: {  	v41 =	vadd.f32 v44, v41;
	v44 =	vmul.f32 v25, v47;
	v47 =	vbroadcast v40, $0xB;
	v25 =	vld [tilespmem:s18+$0xE500]  }
0x32a: {  	v42 =	vadd.f32 v42, v43;
	v43 =	vmul.f32 v48, v48;
	v48 =	vmul.f32 v21, v4  }
0x32b: {  	v41 =	vadd.f32 v45, v41;
	v45 =	vmul.f32 v22, v47;
	v47 =	vbroadcast v40, $0xC;
	v22 =	vld [tilespmem:s18+$0xE580]  }
0x32c: {  	v42 =	vadd.f32 v42, v43;
	v43 =	vmul.f32 v48, v48;
	v48 =	vmul.f32 v18, v4  }
0x32d: {  	v41 =	vadd.f32 v46, v41;
	v46 =	vmul.f32 v28, v47;
	v47 =	vbroadcast v40, $0xD;
	v28 =	vld [tilespmem:s18+$0xE600]  }
0x32e: {  	v42 =	vadd.f32 v42, v43;
	v43 =	vmul.f32 v48, v48;
	v48 =	vmul.f32 v25, v4  }
0x32f: {  	v41 =	vadd.f32 v44, v41;
	v44 =	vmul.f32 v26, v47;
	v47 =	vbroadcast v40, $0xE;
	v26 =	vld [tilespmem:s18+$0xE680]  }
0x330: {  	v42 =	vadd.f32 v42, v43;
	v43 =	vmul.f32 v48, v48;
	v48 =	vmul.f32 v22, v4  }
0x331: {  	v40 =	vbroadcast v40, $0xF;
	v41 =	vadd.f32 v45, v41;
	v45 =	vmul.f32 v31, v47;
	v31 =	vld [tilespmem:s18+$0xE700]  }
0x332: {  	v42 =	vadd.f32 v42, v43;
	v43 =	vmul.f32 v48, v48;
	v47 =	vmul.f32 v28, v4  }
0x333: {  	v40 =	vmul.f32 v27, v40;
	v41 =	vadd.f32 v46, v41;
	v46 =	vbroadcast v33, $0x0;
	v27 =	vld [tilespmem:s18+$0xE780]  }
0x334: {  	v42 =	vadd.f32 v42, v43;
	v43 =	vmul.f32 v47, v47;
	v47 =	vmul.f32 v26, v4  }
0x335: {  	v41 =	vadd.f32 v44, v41;
	v44 =	vmul.f32 v29, v46;
	v46 =	vbroadcast v33, $0x1;
	v29 =	vld [tilespmem:s18+$0xE800]  }
0x336: {  	v42 =	vadd.f32 v42, v43;
	v43 =	vmul.f32 v47, v47;
	v47 =	vmul.f32 v31, v4  }
0x337: {  	v41 =	vadd.f32 v45, v41;
	v45 =	vmul.f32 v23, v46;
	v46 =	vbroadcast v33, $0x2;
	v23 =	vld [tilespmem:s18+$0xE880]  }
0x338: {  	v42 =	vadd.f32 v42, v43;
	v43 =	vmul.f32 v47, v47;
	v47 =	vmul.f32 v27, v4  }
0x339: {  	v40 =	vadd.f32 v40, v41;
	v41 =	vmul.f32 v30, v46;
	v46 =	vbroadcast v33, $0x3;
	v30 =	vld [tilespmem:s18+$0xE900]  }
0x33a: {  	v42 =	vadd.f32 v42, v43;
	v43 =	vmul.f32 v47, v47;
	v47 =	vmul.f32 v29, v4  }
0x33b: {  	v40 =	vadd.f32 v44, v40;
	v63 =	vmul.f32 v13, v46;
	v44 =	vbroadcast v33, $0x4;
	v13 =	vld [tilespmem:s18+$0xE980]  }
.Ltmp1:
0x33c: {  	v42 =	vadd.f32 v42, v43;
	v43 =	vmul.f32 v47, v47;
	v46 =	vmul.f32 v23, v4;
	(pc) =	sbr.rel @p1 .LBB2_5-.Ltmp1, $4  }
0x33d: {  	s20 =	sadd.s32 $0x10, s20;
	v45 =	vadd.f32 v45, v40;
	v62 =	vmul.f32 v12, v44;
	v44 =	vbroadcast v33, $0x5;
	v12 =	vld [tilespmem:s18+$0xEA00]  }
0x33e: {  	v40 =	vld [tilespmem:s20+$0x0];
	v42 =	vadd.f32 v42, v43;
	v43 =	vmul.f32 v46, v46;
	v46 =	vmul.f32 v30, v4  }
0x33f: {  	v60 =	vbroadcast v33, $0x6;
	v59 =	vadd.f32 v41, v45;
	v61 =	vmul.f32 v11, v44;
	v11 =	vld [tilespmem:s18+$0xEA80]  }
0x340: {  	s21 =	sadd.s32 $0x4000, s21;
	v57 =	vadd.f32 v42, v43;
	v58 =	vmul.f32 v46, v46;
	v56 =	vmul.f32 v13, v4  }
0x341: {  	_ =	sdelay $0x1  }
0x342: {  	(v2sf) =	vpush v40, $0x0;
	_ =	sdelay $0x7  }
0x343: {  	v41 =	vld [tilespmem:s18+$0xEB00]  }
0x344: {  	v43 =	vld [tilespmem:s18+$0xEB80]  }
0x345: {  	v46 =	vld [tilespmem:s18+$0xEC00]  }
0x346: {  	v47 =	vld [tilespmem:s18+$0xEC80]  }
0x347: {  	v48 =	vld [tilespmem:s18+$0xED00]  }
0x348: {  	v49 =	vld [tilespmem:s18+$0xED80]  }
0x349: {  	v50 =	vld [tilespmem:s18+$0xEE00]  }
0x34a: {  	v51 =	vld [tilespmem:s18+$0xEE80];
	s20 =	spop (v2sf)  }
0x34b: {  	v52 =	vld [tilespmem:s18+$0xEF00];
	s19 =	sshra.s32 s19, $0x2;
	s21 =	sand.u32 $0x70, s20  }
0x34c: {  	v53 =	vld [tilespmem:s18+$0xEF80];
	s18 =	sadd.s32 s19, s21  }
0x34d: {  	v55 =	vld [tilespmem:s18+$0xE100];
	_ =	sdelay $0x4  }
0x34e: {  	[tilespmem:$0x1FC00] =	vst v55;
	v55 =	vld [tilespmem:s18+$0xE180];
	_ =	sdelay $0x4  }
0x34f: {  	[tilespmem:$0x1FC10] =	vst v55;
	v55 =	vld [tilespmem:s18+$0xE200];
	_ =	sdelay $0x4  }
0x350: {  	[tilespmem:$0x1FC20] =	vst v55;
	v55 =	vld [tilespmem:s18+$0xE280];
	_ =	sdelay $0x4  }
0x351: {  	[tilespmem:$0x1FC30] =	vst v55;
	v55 =	vld [tilespmem:s18+$0xE300];
	_ =	sdelay $0x4  }
0x352: {  	[tilespmem:$0x1FC40] =	vst v55;
	v55 =	vld [tilespmem:s18+$0xE380];
	_ =	sdelay $0x4  }
0x353: {  	[tilespmem:$0x1FC50] =	vst v55;
	v55 =	vld [tilespmem:s18+$0xE400];
	_ =	sdelay $0x4  }
0x354: {  	[tilespmem:$0x1FC60] =	vst v55;
	v55 =	vld [tilespmem:s18+$0xE480];
	_ =	sdelay $0x4  }
0x355: {  	[tilespmem:$0x1FC70] =	vst v55;
	v55 =	vld [tilespmem:s18+$0xE500];
	_ =	sdelay $0x4  }
0x356: {  	[tilespmem:$0x1FC80] =	vst v55;
	v55 =	vld [tilespmem:s18+$0xE600];
	_ =	sdelay $0x4  }
0x357: {  	[tilespmem:$0x1FCA0] =	vst v55;
	v55 =	vld [tilespmem:s18+$0xE680];
	_ =	sdelay $0x4  }
0x358: {  	[tilespmem:$0x1FCB0] =	vst v55;
	v55 =	vld [tilespmem:s18+$0xE700];
	_ =	sdelay $0x4  }
0x359: {  	[tilespmem:$0x1FCC0] =	vst v55;
	v55 =	vld [tilespmem:s18+$0xE780];
	_ =	sdelay $0x4  }
0x35a: {  	[tilespmem:$0x1FCD0] =	vst v55;
	v55 =	vld [tilespmem:s18+$0xE800];
	_ =	sdelay $0x4  }
0x35b: {  	[tilespmem:$0x1FCE0] =	vst v55;
	v55 =	vld [tilespmem:s18+$0xE880];
	_ =	sdelay $0x4  }
0x35c: {  	[tilespmem:$0x1FCF0] =	vst v55;
	v55 =	vld [tilespmem:s18+$0xE900];
	_ =	sdelay $0x4  }
0x35d: {  	[tilespmem:$0x1FD00] =	vst v55;
	v55 =	vld [tilespmem:s18+$0xE980];
	_ =	sdelay $0x4  }
0x35e: {  	[tilespmem:$0x1FD10] =	vst v55;
	v55 =	vld [tilespmem:s18+$0xEA00];
	_ =	sdelay $0x4  }
0x35f: {  	[tilespmem:$0x1FD20] =	vst v55;
	v55 =	vld [tilespmem:s18+$0xEA80];
	_ =	sdelay $0x4  }
0x360: {  	[tilespmem:$0x1FD30] =	vst v55;
	v55 =	vld [tilespmem:s18+$0xEB00];
	_ =	sdelay $0x4  }
0x361: {  	[tilespmem:$0x1FD40] =	vst v55;
	v55 =	vld [tilespmem:s18+$0xEB80];
	_ =	sdelay $0x4  }
0x362: {  	[tilespmem:$0x1FD50] =	vst v55;
	v55 =	vld [tilespmem:s18+$0xEC00];
	_ =	sdelay $0x4  }
0x363: {  	[tilespmem:$0x1FD60] =	vst v55;
	v55 =	vld [tilespmem:s18+$0xEC80];
	_ =	sdelay $0x4  }
0x364: {  	[tilespmem:$0x1FD70] =	vst v55;
	v55 =	vld [tilespmem:s18+$0xED00]  }
0x365: {  	v44 =	vld [tilespmem:s18+$0xE080];
	_ =	sdelay $0x3  }
0x366: {  	[tilespmem:$0x1FD80] =	vst v55;
	v55 =	vld [tilespmem:s18+$0xED80]  }
0x367: {  	[tilespmem:$0x1FBF0] =	vst v44;
	v44 =	vld @!p0 [tilespmem:s16+$0x180];
	_ =	sdelay $0x3  }
0x368: {  	[tilespmem:$0x1FD90] =	vst v55;
	v55 =	vld [tilespmem:s18+$0xEE00]  }
0x369: {  	(v2sf) =	vpush @!p0 v44, $0x0;
	_ =	sdelay $0x3  }
0x36a: {  	[tilespmem:$0x1FDA0] =	vst v55;
	v55 =	vld [tilespmem:s18+$0xEE80];
	_ =	sdelay $0x4  }
0x36b: {  	[tilespmem:$0x1FDB0] =	vst v55;
	v55 =	vld [tilespmem:s18+$0xEF00];
	_ =	sdelay $0x2  }
0x36c: {  	s17 =	sadd.s32 $0x20, s17;
	v45 =	vld [tilespmem:s18+$0xE580]  }
0x36d: {  	v42 =	vld [tilespmem:s17+$0x0]  }
0x36e: {  	[tilespmem:$0x1FDC0] =	vst v55;
	v55 =	vld [tilespmem:s18+$0xEF80]  }
0x36f: {  	v40 =	vld [tilespmem:s17+$0xFFFFFFF0];
	s19 =	sadd.s32 $0x20, s17;
	s17 =	spop @!p0 (v2sf)  }
0x370: {  	s22 =	simm.s32 @!p0 $0xE000;
	v54 =	vld [tilespmem:s18+$0xE000];
	s17 =	sand.u32 @!p0 $0xFFFFF80, s17  }
0x371: {  	[tilespmem:$0x1FC90] =	vst v45;
	v45 =	vld [tilespmem:s19+$0xFFFFFFF0];
	s21 =	sadd.s32 @!p0 s2, s17;
	s17 =	simm.s32 @!p0 $0x400;
	s18 =	simm.s32 @!p0 $0x7A1400  }
0x372: {  	v44 =	vld [tilespmem:s19+$0x0];
	[tilespmem:s22], [sflag:$0x2] =	stream.strided.gather @!p0 [hbm4b:s21+s17], $0x1000, s18, s17, $0x38  }
0x373: {  	[tilespmem:$0x1FDD0] =	vst v55;
	v55 =	vld @!p0 [tilespmem:s16+$0x190];
	_ =	sdelay $0x4  }
0x374: {  	(v2sf) =	vpush @!p0 v55, $0x0;
	_ =	sdelay $0xe  }
0x375: {  	s19 =	spop @!p0 (v2sf)  }
0x376: {  	s19 =	sand.u32 @!p0 $0xFFFFF80, s19  }
0x377: {  	s21 =	simm.s32 @!p0 $0xF000;
	s19 =	sadd.s32 @!p0 s2, s19  }
0x378: {  	[tilespmem:s21], [sflag:$0x2] =	stream.strided.gather @!p0 [hbm4b:s19+s17], $0x1000, s18, s17, $0x38;
	[tilespmem:$0x16080] =	vst v63  }
0x379: {  	v55 =	vld @!p0 [tilespmem:s16+$0x1A0];
	_ =	sdelay $0x4  }
0x37a: {  	(v2sf) =	vpush @!p0 v55, $0x0;
	v55 =	vadd.f32 v63, v59  }
0x37b: {  	v57 =	vadd.f32 v57, v58;
	v56 =	vmul.f32 v56, v56;
	v63 =	vmul.f32 v12, v4  }
0x37c: {  	v55 =	vadd.f32 v62, v55  }
0x37d: {  	v56 =	vadd.f32 v57, v56;
	v62 =	vmul.f32 v63, v63;
	v63 =	vmul.f32 v11, v4  }
0x37e: {  	v6 =	vmul.f32 v6, v60;
	v55 =	vadd.f32 v61, v55;
	v61 =	vbroadcast v33, $0x7  }
0x37f: {  	v56 =	vadd.f32 v56, v62;
	v62 =	vmul.f32 v63, v63;
	v63 =	vmul.f32 v41, v4  }
0x380: {  	v58 =	vmul.f32 v43, v4;
	v8 =	vmul.f32 v8, v61  }
0x381: {  	v6 =	vadd.f32 v6, v55;
	v55 =	vbroadcast v33, $0x8;
	v57 =	vmul.f32 v63, v63  }
0x382: {  	v56 =	vadd.f32 v56, v62;
	v62 =	vmul.f32 v58, v58;
	v63 =	vmul.f32 v46, v4  }
0x383: {  	v59 =	vmov v46;
	v46 =	vmul.f32 v47, v4;
	v17 =	vmul.f32 v17, v55  }
0x384: {  	v61 =	vmovc v43;
	v6 =	vadd.f32 v8, v6;
	v8 =	vbroadcast v33, $0x9;
	v43 =	vmul.f32 v63, v63  }
0x385: {  	v60 =	vadd.f32 v56, v57;
	v46 =	vmul.f32 v46, v46;
	v55 =	vmul.f32 v49, v4  }
0x386: {  	v8 =	vmul.f32 v9, v8;
	v6 =	vadd.f32 v17, v6;
	v9 =	vbroadcast v33, $0xA  }
0x387: {  	v63 =	vmul.f32 v50, v4;
	v17 =	vadd.f32 v60, v62;
	v62 =	vmul.f32 v55, v55  }
0x388: {  	v9 =	vmul.f32 v14, v9;
	v6 =	vadd.f32 v8, v6;
	v8 =	vbroadcast v33, $0xB  }
0x389: {  	v60 =	vmovc v47;
	v43 =	vadd.f32 v17, v43;
	v47 =	vmul.f32 v48, v4;
	v17 =	vmul.f32 v51, v4  }
0x38a: {  	v5 =	vmul.f32 v5, v8;
	v8 =	vbroadcast v33, $0xC  }
0x38b: {  	v57 =	vmovc v48;
	v6 =	vadd.f32 v9, v6;
	v9 =	vadd.f32 v43, v46;
	v48 =	vmul.f32 v47, v47;
	s19 =	spop @!p0 (v2sf)  }
0x38c: {  	v43 =	vmul.f32 v40, v40;
	v46 =	vbroadcast v40, $0x1;
	s19 =	sand.u32 @!p0 $0xFFFFF80, s19  }
0x38d: {  	s21 =	simm.s32 @!p0 $0x10000;
	v47 =	vbroadcast v40, $0x2;
	v58 =	vadd.f32 v9, v48;
	v9 =	vbroadcast v33, $0xD;
	s19 =	sadd.s32 @!p0 s2, s19  }
0x38e: {  	v8 =	vmul.f32 v20, v8;
	v5 =	vadd.f32 v5, v6;
	v20 =	vbroadcast v33, $0xF;
	[tilespmem:s21], [sflag:$0x2] =	stream.strided.gather @!p0 [hbm4b:s19+s17], $0x1000, s18, s17, $0x38;
	[tilespmem:$0x16080] =	vst v63  }
0x38f: {  	v7 =	vmul.f32 v7, v9;
	v9 =	vbroadcast v33, $0xE;
	v56 =	vld @!p0 [tilespmem:s16+$0x1B0]  }
0x390: {  	v5 =	vadd.f32 v8, v5;
	v6 =	vadd.f32 v58, v62;
	v8 =	vmul.f32 v63, v63  }
0x391: {  	s22 =	sand.u32 $0xF, s20;
	v33 =	vmul.f32 v52, v4;
	v9 =	vmul.f32 v24, v9  }
0x392: {  	v6 =	vadd.f32 v6, v8;
	v8 =	vmul.f32 v17, v17;
	v24 =	vmov s22  }
0x393: {  	v5 =	vadd.f32 v7, v5;
	v7 =	vmul.f32 v10, v20;
	v10 =	vcvt.s32.f32 v24  }
0x394: {  	v6 =	vadd.f32 v6, v8;
	v8 =	vmul.f32 v33, v33;
	(v2sf) =	vpush @!p0 v56, $0x0  }
0x395: {  	v5 =	vadd.f32 v9, v5;
	v9 =	vmul.f32 v38, v2;
	v2 =	vbroadcast v10, $0x0  }
0x396: {  	v14 =	vmul.f32 v32, v46;
	v10 =	vbroadcast v40, $0x0  }
0x397: {  	v6 =	vadd.f32 v6, v8;
	v8 =	vmul.f32 v53, v4;
	v2 =	vsub.f32 v0, v2  }
0x398: {  	v48 =	vbroadcast v40, $0x3;
	v10 =	vmul.f32 v35, v10  }
0x399: {  	v5 =	vadd.f32 v7, v5;
	v8 =	vmul.f32 v8, v8;
	v2 =	vand.u32 $0x7FFFFFFF, v2  }
0x39a: {  	v17 =	vmul.f32 v37, v47;
	v47 =	vld [tilespmem:$0x1FBF0];
	v10 =	vadd.f32 $0.0e+00, v10;
	v2 =	vsub.f32 $1.000000000e+00, v2  }
0x39b: {  	v46 =	vld [tilespmem:$0x1FC10];
	v7 =	vadd.f32 v43, v39;
	v6 =	vadd.f32 v6, v8;
	v8 =	vmul.f32 v42, v42  }
0x39c: {  	v10 =	vadd.f32 v14, v10;
	v2 =	vmax.f32 v2, $0.0e+00  }
0x39d: {  	v7 =	vadd.f32 v8, v7;
	v8 =	vmul.f32 v34, v48;
	v48 =	vmovc v54;
	v56 =	vmul.f32 v2, v54;
	v54 =	vld [tilespmem:$0x1FC00]  }
0x39e: {  	v55 =	vbroadcast v40, $0x4;
	v63 =	vbroadcast v40, $0x5  }
0x39f: {  	v38 =	vbroadcast v40, $0x6;
	v58 =	vmul.f32 v2, v47;
	v10 =	vadd.f32 v17, v10  }
0x3a0: {  	v9 =	vadd.f32 v9, v9;
	v14 =	vmul.f32 v36, v55;
	v43 =	vmul.f32 v2, v46  }
0x3a1: {  	v62 =	vmul.f32 v56, v56;
	v36 =	vmul.f32 v58, v58;
	v8 =	vadd.f32 v8, v10  }
0x3a2: {  	v6 =	vadd.f32 v6, v7;
	v10 =	vmul.f32 v43, v43;
	v43 =	vld [tilespmem:$0x1FC20];
	v37 =	vmul.f32 v2, v54  }
0x3a3: {  	v19 =	vmul.f32 v19, v63;
	v7 =	vadd.f32 v36, v62;
	v8 =	vadd.f32 v14, v8;
	v36 =	vld [tilespmem:$0x1FC50];
	s19 =	spop @!p0 (v2sf)  }
0x3a4: {  	v3 =	vsub.f32 v3, v9;
	v9 =	vmul.f32 v16, v38;
	v39 =	vmul.f32 v37, v37;
	s19 =	sand.u32 @!p0 $0xFFFFF80, s19  }
0x3a5: {  	s20 =	simm.s32 @!p0 $0x11000;
	v1 =	vmul.f32 v5, v1;
	v55 =	vbroadcast v40, $0x7;
	v8 =	vadd.f32 v19, v8;
	v37 =	vld [tilespmem:$0x1FC40];
	s19 =	sadd.s32 @!p0 s2, s19  }
0x3a6: {  	v34 =	vbroadcast v40, $0xA;
	v58 =	vbroadcast v40, $0x8;
	v7 =	vadd.f32 v7, v39;
	v39 =	vld [tilespmem:$0x1FC30];
	[tilespmem:s20], [sflag:$0x2] =	stream.strided.gather @!p0 [hbm4b:s19+s17], $0x1000, s18, s17, $0x38  }
0x3a7: {  	v62 =	vmul.f32 v15, v55;
	v55 =	vbroadcast v40, $0xB;
	v8 =	vadd.f32 v9, v8;
	v32 =	vld @!p0 [tilespmem:s16+$0x1C0]  }
0x3a8: {  	v56 =	vmul.f32 v2, v43;
	v35 =	vmul.f32 v36, v2  }
0x3a9: {  	v8 =	vadd.f32 v62, v8;
	v7 =	vadd.f32 v7, v10;
	v10 =	vmul.f32 v21, v58  }
0x3aa: {  	v24 =	vmul.f32 v56, v56;
	v38 =	vmul.f32 v35, v35;
	v21 =	vld [tilespmem:$0x1FC60]  }
0x3ab: {  	v58 =	vbroadcast v40, $0xC;
	v33 =	vmul.f32 v2, v37;
	v8 =	vadd.f32 v10, v8  }
0x3ac: {  	v10 =	vmul.f32 v22, v55;
	v63 =	vmul.f32 v2, v39;
	(v2sf) =	vpush @!p0 v32, $0x0  }
0x3ad: {  	v7 =	vadd.f32 v7, v24;
	v24 =	vld [tilespmem:$0x1FC70];
	v22 =	vbroadcast v40, $0xD;
	v16 =	vmul.f32 v33, v33  }
0x3ae: {  	v35 =	vld [tilespmem:$0x1FC80];
	v33 =	vbroadcast v45, $0x0;
	v15 =	vmul.f32 v63, v63  }
0x3af: {  	v56 =	vmul.f32 v21, v2;
	v32 =	vbroadcast v40, $0x9  }
0x3b0: {  	v63 =	vmul.f32 v28, v58;
	v7 =	vadd.f32 v7, v15;
	v15 =	vmul.f32 v25, v34;
	v34 =	vld [tilespmem:$0x1FC90]  }
0x3b1: {  	v28 =	vbroadcast v40, $0xE;
	v9 =	vmul.f32 v18, v32  }
0x3b2: {  	v58 =	vbroadcast v42, $0x0;
	v62 =	vmul.f32 v24, v2;
	v32 =	vld [tilespmem:$0x1FCA0];
	v7 =	vadd.f32 v7, v16  }
0x3b3: {  	v25 =	vmul.f32 v35, v2;
	v16 =	vmul.f32 v56, v56;
	v8 =	vadd.f32 v9, v8  }
0x3b4: {  	v9 =	vmul.f32 v62, v62;
	v7 =	vadd.f32 v7, v38;
	v38 =	vmul.f32 v26, v22  }
0x3b5: {  	v26 =	vbroadcast v42, $0x1;
	v8 =	vadd.f32 v15, v8;
	v55 =	vmul.f32 v34, v2  }
0x3b6: {  	v15 =	vmul.f32 v48, v33;
	v7 =	vadd.f32 v7, v16;
	v16 =	vmul.f32 v25, v25  }
0x3b7: {  	v56 =	vmul.f32 v32, v2;
	v25 =	vbroadcast v45, $0x6;
	v8 =	vadd.f32 v10, v8  }
0x3b8: {  	v10 =	vbroadcast v40, $0xF;
	v7 =	vadd.f32 v7, v9;
	v9 =	vmul.f32 v31, v28;
	v31 =	vld [tilespmem:$0x1FCB0]  }
0x3b9: {  	v17 =	vmul.f32 v55, v55;
	v40 =	vbroadcast v45, $0x2;
	v28 =	vld [tilespmem:$0x1FCC0]  }
0x3ba: {  	v55 =	vbroadcast v45, $0x3;
	v8 =	vadd.f32 v63, v8;
	v10 =	vmul.f32 v27, v10  }
0x3bb: {  	v63 =	vmul.f32 v29, v58;
	v29 =	vbroadcast v42, $0x2;
	v7 =	vadd.f32 v7, v16;
	s19 =	spop @!p0 (v2sf)  }
0x3bc: {  	v16 =	vmul.f32 v56, v56;
	v56 =	vbroadcast v45, $0x4;
	v8 =	vadd.f32 v38, v8;
	s19 =	sand.u32 @!p0 $0xFFFFF80, s19  }
0x3bd: {  	s20 =	simm.s32 @!p0 $0x12000;
	v58 =	vbroadcast v42, $0x4;
	v7 =	vadd.f32 v7, v17;
	v62 =	vmul.f32 v31, v2;
	s19 =	sadd.s32 @!p0 s2, s19  }
0x3be: {  	v22 =	vld [tilespmem:$0x1FCF0];
	v17 =	vmul.f32 v43, v56;
	v27 =	vmul.f32 v28, v2;
	v8 =	vadd.f32 v9, v8;
	[tilespmem:s20], [sflag:$0x2] =	stream.strided.gather @!p0 [hbm4b:s19+s17], $0x1000, s18, s17, $0x38  }
0x3bf: {  	v9 =	vmul.f32 v23, v26;
	v7 =	vadd.f32 v7, v16;
	v14 =	vmul.f32 v62, v62;
	v18 =	vld @!p0 [tilespmem:s16+$0x1D0]  }
0x3c0: {  	v23 =	vbroadcast v45, $0x5;
	v8 =	vadd.f32 v10, v8;
	v10 =	vbroadcast v45, $0x1  }
0x3c1: {  	v16 =	vmul.f32 v27, v27;
	v7 =	vadd.f32 v7, v14;
	v14 =	vmul.f32 v30, v29  }
0x3c2: {  	v15 =	vadd.f32 $0.0e+00, v15;
	v10 =	vmul.f32 v47, v10;
	v47 =	vbroadcast v42, $0x3  }
0x3c3: {  	v8 =	vadd.f32 v63, v8;
	v63 =	vmul.f32 v22, v2;
	v29 =	vbroadcast v42, $0x5  }
0x3c4: {  	v10 =	vadd.f32 v10, v15;
	(v2sf) =	vpush @!p0 v18, $0x0;
	v18 =	vmul.f32 v54, v40  }
0x3c5: {  	v27 =	vld [tilespmem:$0x1FCD0];
	v13 =	vmul.f32 v13, v47;
	v15 =	vmul.f32 v46, v55;
	v8 =	vadd.f32 v9, v8  }
0x3c6: {  	v20 =	vld [tilespmem:$0x1FD30];
	v9 =	vmul.f32 v12, v58;
	v30 =	vmul.f32 v63, v63;
	v10 =	vadd.f32 v18, v10  }
0x3c7: {  	v12 =	vmul.f32 v37, v25;
	v37 =	vbroadcast v45, $0x7  }
0x3c8: {  	v26 =	vld [tilespmem:$0x1FCE0];
	v11 =	vmul.f32 v11, v29;
	v46 =	vbroadcast v45, $0x9;
	v10 =	vadd.f32 v15, v10  }
0x3c9: {  	v47 =	vbroadcast v42, $0x7;
	v58 =	vbroadcast v45, $0xB  }
0x3ca: {  	v25 =	vld [tilespmem:$0x1FD00];
	v38 =	vmul.f32 v27, v2;
	v15 =	vmul.f32 v39, v23;
	v10 =	vadd.f32 v17, v10  }
0x3cb: {  	v63 =	vmul.f32 v20, v2;
	v29 =	vbroadcast v42, $0x8  }
0x3cc: {  	v8 =	vadd.f32 v14, v8;
	v48 =	vmul.f32 v38, v38;
	v10 =	vadd.f32 v15, v10  }
0x3cd: {  	v7 =	vadd.f32 v7, v16;
	v38 =	vbroadcast v45, $0x8;
	v54 =	vmul.f32 v26, v2  }
0x3ce: {  	v8 =	vadd.f32 v13, v8;
	v15 =	vmul.f32 v36, v37;
	v10 =	vadd.f32 v12, v10  }
0x3cf: {  	v7 =	vadd.f32 v7, v48;
	v33 =	vmul.f32 v25, v2;
	v14 =	vmul.f32 v21, v38  }
0x3d0: {  	v48 =	vbroadcast v45, $0xA;
	v62 =	vmul.f32 v54, v54;
	v10 =	vadd.f32 v15, v10  }
0x3d1: {  	v8 =	vadd.f32 v9, v8;
	v9 =	vmul.f32 v61, v47;
	v61 =	vmul.f32 v34, v58  }
0x3d2: {  	v47 =	vbroadcast v42, $0xB;
	v15 =	vmul.f32 v24, v46;
	v10 =	vadd.f32 v14, v10  }
0x3d3: {  	v58 =	vbroadcast v44, $0x3;
	v40 =	vmul.f32 v33, v33;
	s19 =	spop @!p0 (v2sf)  }
0x3d4: {  	v21 =	vld [tilespmem:$0x1FD10];
	v56 =	vmul.f32 v35, v48;
	v35 =	vbroadcast v45, $0xF;
	s19 =	sand.u32 @!p0 $0xFFFFF80, s19;
	v10 =	vadd.f32 v15, v10  }
0x3d5: {  	s20 =	simm.s32 @!p0 $0x13000;
	v48 =	vbroadcast v44, $0x2;
	v7 =	vadd.f32 v7, v62;
	v39 =	vbroadcast v42, $0x6;
	s19 =	sadd.s32 @!p0 s2, s19  }
0x3d6: {  	v33 =	vld [tilespmem:$0x1FD40];
	v62 =	vbroadcast v45, $0xC;
	v23 =	vbroadcast v45, $0xD;
	[tilespmem:s20], [sflag:$0x2] =	stream.strided.gather @!p0 [hbm4b:s19+s17], $0x1000, s18, s17, $0x38;
	v10 =	vadd.f32 v56, v10  }
0x3d7: {  	v8 =	vadd.f32 v11, v8;
	v38 =	vmul.f32 v27, v35;
	v27 =	vbroadcast v42, $0xD;
	v15 =	vld @!p0 [tilespmem:s16+$0x1E0]  }
0x3d8: {  	v35 =	vbroadcast v44, $0x8;
	v11 =	vmul.f32 v32, v62;
	v10 =	vadd.f32 v61, v10  }
0x3d9: {  	v7 =	vadd.f32 v7, v30;
	v43 =	vmul.f32 v21, v2;
	v30 =	vbroadcast v42, $0x9  }
0x3da: {  	v32 =	vbroadcast v45, $0xE;
	v14 =	vmul.f32 v31, v23;
	v10 =	vadd.f32 v11, v10  }
0x3db: {  	v54 =	vmul.f32 v43, v43;
	v34 =	vmul.f32 v33, v2  }
0x3dc: {  	(v2sf) =	vpush @!p0 v15, $0x0;
	v15 =	vmul.f32 v28, v32;
	v10 =	vadd.f32 v14, v10  }
0x3dd: {  	v7 =	vadd.f32 v7, v40;
	v36 =	vmul.f32 v59, v29;
	v37 =	vmul.f32 v60, v30;
	v40 =	vld [tilespmem:$0x1FD50]  }
0x3de: {  	v29 =	vld [tilespmem:$0x1FD80];
	v12 =	vmul.f32 v41, v39;
	v39 =	vbroadcast v44, $0x0;
	v10 =	vadd.f32 v15, v10  }
0x3df: {  	v59 =	vmul.f32 v49, v47;
	v60 =	vmul.f32 v21, v58;
	v7 =	vadd.f32 v7, v54  }
0x3e0: {  	v54 =	vld [tilespmem:$0x1FD60];
	v43 =	vmul.f32 v26, v39;
	v46 =	vbroadcast v44, $0x1;
	v10 =	vadd.f32 v38, v10  }
0x3e1: {  	v49 =	vbroadcast v44, $0xC;
	v24 =	vld [tilespmem:$0x1FD20];
	v8 =	vadd.f32 v12, v8;
	v26 =	vbroadcast v42, $0xC  }
0x3e2: {  	v39 =	vbroadcast v42, $0xE;
	v17 =	vmul.f32 v22, v46;
	v10 =	vadd.f32 v43, v10  }
0x3e3: {  	v41 =	vmul.f32 v40, v2;
	v30 =	vmul.f32 v29, v2;
	v8 =	vadd.f32 v9, v8  }
0x3e4: {  	v9 =	vbroadcast v42, $0xA;
	v46 =	vld [tilespmem:$0x1FDA0];
	v56 =	vmul.f32 v25, v48;
	v10 =	vadd.f32 v17, v10  }
0x3e5: {  	v42 =	vbroadcast v42, $0xF;
	v18 =	vmul.f32 v54, v35;
	v8 =	vadd.f32 v36, v8  }
0x3e6: {  	v55 =	vmul.f32 v24, v2;
	v61 =	vbroadcast v44, $0x4;
	v10 =	vadd.f32 v56, v10  }
0x3e7: {  	v9 =	vmul.f32 v57, v9;
	v25 =	vbroadcast v44, $0x5;
	v8 =	vadd.f32 v37, v8  }
0x3e8: {  	v16 =	vmul.f32 v55, v55;
	v24 =	vmul.f32 v24, v61;
	v10 =	vadd.f32 v60, v10  }
0x3e9: {  	v62 =	vld [tilespmem:$0x1FD70];
	v55 =	vmul.f32 v54, v2;
	v47 =	vmul.f32 v46, v2;
	v8 =	vadd.f32 v9, v8  }
0x3ea: {  	v36 =	vld [tilespmem:$0x1FD90];
	v28 =	vbroadcast v44, $0x6;
	v17 =	vmul.f32 v20, v25;
	v10 =	vadd.f32 v24, v10  }
0x3eb: {  	v9 =	vmul.f32 v50, v26;
	v7 =	vadd.f32 v7, v16;
	v11 =	vmul.f32 v63, v63;
	s19 =	spop @!p0 (v2sf)  }
0x3ec: {  	v32 =	vbroadcast v44, $0x7;
	v31 =	vmul.f32 v33, v28;
	s19 =	sand.u32 @!p0 $0xFFFFF80, s19;
	v10 =	vadd.f32 v17, v10  }
0x3ed: {  	s20 =	simm.s32 @!p0 $0x14000;
	v50 =	vmul.f32 v53, v42;
	v8 =	vadd.f32 v59, v8;
	v7 =	vadd.f32 v7, v11;
	s19 =	sadd.s32 @!p0 s2, s19  }
0x3ee: {  	v11 =	vmul.f32 v34, v34;
	v34 =	vmul.f32 v40, v32;
	[tilespmem:s20], [sflag:$0x2] =	stream.strided.gather @!p0 [hbm4b:s19+s17], $0x1000, s18, s17, $0x38;
	v10 =	vadd.f32 v31, v10;
	[tilespmem:$0x16080] =	vst v63  }
0x3ef: {  	v1 =	vadd.f32 v1, v1;
	v37 =	vmul.f32 v36, v2;
	v63 =	vmul.f32 v62, v2;
	v17 =	vld @!p0 [tilespmem:s16+$0x1F0]  }
0x3f0: {  	v8 =	vadd.f32 v9, v8;
	v38 =	vbroadcast v44, $0x9;
	v10 =	vadd.f32 v34, v10  }
0x3f1: {  	v7 =	vadd.f32 v7, v11;
	v11 =	vmul.f32 v41, v41;
	v41 =	vbroadcast v44, $0xA  }
0x3f2: {  	v9 =	vmul.f32 v52, v39;
	v40 =	vmul.f32 v62, v38;
	v10 =	vadd.f32 v18, v10  }
0x3f3: {  	v7 =	vadd.f32 v7, v11;
	v11 =	vmul.f32 v55, v55;
	v16 =	vmul.f32 v29, v41  }
0x3f4: {  	v52 =	vld [tilespmem:$0x1FDB0];
	v43 =	vbroadcast v44, $0xB;
	(v2sf) =	vpush @!p0 v17, $0x0;
	v10 =	vadd.f32 v40, v10  }
0x3f5: {  	v33 =	vmul.f32 v51, v27;
	v7 =	vadd.f32 v7, v11;
	v11 =	vmul.f32 v63, v63  }
0x3f6: {  	v51 =	vbroadcast v44, $0xD;
	v48 =	vmul.f32 v36, v43;
	v10 =	vadd.f32 v16, v10  }
0x3f7: {  	v15 =	vmul.f32 v46, v49;
	v7 =	vadd.f32 v7, v11;
	v11 =	vmul.f32 v30, v30;
	v56 =	vld [tilespmem:$0x1FDC0]  }
0x3f8: {  	v8 =	vadd.f32 v33, v8;
	v55 =	vbroadcast v44, $0xE;
	v10 =	vadd.f32 v48, v10  }
0x3f9: {  	v58 =	vld [tilespmem:$0x1FDD0];
	v53 =	vmul.f32 v52, v2;
	v7 =	vadd.f32 v7, v11;
	v11 =	vmul.f32 v37, v37  }
0x3fa: {  	v54 =	vmul.f32 v52, v51;
	v8 =	vadd.f32 v9, v8;
	v10 =	vadd.f32 v15, v10  }
0x3fb: {  	v9 =	vbroadcast v44, $0xF;
	v7 =	vadd.f32 v7, v11;
	v11 =	vmul.f32 v47, v47  }
0x3fc: {  	v12 =	vmul.f32 v53, v53;
	v13 =	vmul.f32 v56, v55;
	v5 =	vadd.f32 v54, v10  }
0x3fd: {  	v8 =	vadd.f32 v50, v8;
	v7 =	vadd.f32 v7, v11;
	v57 =	vmul.f32 v56, v2  }
0x3fe: {  	v59 =	vmul.f32 v58, v2;
	v9 =	vmul.f32 v58, v9;
	v5 =	vadd.f32 v13, v5  }
0x3ff: {  	v61 =	vmul.f32 v8, v4;
	v7 =	vadd.f32 v7, v12;
	v11 =	vmul.f32 v57, v57  }
0x400: {  	p1 =	sne.s32 @!p0 s15, $0x20;
	v1 =	vsub.f32 v3, v1;
	v10 =	vmul.f32 v45, v45;
	v5 =	vadd.f32 v9, v5  }
0x401: {  	p1 =	por p0, !p1;
	v8 =	vmul.f32 v59, v59;
	v3 =	vadd.f32 v61, v61;
	v7 =	vadd.f32 v7, v11  }
.Ltmp2:
0x402: {  	v60 =	vmul.f32 v44, v44;
	v6 =	vadd.f32 v10, v6;
	v2 =	vmul.f32 v5, v2;
	(pc) =	sbr.rel @!p1 .LBB2_2-.Ltmp2, $4  }
0x403: {  	s9 =	sadd.s32 @!p0 $0x200, s9;
	v1 =	vsub.f32 v1, v3;
	v62 =	vadd.f32 v7, v8;
	s16 =	spop @!p0 (v2sf)  }
0x404: {  	s14 =	sadd.s32 @!p0 $0x100, s14;
	s12 =	sadd.s32 @!p0 $0x200, s12;
	v63 =	vadd.f32 v60, v6;
	s16 =	sand.u32 @!p0 $0xFFFFF80, s16;
	v2 =	vadd.f32 v2, v2  }
0x405: {  	s13 =	sadd.s32 @!p0 $0x100, s13;
	s19 =	simm.s32 @!p0 $0x15000;
	s16 =	sadd.s32 @!p0 s2, s16  }
0x406: {  	v11 =	vadd.f32 v62, v63;
	[tilespmem:s19], [sflag:$0x2] =	stream.strided.gather @!p0 [hbm4b:s16+s17], $0x1000, s18, s17, $0x38;
	v1 =	vsub.f32 v1, v2;
	[tilespmem:$0x16080] =	vst v63  }
0x407: {  	_ = 	snop  }
0x408: {  	s0 =	sadd.s32 $0x1, s0;
	v1 =	vadd.f32 v1, v11  }
0x409: {  	p0 =	sne.s32 s0, s7  }
.Ltmp3:
0x40a: {  	[tilespmem:$0x16000] =	vst v1;
	(pc) =	sbr.rel @p0 .LBB2_1-.Ltmp3, $4  }
0x40b: {  	[hbm4b:s6+s3] =	stream.linear.scatter [tilespmem:s1], [sflag:$0x4], $0x10, $0x38;
	[tilespmem:$0x16080] =	vst v63  }
0x40c: {  	_ =	swait.ge [sflag:s8], $0x10  }
0x40d: {  	[sflag:s8] =	ssyncset.done $0x0  }
0x40e: {  	[sflag:s8] =	ssyncadd.s32 $0xFFFFFFF0  }
0x40f: {  	_ =	sfence.sel $0x180000  }
0x410: {  	[bflag:$0x0] =	sbarrier.arrive $0xFFFF  }
0x411: {  	_ =	strace $0x90000047  }
0x412: {  	s0 =	stileid.u32;
	[bflag:$0x2] =	sbarrier.arrive $0xFFFF  }
0x413: {  	p0 =	sne.s32 s0, $0x0;
	s0 =	rddreg [dreg:$0x2]  }
0x414: {  	s0 =	sadd.s32 @!p0 $0x100000, s0  }
0x415: {  	[sflag:s0] =	ssyncadd.tile.s32 @!p0 $0x1;
	_ =	shalt  }
.Lfunc_end2:
_tile_overlayer_lowered:
.L_overlay_start_2:
0x416: {  	(tag) =	ssettag $0x2  }
0x417: {  	s0 =	rddreg [dreg:$0x0];
	s2 =	stileid.u32  }
0x418: {  	s1 =	rddreg [dreg:$0x1];
	p0 =	sne.s32 s2, $0x0  }
0x419: {  	s3 =	rddreg [dreg:$0x2];
	[bflag:$0x3] =	sbarrier.arrive $0xFFFF;
	s2 =	simm.s32 @!p0 $0x1C04  }
0x41a: {  	[timem:s3], [sflag:s2] =	dma.local @!p0 [hbm:s0], s1  }
0x41b: {  	s0 =	simm.s32 @!p0 $0x4  }
0x41c: {  	_ =	swait.ge @!p0 [sflag:s0], s1  }
0x41d: {  	s1 =	ssub.s32 @!p0 $0x0, s1;
	[sflag:s0] =	ssyncset.done @!p0 $0x0  }
0x41e: {  	[sflag:s0] =	ssyncadd.s32 @!p0 s1  }
0x41f: {  	[bflag:$0x3] =	sbarrier.arrive $0xFFFF  }
0x420: {  	_ =	shalt  }

</sc_bundles>
